<compile_context>
chip_gen: v7x
topology: tpu7x:2x2x1
jax: 0.10.2.dev20260603
libtpu: 0.0.44.dev20260713+nightly
codegen_flags: <defaults>
</compile_context>

<pallas_src>
import functools

import jax
import jax.numpy as jnp
from jax import lax
from jax.experimental import pallas as pl
from jax.experimental.pallas import tpu as pltpu
from jax.experimental.pallas import tpu_sc as plsc

L = 16
CH = 128
CH2 = 80
BR = 1000


def _prep_body(f_ref, wdt_ref, w2t_ref, b_ref, a_ref, bt_ref):
    f = f_ref[...]
    a_ref[...] = (
        jnp.dot(f, wdt_ref[...], preferred_element_type=jnp.float32) + b_ref[...]
    )
    bt_ref[...] = jnp.dot(f, w2t_ref[...], preferred_element_type=jnp.float32)


def _prep(feature, wdt, w2t, b2d):
    n, d = feature.shape
    grid = (n // BR,)
    return pl.pallas_call(
        _prep_body,
        grid=grid,
        in_specs=[
            pl.BlockSpec((BR, d), lambda i: (i, 0)),
            pl.BlockSpec((d, d), lambda i: (0, 0)),
            pl.BlockSpec((d, d), lambda i: (0, 0)),
            pl.BlockSpec((1, d), lambda i: (0, 0)),
        ],
        out_specs=[
            pl.BlockSpec((BR, d), lambda i: (i, 0)),
            pl.BlockSpec((BR, d), lambda i: (i, 0)),
        ],
        out_shape=[jax.ShapeDtypeStruct((n, d), jnp.float32)] * 2,
    )(feature, wdt, w2t, b2d)


def _stats(sums, sq, gamma2d, beta2d, num_edges):
    nw, d = sums.shape

    def body(s_ref, q_ref, g_ref, be_ref, st_ref):
        mean = jnp.sum(s_ref[...], axis=0, keepdims=True) / num_edges
        ex2 = jnp.sum(q_ref[...], axis=0, keepdims=True) / num_edges
        var = ex2 - mean * mean
        s = g_ref[...] * lax.rsqrt(var + 1e-5)
        t = be_ref[...] - mean * s
        st_ref[...] = jnp.concatenate([s, t], axis=0)

    return pl.pallas_call(
        body,
        out_shape=jax.ShapeDtypeStruct((2, d), jnp.float32),
    )(sums, sq, gamma2d, beta2d)


def _count(dst, n):
    e = dst.shape[0]
    eb = 2000
    grid = (e // eb,)
    dst3 = dst.reshape(e // eb, 1, eb)

    def body(d_ref, o_ref):
        i = pl.program_id(0)
        idx = d_ref[0, 0, :]
        hi = (idx >> 7).astype(jnp.int32)
        lo = (idx & 127).astype(jnp.int32)
        cols = lax.broadcasted_iota(jnp.int32, (eb, 128), 1)
        oh_hi = (hi[:, None] == cols).astype(jnp.float32)
        oh_lo = (lo[:, None] == cols).astype(jnp.float32)
        blk = lax.dot_general(
            oh_hi, oh_lo, (((0,), (0,)), ((), ())),
            preferred_element_type=jnp.float32,
        )

        @pl.when(i == 0)
        def _():
            o_ref[...] = jnp.zeros_like(o_ref)

        o_ref[...] += blk

    cnt2d = pl.pallas_call(
        body,
        grid=grid,
        in_specs=[pl.BlockSpec((1, 1, eb), lambda i: (i, 0, 0))],
        out_specs=pl.BlockSpec((128, 128), lambda i: (0, 0)),
        out_shape=jax.ShapeDtypeStruct((128, 128), jnp.float32),
    )(dst3)
    return cnt2d.reshape(-1)[:n].reshape(n, 1)


def _finalize(p0, p1, cnt2):
    n, d = p0.shape
    grid = (n // BR,)

    def body(p0_ref, p1_ref, c_ref, o_ref):
        p = p0_ref[...] + p1_ref[...]
        cnt = jnp.maximum(c_ref[...], 1.0)
        o_ref[...] = p * (1.0 / cnt)

    return pl.pallas_call(
        body,
        grid=grid,
        in_specs=[
            pl.BlockSpec((BR, d), lambda i: (i, 0)),
            pl.BlockSpec((BR, d), lambda i: (i, 0)),
            pl.BlockSpec((BR, 1), lambda i: (i, 0)),
        ],
        out_specs=pl.BlockSpec((BR, d), lambda i: (i, 0)),
        out_shape=jax.ShapeDtypeStruct((n, d), jnp.float32),
    )(p0, p1, cnt2)


def _pass1(a_tab, b_tab, src, dst):
    n, d = a_tab.shape
    e = src.shape[0]
    dsub = d // L
    info = plsc.get_sparse_core_info()
    nc, ns = info.num_cores, info.num_subcores
    nw = nc * ns
    epw = e // nw
    nfull = epw // CH
    tail = epw % CH
    npair = nfull // 2
    odd = nfull % 2
    mesh = plsc.VectorSubcoreMesh(core_axis_name="c", subcore_axis_name="s")

    slot_types = [
        pltpu.VMEM((CH,), jnp.int32),
        pltpu.VMEM((CH,), jnp.int32),
        pltpu.VMEM((CH, d), jnp.float32),
        pltpu.VMEM((CH, d), jnp.float32),
        pltpu.SemaphoreType.DMA,
        pltpu.SemaphoreType.DMA,
        pltpu.SemaphoreType.DMA,
        pltpu.SemaphoreType.DMA,
    ]
    tw = tail if tail else 8
    tail_types = [
        pltpu.VMEM((tw,), jnp.int32),
        pltpu.VMEM((tw,), jnp.int32),
        pltpu.VMEM((tw, d), jnp.float32),
        pltpu.VMEM((tw, d), jnp.float32),
    ]

    @functools.partial(
        pl.kernel,
        out_type=[
            jax.ShapeDtypeStruct((nw, d), jnp.float32),
            jax.ShapeDtypeStruct((nw, d), jnp.float32),
        ],
        mesh=mesh,
        scratch_types=slot_types + slot_types + tail_types + [
            pltpu.VMEM((d,), jnp.float32),
            pltpu.VMEM((d,), jnp.float32),
        ],
    )
    def k(a_hbm, b_hbm, src_hbm, dst_hbm, sums_hbm, sq_hbm,
          di0, si0, ra0, rb0, sd0, ss0, sa0, sb0,
          di1, si1, ra1, rb1, sd1, ss1, sa1, sb1,
          dit, sit, rat, rbt, st_s, st_q):
        cid = lax.axis_index("c")
        sid = lax.axis_index("s")
        wid = sid * nc + cid
        base = wid * epw
        slot0 = (di0, si0, ra0, rb0, sd0, ss0, sa0, sb0)
        slot1 = (di1, si1, ra1, rb1, sd1, ss1, sa1, sb1)
        zero = jnp.zeros((L,), jnp.float32)
        init = (zero,) * (2 * dsub)

        def fire_idx(c, sl):
            di, si, _, _, sd, ss, _, _ = sl
            off = base + c * CH
            pltpu.async_copy(dst_hbm.at[pl.ds(off, CH)], di, sd)
            pltpu.async_copy(src_hbm.at[pl.ds(off, CH)], si, ss)

        def wait_idx(sl):
            di, si, _, _, sd, ss, _, _ = sl
            pltpu.make_async_copy(dst_hbm.at[pl.ds(0, CH)], di, sd).wait()
            pltpu.make_async_copy(src_hbm.at[pl.ds(0, CH)], si, ss).wait()

        def fire_gather(sl):
            di, si, ra, rb, _, _, sa, sb = sl
            pltpu.async_copy(a_hbm.at[di], ra, sa)
            pltpu.async_copy(b_hbm.at[si], rb, sb)

        def wait_gather(sl):
            di, si, ra, rb, _, _, sa, sb = sl
            pltpu.make_async_copy(a_hbm.at[di], ra, sa).wait()
            pltpu.make_async_copy(b_hbm.at[si], rb, sb).wait()

        def accum(ra, rb, nrows, carry):
            def row(r, cy):
                s_list = list(cy[:dsub])
                q_list = list(cy[dsub:])
                for kk in range(dsub):
                    a = ra[r, pl.ds(kk * L, L)]
                    bb = rb[r, pl.ds(kk * L, L)]
                    h = a + bb
                    s_list[kk] = s_list[kk] + h
                    q_list[kk] = q_list[kk] + h * h
                return tuple(s_list) + tuple(q_list)

            return lax.fori_loop(0, nrows, row, carry)

        def stage(c, sl, other, carry):
            wait_gather(sl)

            @pl.when(c + 1 < nfull)
            def _():
                wait_idx(other)
                fire_gather(other)

            carry = accum(sl[2], sl[3], CH, carry)

            @pl.when(c + 2 < nfull)
            def _():
                fire_idx(c + 2, sl)

            return carry

        if nfull >= 2:
            fire_idx(0, slot0)
            fire_idx(1, slot1)
            wait_idx(slot0)
            fire_gather(slot0)

            def pair(p, carry):
                carry = stage(2 * p, slot0, slot1, carry)
                return stage(2 * p + 1, slot1, slot0, carry)

            carry = lax.fori_loop(0, npair, pair, init)
            if odd:
                c = nfull - 1
                wait_gather(slot0 if c % 2 == 0 else slot1)
                sl = slot0 if c % 2 == 0 else slot1
                carry = accum(sl[2], sl[3], CH, carry)
        else:
            carry = init
            for c in range(nfull):
                off = base + c * CH
                pltpu.sync_copy(dst_hbm.at[pl.ds(off, CH)], di0)
                pltpu.sync_copy(src_hbm.at[pl.ds(off, CH)], si0)
                pltpu.async_copy(a_hbm.at[di0], ra0, sa0).wait()
                pltpu.async_copy(b_hbm.at[si0], rb0, sb0).wait()
                carry = accum(ra0, rb0, CH, carry)

        if tail:
            off = base + nfull * CH
            pltpu.sync_copy(dst_hbm.at[pl.ds(off, tail)], dit)
            pltpu.sync_copy(src_hbm.at[pl.ds(off, tail)], sit)
            pltpu.sync_copy(a_hbm.at[dit], rat)
            pltpu.sync_copy(b_hbm.at[sit], rbt)
            carry = accum(rat, rbt, tail, carry)

        for kk in range(dsub):
            st_s[pl.ds(kk * L, L)] = carry[kk]
            st_q[pl.ds(kk * L, L)] = carry[dsub + kk]
        pltpu.sync_copy(st_s, sums_hbm.at[wid])
        pltpu.sync_copy(st_q, sq_hbm.at[wid])

    return k(a_tab, b_tab, src, dst)


def _pass2(a_tab, b_tab, src, dst, st, zeros_hbm):
    n, d = a_tab.shape
    e = src.shape[0]
    dsub = d // L
    info = plsc.get_sparse_core_info()
    nc, ns = info.num_cores, info.num_subcores
    nw = nc * ns
    epw = e // nw
    ch = CH2
    nfull = epw // ch
    tail = epw % ch
    npair = nfull // 2
    odd = nfull % 2
    mesh = plsc.VectorSubcoreMesh(core_axis_name="c", subcore_axis_name="s")

    slot_types = [
        pltpu.VMEM((ch,), jnp.int32),
        pltpu.VMEM((ch,), jnp.int32),
        pltpu.VMEM((ch, d), jnp.float32),
        pltpu.VMEM((ch, d), jnp.float32),
        pltpu.SemaphoreType.DMA,
        pltpu.SemaphoreType.DMA,
        pltpu.SemaphoreType.DMA,
        pltpu.SemaphoreType.DMA,
        pltpu.VMEM((ch,), jnp.int32),
        pltpu.SemaphoreType.DMA,
    ]
    tw = tail if tail else 8
    tail_types = [
        pltpu.VMEM((tw,), jnp.int32),
        pltpu.VMEM((tw,), jnp.int32),
        pltpu.VMEM((tw, d), jnp.float32),
        pltpu.VMEM((tw, d), jnp.float32),
    ]

    @functools.partial(
        pl.kernel,
        out_type=jax.ShapeDtypeStruct((nc, n, d), jnp.float32),
        mesh=mesh,
        scratch_types=slot_types + slot_types + tail_types + [
            pltpu.VMEM((2, d), jnp.float32),
            pltpu.VMEM_SHARED((n, d), jnp.float32),
        ],
    )
    def k(a_hbm, b_hbm, src_hbm, dst_hbm, st_hbm, z_hbm, part_hbm,
          di0, si0, ra0, rb0, sd0, ss0, sa0, sb0, dx0, sy0,
          di1, si1, ra1, rb1, sd1, ss1, sa1, sb1, dx1, sy1,
          dit, sit, rat, rbt, stbuf, acc):
        cid = lax.axis_index("c")
        sid = lax.axis_index("s")
        wid = sid * nc + cid
        base = wid * epw
        slot0 = (di0, si0, ra0, rb0, sd0, ss0, sa0, sb0, dx0, sy0)
        slot1 = (di1, si1, ra1, rb1, sd1, ss1, sa1, sb1, dx1, sy1)

        @pl.when(sid == 0)
        def _():
            pltpu.sync_copy(z_hbm, acc)

        pltpu.sync_copy(st_hbm, stbuf)
        svals = [stbuf[0, pl.ds(kk * L, L)] for kk in range(dsub)]
        tvals = [stbuf[1, pl.ds(kk * L, L)] for kk in range(dsub)]
        plsc.subcore_barrier()

        def fire_idx(c, sl):
            di, si, sd, ss = sl[0], sl[1], sl[4], sl[5]
            off = base + c * ch
            pltpu.async_copy(dst_hbm.at[pl.ds(off, ch)], di, sd)
            pltpu.async_copy(src_hbm.at[pl.ds(off, ch)], si, ss)

        def wait_idx(sl):
            di, si, sd, ss = sl[0], sl[1], sl[4], sl[5]
            pltpu.make_async_copy(dst_hbm.at[pl.ds(0, ch)], di, sd).wait()
            pltpu.make_async_copy(src_hbm.at[pl.ds(0, ch)], si, ss).wait()

        def fire_gather(sl):
            di, si, ra, rb, sa, sb = sl[0], sl[1], sl[2], sl[3], sl[6], sl[7]
            pltpu.async_copy(a_hbm.at[di], ra, sa)
            pltpu.async_copy(b_hbm.at[si], rb, sb)

        def wait_gather(sl):
            di, si, ra, rb, sa, sb = sl[0], sl[1], sl[2], sl[3], sl[6], sl[7]
            pltpu.make_async_copy(a_hbm.at[di], ra, sa).wait()
            pltpu.make_async_copy(b_hbm.at[si], rb, sb).wait()

        def fire_scatter(sl):
            for kk in range(ch // L):
                sl[8][pl.ds(kk * L, L)] = sl[0][pl.ds(kk * L, L)]
            pltpu.async_copy(sl[2], acc.at[sl[8]], sl[9], add=True)

        def wait_scatter(sl):
            pltpu.make_async_copy(sl[2], acc.at[sl[8]], sl[9]).wait()

        def emit(ra, rb, nrows):
            def row(r, _r):
                for kk in range(dsub):
                    a = ra[r, pl.ds(kk * L, L)]
                    bb = rb[r, pl.ds(kk * L, L)]
                    y = (a + bb) * svals[kk] + tvals[kk]
                    y = jnp.maximum(y, 0.3 * y)
                    ra[r, pl.ds(kk * L, L)] = y
                return 0

            lax.fori_loop(0, nrows, row, 0)

        def stage(c, sl, other):
            wait_gather(sl)

            @pl.when(c + 1 < nfull)
            def _():
                wait_idx(other)

                @pl.when(c >= 1)
                def _():
                    wait_scatter(other)

                fire_gather(other)

            emit(sl[2], sl[3], ch)
            fire_scatter(sl)

            @pl.when(c + 2 < nfull)
            def _():
                fire_idx(c + 2, sl)

        if nfull >= 2:
            fire_idx(0, slot0)
            fire_idx(1, slot1)
            wait_idx(slot0)
            fire_gather(slot0)

            def pair(p, _):
                stage(2 * p, slot0, slot1)
                stage(2 * p + 1, slot1, slot0)
                return 0

            lax.fori_loop(0, npair, pair, 0)
            if odd:
                wait_scatter(slot1)
                c = nfull - 1
                sl = slot0 if c % 2 == 0 else slot1
                wait_gather(sl)
                emit(sl[2], sl[3], ch)
                pltpu.sync_copy(sl[2], acc.at[sl[0]], add=True)
            else:
                wait_scatter(slot0)
                wait_scatter(slot1)
        else:
            for c in range(nfull):
                off = base + c * ch
                pltpu.sync_copy(dst_hbm.at[pl.ds(off, ch)], di0)
                pltpu.sync_copy(src_hbm.at[pl.ds(off, ch)], si0)
                pltpu.async_copy(a_hbm.at[di0], ra0, sa0).wait()
                pltpu.async_copy(b_hbm.at[si0], rb0, sb0).wait()
                emit(ra0, rb0, ch)
                pltpu.sync_copy(ra0, acc.at[di0], add=True)

        if tail:
            off = base + nfull * ch
            pltpu.sync_copy(dst_hbm.at[pl.ds(off, tail)], dit)
            pltpu.sync_copy(src_hbm.at[pl.ds(off, tail)], sit)
            pltpu.sync_copy(a_hbm.at[dit], rat)
            pltpu.sync_copy(b_hbm.at[sit], rbt)
            emit(rat, rbt, tail)
            pltpu.sync_copy(rat, acc.at[dit], add=True)

        plsc.subcore_barrier()

        @pl.when(sid == 0)
        def _():
            pltpu.sync_copy(acc, part_hbm.at[cid])

    return k(a_tab, b_tab, src, dst, st, zeros_hbm)


def kernel(feature, edge_index, W, b, gamma, beta):
    n, d = feature.shape
    e = edge_index.shape[1]
    src = edge_index[0]
    dst = edge_index[1]
    w1 = W[:, :d]
    w2 = W[:, d:]
    wdt = (w1 - w2).T
    w2t = w2.T
    b2d = b.reshape(1, d)
    a_tab, b_tab = _prep(feature, wdt, w2t, b2d)
    sums, sq = _pass1(a_tab, b_tab, src, dst)
    st = _stats(sums, sq, gamma.reshape(1, d), beta.reshape(1, d), float(e))
    zeros_hbm = jnp.zeros((n, d), jnp.float32)
    part = _pass2(a_tab, b_tab, src, dst, st, zeros_hbm)
    cnt2 = _count(dst, n)
    return _finalize(part[0], part[1], cnt2)

# --- scband reference (transcript-rebuilt; emitter-appended) ---
"""Pipeline reference for scband-idec-82429012344990 (READ-ONLY COPY).

The authoritative reference and input builder live on the scoring server;
editing this copy changes nothing except your own understanding.
"""

import jax, jax.numpy as jnp
import numpy as np

N = 10000
E = 320000
D = 128


def setup_inputs(seed: int = 0) -> dict:
    key = jax.random.key(seed)
    k1, k2, k3, k4, k5, k6 = jax.random.split(key, 6)
    feature = jax.random.normal(k1, (N, D), dtype=jnp.float32)
    edge_index = jax.random.randint(k2, (2, E), 0, N, dtype=jnp.int32)
    # Linear(2*in_dim, out_dim) params (kaiming-uniform-ish init)
    limit = 1.0 / np.sqrt(2 * D)
    W = jax.random.uniform(k3, (D, 2 * D), dtype=jnp.float32, minval=-limit, maxval=limit)
    b = jax.random.uniform(k4, (D,), dtype=jnp.float32, minval=-limit, maxval=limit)
    # BatchNorm1d(out_dim) affine params
    gamma = jnp.ones((D,), dtype=jnp.float32)
    beta = jnp.zeros((D,), dtype=jnp.float32)
    return {"feature": feature, "edge_index": edge_index, "W": W, "b": b, "gamma": gamma, "beta": beta}


def reference(feature, edge_index, W, b, gamma, beta):
    # PyG EdgeConv: message = nn(cat([x_i, x_j - x_i])) aggregated with 'mean' at target i.
    # edge_index[0] = source j, edge_index[1] = target i.
    src = edge_index[0]
    dst = edge_index[1]
    x_i = jnp.take(feature, dst, axis=0)
    x_j = jnp.take(feature, src, axis=0)
    m = jnp.concatenate([x_i, x_j - x_i], axis=-1)  # [E, 2D]
    h = m @ W.T + b  # Linear
    # BatchNorm1d in training mode: batch statistics over the E messages (biased var)
    mean = jnp.mean(h, axis=0)
    var = jnp.mean((h - mean) ** 2, axis=0)
    h = (h - mean) / jnp.sqrt(var + 1e-5) * gamma + beta
    # LeakyReLU(negative_slope=0.3); Dropout(p=0.0) is identity
    h = jnp.where(h >= 0, h, 0.3 * h)
    # mean aggregation over incoming edges at dst
    s = jax.ops.segment_sum(h, dst, num_segments=N)
    cnt = jax.ops.segment_sum(jnp.ones((E,), dtype=h.dtype), dst, num_segments=N)
    out = s / jnp.clip(cnt, 1.0)[:, None]
    return out

if __name__ == "__main__":
    import jax
    _d = setup_inputs()
    print(jax.jit(kernel)(*tuple(_d.values())))

</pallas_src>

<mosaic_0001>
#map = affine_map<(d0, d1) -> (0, 0)>
#map1 = affine_map<(d0, d1) -> (0)>
#map2 = affine_map<(d0, d1) -> (0, 0, 0)>
module attributes {stable_mosaic.version = 14 : i64} {
  func.func @k(%arg0: i32, %arg1: i32, %arg2: memref<10000x128xf32, #tpu.memory_space<hbm>>, %arg3: memref<10000x128xf32, #tpu.memory_space<hbm>>, %arg4: memref<320000xi32, #tpu.memory_space<hbm>>, %arg5: memref<320000xi32, #tpu.memory_space<hbm>>, %arg6: memref<2x128xf32, #tpu.memory_space<hbm>>, %arg7: memref<10000x128xf32, #tpu.memory_space<hbm>>, %arg8: memref<2x10000x128xf32, #tpu.memory_space<hbm>>, %arg9: memref<80xi32, #tpu.memory_space<vmem>>, %arg10: memref<80xi32, #tpu.memory_space<vmem>>, %arg11: memref<80x128xf32, #tpu.memory_space<vmem>>, %arg12: memref<80x128xf32, #tpu.memory_space<vmem>>, %arg13: memref<!tpu.dma_semaphore, #tpu.memory_space<semaphore_mem>>, %arg14: memref<!tpu.dma_semaphore, #tpu.memory_space<semaphore_mem>>, %arg15: memref<!tpu.dma_semaphore, #tpu.memory_space<semaphore_mem>>, %arg16: memref<!tpu.dma_semaphore, #tpu.memory_space<semaphore_mem>>, %arg17: memref<80xi32, #tpu.memory_space<vmem>>, %arg18: memref<!tpu.dma_semaphore, #tpu.memory_space<semaphore_mem>>, %arg19: memref<80xi32, #tpu.memory_space<vmem>>, %arg20: memref<80xi32, #tpu.memory_space<vmem>>, %arg21: memref<80x128xf32, #tpu.memory_space<vmem>>, %arg22: memref<80x128xf32, #tpu.memory_space<vmem>>, %arg23: memref<!tpu.dma_semaphore, #tpu.memory_space<semaphore_mem>>, %arg24: memref<!tpu.dma_semaphore, #tpu.memory_space<semaphore_mem>>, %arg25: memref<!tpu.dma_semaphore, #tpu.memory_space<semaphore_mem>>, %arg26: memref<!tpu.dma_semaphore, #tpu.memory_space<semaphore_mem>>, %arg27: memref<80xi32, #tpu.memory_space<vmem>>, %arg28: memref<!tpu.dma_semaphore, #tpu.memory_space<semaphore_mem>>, %arg29: memref<8xi32, #tpu.memory_space<vmem>>, %arg30: memref<8xi32, #tpu.memory_space<vmem>>, %arg31: memref<8x128xf32, #tpu.memory_space<vmem>>, %arg32: memref<8x128xf32, #tpu.memory_space<vmem>>, %arg33: memref<2x128xf32, #tpu.memory_space<vmem>>, %arg34: memref<10000x128xf32, #tpu.memory_space<vmem_shared>>) attributes {dimension_semantics = [#tpu.dimension_semantics<core_parallel>, #tpu.dimension_semantics<subcore_parallel>], iteration_bounds = array<i64: 2, 16>, scalar_prefetch = 0 : i64, scratch_operands = 26 : i64, tpu.core_type = #tpu.core_type<sc_vector_subcore>, window_params = [{transform_indices = #map}, {transform_indices = #map}, {transform_indices = #map1}, {transform_indices = #map1}, {transform_indices = #map}, {transform_indices = #map}, {transform_indices = #map2}]} {
    %mul3A = arith.constant 2 : i32
    %mul3A_0 = arith.muli %arg1, %mul3A : i32
    %add3A = arith.addi %mul3A_0, %arg0 : i32
    %mul3A_1 = arith.constant 10000 : i32
    %mul3A_2 = arith.muli %add3A, %mul3A_1 : i32
    %eq3A = arith.constant 0 : i32
    %eq3A_3 = arith.cmpi eq, %arg1, %eq3A : i32
    %convert_element_type3A = arith.extui %eq3A_3 : i1 to i32
    %cond3A = arith.constant 0 : i32
    %cond3A_4 = arith.cmpi ne, %convert_element_type3A, %cond3A : i32
    scf.if %cond3A_4 {
      "tpu.region"() ({
        %run_scoped3A = tpu.sem_alloc : memref<!tpu.dma_semaphore, #tpu.memory_space<semaphore_mem>>
        tpu.enqueue_dma source(%arg7 : memref<10000x128xf32, #tpu.memory_space<hbm>>) target(%arg34 : memref<10000x128xf32, #tpu.memory_space<vmem_shared>>) target_semaphore(%run_scoped3A : memref<!tpu.dma_semaphore, #tpu.memory_space<semaphore_mem>>)
        tpu.wait_dma2 semaphore(%run_scoped3A : memref<!tpu.dma_semaphore, #tpu.memory_space<semaphore_mem>>) src(%arg7 : memref<10000x128xf32, #tpu.memory_space<hbm>>) dst(%arg34 : memref<10000x128xf32, #tpu.memory_space<vmem_shared>>)
        tpu.yield
      }) : () -> ()
    } else {
    }
    "tpu.region"() ({
      %run_scoped3A = tpu.sem_alloc : memref<!tpu.dma_semaphore, #tpu.memory_space<semaphore_mem>>
      tpu.enqueue_dma source(%arg6 : memref<2x128xf32, #tpu.memory_space<hbm>>) target(%arg33 : memref<2x128xf32, #tpu.memory_space<vmem>>) target_semaphore(%run_scoped3A : memref<!tpu.dma_semaphore, #tpu.memory_space<semaphore_mem>>)
      tpu.wait_dma2 semaphore(%run_scoped3A : memref<!tpu.dma_semaphore, #tpu.memory_space<semaphore_mem>>) src(%arg6 : memref<2x128xf32, #tpu.memory_space<hbm>>) dst(%arg33 : memref<2x128xf32, #tpu.memory_space<vmem>>)
      tpu.yield
    }) : () -> ()
    %get3A = arith.constant 0 : i32
    %get3A_5 = arith.index_cast %get3A : i32 to index
    %get3A_6 = arith.constant 0 : index
    %get3A_7 = tpu.vector_load %arg33[%get3A_5, %get3A_6] {strides = array<i32>} : memref<2x128xf32, #tpu.memory_space<vmem>>, vector<1x16xf32>,
    %get3A_8 = vector.shape_cast %get3A_7 : vector<1x16xf32> to vector<16xf32>
    %get3A_9 = arith.constant 0 : i32
    %get3A_10 = arith.index_cast %get3A_9 : i32 to index
    %get3A_11 = arith.constant 16 : index
    %get3A_12 = tpu.vector_load %arg33[%get3A_10, %get3A_11] {strides = array<i32>} : memref<2x128xf32, #tpu.memory_space<vmem>>, vector<1x16xf32>,
    %get3A_13 = vector.shape_cast %get3A_12 : vector<1x16xf32> to vector<16xf32>
    %get3A_14 = arith.constant 0 : i32
    %get3A_15 = arith.index_cast %get3A_14 : i32 to index
    %get3A_16 = arith.constant 32 : index
    %get3A_17 = tpu.vector_load %arg33[%get3A_15, %get3A_16] {strides = array<i32>} : memref<2x128xf32, #tpu.memory_space<vmem>>, vector<1x16xf32>,
    %get3A_18 = vector.shape_cast %get3A_17 : vector<1x16xf32> to vector<16xf32>
    %get3A_19 = arith.constant 0 : i32
    %get3A_20 = arith.index_cast %get3A_19 : i32 to index
    %get3A_21 = arith.constant 48 : index
    %get3A_22 = tpu.vector_load %arg33[%get3A_20, %get3A_21] {strides = array<i32>} : memref<2x128xf32, #tpu.memory_space<vmem>>, vector<1x16xf32>,
    %get3A_23 = vector.shape_cast %get3A_22 : vector<1x16xf32> to vector<16xf32>
    %get3A_24 = arith.constant 0 : i32
    %get3A_25 = arith.index_cast %get3A_24 : i32 to index
    %get3A_26 = arith.constant 64 : index
    %get3A_27 = tpu.vector_load %arg33[%get3A_25, %get3A_26] {strides = array<i32>} : memref<2x128xf32, #tpu.memory_space<vmem>>, vector<1x16xf32>,
    %get3A_28 = vector.shape_cast %get3A_27 : vector<1x16xf32> to vector<16xf32>
    %get3A_29 = arith.constant 0 : i32
    %get3A_30 = arith.index_cast %get3A_29 : i32 to index
    %get3A_31 = arith.constant 80 : index
    %get3A_32 = tpu.vector_load %arg33[%get3A_30, %get3A_31] {strides = array<i32>} : memref<2x128xf32, #tpu.memory_space<vmem>>, vector<1x16xf32>,
    %get3A_33 = vector.shape_cast %get3A_32 : vector<1x16xf32> to vector<16xf32>
    %get3A_34 = arith.constant 0 : i32
    %get3A_35 = arith.index_cast %get3A_34 : i32 to index
    %get3A_36 = arith.constant 96 : index
    %get3A_37 = tpu.vector_load %arg33[%get3A_35, %get3A_36] {strides = array<i32>} : memref<2x128xf32, #tpu.memory_space<vmem>>, vector<1x16xf32>,
    %get3A_38 = vector.shape_cast %get3A_37 : vector<1x16xf32> to vector<16xf32>
    %get3A_39 = arith.constant 0 : i32
    %get3A_40 = arith.index_cast %get3A_39 : i32 to index
    %get3A_41 = arith.constant 112 : index
    %get3A_42 = tpu.vector_load %arg33[%get3A_40, %get3A_41] {strides = array<i32>} : memref<2x128xf32, #tpu.memory_space<vmem>>, vector<1x16xf32>,
    %get3A_43 = vector.shape_cast %get3A_42 : vector<1x16xf32> to vector<16xf32>
    %get3A_44 = arith.constant 1 : i32
    %get3A_45 = arith.index_cast %get3A_44 : i32 to index
    %get3A_46 = arith.constant 0 : index
    %get3A_47 = tpu.vector_load %arg33[%get3A_45, %get3A_46] {strides = array<i32>} : memref<2x128xf32, #tpu.memory_space<vmem>>, vector<1x16xf32>,
    %get3A_48 = vector.shape_cast %get3A_47 : vector<1x16xf32> to vector<16xf32>
    %get3A_49 = arith.constant 1 : i32
    %get3A_50 = arith.index_cast %get3A_49 : i32 to index
    %get3A_51 = arith.constant 16 : index
    %get3A_52 = tpu.vector_load %arg33[%get3A_50, %get3A_51] {strides = array<i32>} : memref<2x128xf32, #tpu.memory_space<vmem>>, vector<1x16xf32>,
    %get3A_53 = vector.shape_cast %get3A_52 : vector<1x16xf32> to vector<16xf32>
    %get3A_54 = arith.constant 1 : i32
    %get3A_55 = arith.index_cast %get3A_54 : i32 to index
    %get3A_56 = arith.constant 32 : index
    %get3A_57 = tpu.vector_load %arg33[%get3A_55, %get3A_56] {strides = array<i32>} : memref<2x128xf32, #tpu.memory_space<vmem>>, vector<1x16xf32>,
    %get3A_58 = vector.shape_cast %get3A_57 : vector<1x16xf32> to vector<16xf32>
    %get3A_59 = arith.constant 1 : i32
    %get3A_60 = arith.index_cast %get3A_59 : i32 to index
    %get3A_61 = arith.constant 48 : index
    %get3A_62 = tpu.vector_load %arg33[%get3A_60, %get3A_61] {strides = array<i32>} : memref<2x128xf32, #tpu.memory_space<vmem>>, vector<1x16xf32>,
    %get3A_63 = vector.shape_cast %get3A_62 : vector<1x16xf32> to vector<16xf32>
    %get3A_64 = arith.constant 1 : i32
    %get3A_65 = arith.index_cast %get3A_64 : i32 to index
    %get3A_66 = arith.constant 64 : index
    %get3A_67 = tpu.vector_load %arg33[%get3A_65, %get3A_66] {strides = array<i32>} : memref<2x128xf32, #tpu.memory_space<vmem>>, vector<1x16xf32>,
    %get3A_68 = vector.shape_cast %get3A_67 : vector<1x16xf32> to vector<16xf32>
    %get3A_69 = arith.constant 1 : i32
    %get3A_70 = arith.index_cast %get3A_69 : i32 to index
    %get3A_71 = arith.constant 80 : index
    %get3A_72 = tpu.vector_load %arg33[%get3A_70, %get3A_71] {strides = array<i32>} : memref<2x128xf32, #tpu.memory_space<vmem>>, vector<1x16xf32>,
    %get3A_73 = vector.shape_cast %get3A_72 : vector<1x16xf32> to vector<16xf32>
    %get3A_74 = arith.constant 1 : i32
    %get3A_75 = arith.index_cast %get3A_74 : i32 to index
    %get3A_76 = arith.constant 96 : index
    %get3A_77 = tpu.vector_load %arg33[%get3A_75, %get3A_76] {strides = array<i32>} : memref<2x128xf32, #tpu.memory_space<vmem>>, vector<1x16xf32>,
    %get3A_78 = vector.shape_cast %get3A_77 : vector<1x16xf32> to vector<16xf32>
    %get3A_79 = arith.constant 1 : i32
    %get3A_80 = arith.index_cast %get3A_79 : i32 to index
    %get3A_81 = arith.constant 112 : index
    %get3A_82 = tpu.vector_load %arg33[%get3A_80, %get3A_81] {strides = array<i32>} : memref<2x128xf32, #tpu.memory_space<vmem>>, vector<1x16xf32>,
    %get3A_83 = vector.shape_cast %get3A_82 : vector<1x16xf32> to vector<16xf32>
    %barrier3A = arith.constant 0 : index
    tpu.barrier barrier_id(%barrier3A)
    %add3A_84 = arith.constant 0 : i32
    %add3A_85 = arith.addi %mul3A_2, %add3A_84 : i32
    %dma_start3A = tpu.memref_slice %arg5[%add3A_85] : memref<320000xi32, #tpu.memory_space<hbm>> -> memref<80xi32, #tpu.memory_space<hbm>>
    %dma_start3A_86 = tpu.memref_slice %arg5[%add3A_85] : memref<320000xi32, #tpu.memory_space<hbm>> -> memref<80xi32, #tpu.memory_space<hbm>>
    tpu.enqueue_dma source(%dma_start3A_86 : memref<80xi32, #tpu.memory_space<hbm>>) target(%arg9 : memref<80xi32, #tpu.memory_space<vmem>>) target_semaphore(%arg13 : memref<!tpu.dma_semaphore, #tpu.memory_space<semaphore_mem>>)
    %dma_start3A_87 = tpu.memref_slice %arg4[%add3A_85] : memref<320000xi32, #tpu.memory_space<hbm>> -> memref<80xi32, #tpu.memory_space<hbm>>
    %dma_start3A_88 = tpu.memref_slice %arg4[%add3A_85] : memref<320000xi32, #tpu.memory_space<hbm>> -> memref<80xi32, #tpu.memory_space<hbm>>
    tpu.enqueue_dma source(%dma_start3A_88 : memref<80xi32, #tpu.memory_space<hbm>>) target(%arg10 : memref<80xi32, #tpu.memory_space<vmem>>) target_semaphore(%arg14 : memref<!tpu.dma_semaphore, #tpu.memory_space<semaphore_mem>>)
    %add3A_89 = arith.constant 80 : i32
    %add3A_90 = arith.addi %mul3A_2, %add3A_89 : i32
    %dma_start3A_91 = tpu.memref_slice %arg5[%add3A_90] : memref<320000xi32, #tpu.memory_space<hbm>> -> memref<80xi32, #tpu.memory_space<hbm>>
    %dma_start3A_92 = tpu.memref_slice %arg5[%add3A_90] : memref<320000xi32, #tpu.memory_space<hbm>> -> memref<80xi32, #tpu.memory_space<hbm>>
    tpu.enqueue_dma source(%dma_start3A_92 : memref<80xi32, #tpu.memory_space<hbm>>) target(%arg19 : memref<80xi32, #tpu.memory_space<vmem>>) target_semaphore(%arg23 : memref<!tpu.dma_semaphore, #tpu.memory_space<semaphore_mem>>)
    %dma_start3A_93 = tpu.memref_slice %arg4[%add3A_90] : memref<320000xi32, #tpu.memory_space<hbm>> -> memref<80xi32, #tpu.memory_space<hbm>>
    %dma_start3A_94 = tpu.memref_slice %arg4[%add3A_90] : memref<320000xi32, #tpu.memory_space<hbm>> -> memref<80xi32, #tpu.memory_space<hbm>>
    tpu.enqueue_dma source(%dma_start3A_94 : memref<80xi32, #tpu.memory_space<hbm>>) target(%arg20 : memref<80xi32, #tpu.memory_space<vmem>>) target_semaphore(%arg24 : memref<!tpu.dma_semaphore, #tpu.memory_space<semaphore_mem>>)
    %dma_wait3A = arith.constant 0 : i32
    %dma_wait3A_95 = tpu.memref_slice %arg5[%dma_wait3A] : memref<320000xi32, #tpu.memory_space<hbm>> -> memref<80xi32, #tpu.memory_space<hbm>>
    %dma_wait3A_96 = arith.constant 0 : i32
    %dma_wait3A_97 = tpu.memref_slice %arg5[%dma_wait3A_96] : memref<320000xi32, #tpu.memory_space<hbm>> -> memref<80xi32, #tpu.memory_space<hbm>>
    tpu.wait_dma2 semaphore(%arg13 : memref<!tpu.dma_semaphore, #tpu.memory_space<semaphore_mem>>) src(%dma_wait3A_97 : memref<80xi32, #tpu.memory_space<hbm>>) dst(%arg9 : memref<80xi32, #tpu.memory_space<vmem>>)
    %dma_wait3A_98 = arith.constant 0 : i32
    %dma_wait3A_99 = tpu.memref_slice %arg4[%dma_wait3A_98] : memref<320000xi32, #tpu.memory_space<hbm>> -> memref<80xi32, #tpu.memory_space<hbm>>
    %dma_wait3A_100 = arith.constant 0 : i32
    %dma_wait3A_101 = tpu.memref_slice %arg4[%dma_wait3A_100] : memref<320000xi32, #tpu.memory_space<hbm>> -> memref<80xi32, #tpu.memory_space<hbm>>
    tpu.wait_dma2 semaphore(%arg14 : memref<!tpu.dma_semaphore, #tpu.memory_space<semaphore_mem>>) src(%dma_wait3A_101 : memref<80xi32, #tpu.memory_space<hbm>>) dst(%arg10 : memref<80xi32, #tpu.memory_space<vmem>>)
    %dma_start3A_102 = arith.constant 0 : i32
    %dma_start3A_103 = arith.constant 0 : i32
    %dma_start3A_104 = tpu.memref_slice %arg2[%dma_start3A_102, %dma_start3A_103] : memref<10000x128xf32, #tpu.memory_space<hbm>> -> memref<10000x128xf32, #tpu.memory_space<hbm>>
    tpu.enqueue_indirect_dma source(%dma_start3A_104 : memref<10000x128xf32, #tpu.memory_space<hbm>>) target(%arg11 : memref<80x128xf32, #tpu.memory_space<vmem>>) offsets(%arg9 : memref<80xi32, #tpu.memory_space<vmem>>) semaphore(%arg15 : memref<!tpu.dma_semaphore, #tpu.memory_space<semaphore_mem>>)
    %dma_start3A_105 = arith.constant 0 : i32
    %dma_start3A_106 = arith.constant 0 : i32
    %dma_start3A_107 = tpu.memref_slice %arg3[%dma_start3A_105, %dma_start3A_106] : memref<10000x128xf32, #tpu.memory_space<hbm>> -> memref<10000x128xf32, #tpu.memory_space<hbm>>
    tpu.enqueue_indirect_dma source(%dma_start3A_107 : memref<10000x128xf32, #tpu.memory_space<hbm>>) target(%arg12 : memref<80x128xf32, #tpu.memory_space<vmem>>) offsets(%arg10 : memref<80xi32, #tpu.memory_space<vmem>>) semaphore(%arg16 : memref<!tpu.dma_semaphore, #tpu.memory_space<semaphore_mem>>)
    %scan3A = arith.constant 0 : i32
    %scan3A_108 = arith.constant 0 : i32
    %scan3A_109 = arith.constant 62 : i32
    %scan3A_110 = arith.addi %scan3A_108, %scan3A_109 : i32
    %scan3A_111 = arith.constant 1 : i32
    %scan3A_112 = scf.for %scan3A_136 = %scan3A_108 to %scan3A_110 step %scan3A_111 iter_args(%scan3A_137 = %scan3A) -> (i32)  : i32 {
      %mul3A_138 = arith.constant 2 : i32
      %mul3A_139 = arith.muli %mul3A_138, %scan3A_136 : i32
      %dma_wait3A_140 = arith.constant 0 : i32
      %dma_wait3A_141 = arith.constant 0 : i32
      %dma_wait3A_142 = tpu.memref_slice %arg2[%dma_wait3A_140, %dma_wait3A_141] : memref<10000x128xf32, #tpu.memory_space<hbm>> -> memref<10000x128xf32, #tpu.memory_space<hbm>>
      tpu.wait_indirect_dma semaphore(%arg15 : memref<!tpu.dma_semaphore, #tpu.memory_space<semaphore_mem>>) src(%dma_wait3A_142 : memref<10000x128xf32, #tpu.memory_space<hbm>>) dst(%arg11 : memref<80x128xf32, #tpu.memory_space<vmem>>)
      %dma_wait3A_143 = arith.constant 0 : i32
      %dma_wait3A_144 = arith.constant 0 : i32
      %dma_wait3A_145 = tpu.memref_slice %arg3[%dma_wait3A_143, %dma_wait3A_144] : memref<10000x128xf32, #tpu.memory_space<hbm>> -> memref<10000x128xf32, #tpu.memory_space<hbm>>
      tpu.wait_indirect_dma semaphore(%arg16 : memref<!tpu.dma_semaphore, #tpu.memory_space<semaphore_mem>>) src(%dma_wait3A_145 : memref<10000x128xf32, #tpu.memory_space<hbm>>) dst(%arg12 : memref<80x128xf32, #tpu.memory_space<vmem>>)
      %add3A_146 = arith.constant 1 : i32
      %add3A_147 = arith.addi %mul3A_139, %add3A_146 : i32
      %lt3A = arith.constant 125 : i32
      %lt3A_148 = arith.cmpi slt, %add3A_147, %lt3A : i32
      %convert_element_type3A_149 = arith.extui %lt3A_148 : i1 to i32
      %cond3A_150 = arith.constant 0 : i32
      %cond3A_151 = arith.cmpi ne, %convert_element_type3A_149, %cond3A_150 : i32
      scf.if %cond3A_151 {
        %dma_wait3A_273 = arith.constant 0 : i32
        %dma_wait3A_274 = tpu.memref_slice %arg5[%dma_wait3A_273] : memref<320000xi32, #tpu.memory_space<hbm>> -> memref<80xi32, #tpu.memory_space<hbm>>
        %dma_wait3A_275 = arith.constant 0 : i32
        %dma_wait3A_276 = tpu.memref_slice %arg5[%dma_wait3A_275] : memref<320000xi32, #tpu.memory_space<hbm>> -> memref<80xi32, #tpu.memory_space<hbm>>
        tpu.wait_dma2 semaphore(%arg23 : memref<!tpu.dma_semaphore, #tpu.memory_space<semaphore_mem>>) src(%dma_wait3A_276 : memref<80xi32, #tpu.memory_space<hbm>>) dst(%arg19 : memref<80xi32, #tpu.memory_space<vmem>>)
        %dma_wait3A_277 = arith.constant 0 : i32
        %dma_wait3A_278 = tpu.memref_slice %arg4[%dma_wait3A_277] : memref<320000xi32, #tpu.memory_space<hbm>> -> memref<80xi32, #tpu.memory_space<hbm>>
        %dma_wait3A_279 = arith.constant 0 : i32
        %dma_wait3A_280 = tpu.memref_slice %arg4[%dma_wait3A_279] : memref<320000xi32, #tpu.memory_space<hbm>> -> memref<80xi32, #tpu.memory_space<hbm>>
        tpu.wait_dma2 semaphore(%arg24 : memref<!tpu.dma_semaphore, #tpu.memory_space<semaphore_mem>>) src(%dma_wait3A_280 : memref<80xi32, #tpu.memory_space<hbm>>) dst(%arg20 : memref<80xi32, #tpu.memory_space<vmem>>)
        %ge3A = arith.constant 1 : i32
        %ge3A_281 = arith.cmpi sge, %mul3A_139, %ge3A : i32
        %convert_element_type3A_282 = arith.extui %ge3A_281 : i1 to i32
        %cond3A_283 = arith.constant 0 : i32
        %cond3A_284 = arith.cmpi ne, %convert_element_type3A_282, %cond3A_283 : i32
        scf.if %cond3A_284 {
          %dma_wait3A_291 = arith.constant 0 : i32
          %dma_wait3A_292 = arith.constant 0 : i32
          %dma_wait3A_293 = tpu.memref_slice %arg34[%dma_wait3A_291, %dma_wait3A_292] : memref<10000x128xf32, #tpu.memory_space<vmem_shared>> -> memref<10000x128xf32, #tpu.memory_space<vmem_shared>>
          tpu.wait_indirect_dma semaphore(%arg28 : memref<!tpu.dma_semaphore, #tpu.memory_space<semaphore_mem>>) src(%arg21 : memref<80x128xf32, #tpu.memory_space<vmem>>) dst(%dma_wait3A_293 : memref<10000x128xf32, #tpu.memory_space<vmem_shared>>)
        } else {
        }
        %dma_start3A_285 = arith.constant 0 : i32
        %dma_start3A_286 = arith.constant 0 : i32
        %dma_start3A_287 = tpu.memref_slice %arg2[%dma_start3A_285, %dma_start3A_286] : memref<10000x128xf32, #tpu.memory_space<hbm>> -> memref<10000x128xf32, #tpu.memory_space<hbm>>
        tpu.enqueue_indirect_dma source(%dma_start3A_287 : memref<10000x128xf32, #tpu.memory_space<hbm>>) target(%arg21 : memref<80x128xf32, #tpu.memory_space<vmem>>) offsets(%arg19 : memref<80xi32, #tpu.memory_space<vmem>>) semaphore(%arg25 : memref<!tpu.dma_semaphore, #tpu.memory_space<semaphore_mem>>)
        %dma_start3A_288 = arith.constant 0 : i32
        %dma_start3A_289 = arith.constant 0 : i32
        %dma_start3A_290 = tpu.memref_slice %arg3[%dma_start3A_288, %dma_start3A_289] : memref<10000x128xf32, #tpu.memory_space<hbm>> -> memref<10000x128xf32, #tpu.memory_space<hbm>>
        tpu.enqueue_indirect_dma source(%dma_start3A_290 : memref<10000x128xf32, #tpu.memory_space<hbm>>) target(%arg22 : memref<80x128xf32, #tpu.memory_space<vmem>>) offsets(%arg20 : memref<80xi32, #tpu.memory_space<vmem>>) semaphore(%arg26 : memref<!tpu.dma_semaphore, #tpu.memory_space<semaphore_mem>>)
      } else {
      }
      %scan3A_152 = arith.constant 0 : i32
      %scan3A_153 = arith.constant 0 : i32
      %scan3A_154 = arith.constant 80 : i32
      %scan3A_155 = arith.addi %scan3A_153, %scan3A_154 : i32
      %scan3A_156 = arith.constant 1 : i32
      %scan3A_157 = scf.for %scan3A_273 = %scan3A_153 to %scan3A_155 step %scan3A_156 iter_args(%scan3A_274 = %scan3A_152) -> (i32)  : i32 {
        %get3A_275 = arith.index_cast %scan3A_273 : i32 to index
        %get3A_276 = arith.constant 0 : index
        %get3A_277 = tpu.vector_load %arg11[%get3A_275, %get3A_276] {strides = array<i32>} : memref<80x128xf32, #tpu.memory_space<vmem>>, vector<1x16xf32>,
        %get3A_278 = vector.shape_cast %get3A_277 : vector<1x16xf32> to vector<16xf32>
        %get3A_279 = arith.index_cast %scan3A_273 : i32 to index
        %get3A_280 = arith.constant 0 : index
        %get3A_281 = tpu.vector_load %arg12[%get3A_279, %get3A_280] {strides = array<i32>} : memref<80x128xf32, #tpu.memory_space<vmem>>, vector<1x16xf32>,
        %get3A_282 = vector.shape_cast %get3A_281 : vector<1x16xf32> to vector<16xf32>
        %add3A_283 = arith.addf %get3A_278, %get3A_282 : vector<16xf32>
        %mul3A_284 = arith.mulf %add3A_283, %get3A_8 : vector<16xf32>
        %add3A_285 = arith.addf %mul3A_284, %get3A_48 : vector<16xf32>
        %mul3A_286 = arith.constant 3.000000e-01 : f32
        %mul3A_287 = vector.broadcast %mul3A_286 : f32 to vector<16xf32>
        %mul3A_288 = arith.mulf %mul3A_287, %add3A_285 : vector<16xf32>
        %max3A = arith.maximumf %add3A_285, %mul3A_288 : vector<16xf32>
        %swap3A_289 = arith.index_cast %scan3A_273 : i32 to index
        %swap3A_290 = arith.constant 0 : index
        %swap3A_291 = tpu.vector_load %arg11[%swap3A_289, %swap3A_290] {strides = array<i32>} : memref<80x128xf32, #tpu.memory_space<vmem>>, vector<1x16xf32>,
        %swap3A_292 = vector.shape_cast %swap3A_291 : vector<1x16xf32> to vector<16xf32>
        %swap3A_293 = vector.shape_cast %max3A : vector<16xf32> to vector<1x16xf32>
        tpu.vector_store %arg11[%swap3A_289, %swap3A_290], %swap3A_293 {strides = array<i32>} : memref<80x128xf32, #tpu.memory_space<vmem>>, vector<1x16xf32>,
        %get3A_294 = arith.index_cast %scan3A_273 : i32 to index
        %get3A_295 = arith.constant 16 : index
        %get3A_296 = tpu.vector_load %arg11[%get3A_294, %get3A_295] {strides = array<i32>} : memref<80x128xf32, #tpu.memory_space<vmem>>, vector<1x16xf32>,
        %get3A_297 = vector.shape_cast %get3A_296 : vector<1x16xf32> to vector<16xf32>
        %get3A_298 = arith.index_cast %scan3A_273 : i32 to index
        %get3A_299 = arith.constant 16 : index
        %get3A_300 = tpu.vector_load %arg12[%get3A_298, %get3A_299] {strides = array<i32>} : memref<80x128xf32, #tpu.memory_space<vmem>>, vector<1x16xf32>,
        %get3A_301 = vector.shape_cast %get3A_300 : vector<1x16xf32> to vector<16xf32>
        %add3A_302 = arith.addf %get3A_297, %get3A_301 : vector<16xf32>
        %mul3A_303 = arith.mulf %add3A_302, %get3A_13 : vector<16xf32>
        %add3A_304 = arith.addf %mul3A_303, %get3A_53 : vector<16xf32>
        %mul3A_305 = arith.constant 3.000000e-01 : f32
        %mul3A_306 = vector.broadcast %mul3A_305 : f32 to vector<16xf32>
        %mul3A_307 = arith.mulf %mul3A_306, %add3A_304 : vector<16xf32>
        %max3A_308 = arith.maximumf %add3A_304, %mul3A_307 : vector<16xf32>
        %swap3A_309 = arith.index_cast %scan3A_273 : i32 to index
        %swap3A_310 = arith.constant 16 : index
        %swap3A_311 = tpu.vector_load %arg11[%swap3A_309, %swap3A_310] {strides = array<i32>} : memref<80x128xf32, #tpu.memory_space<vmem>>, vector<1x16xf32>,
        %swap3A_312 = vector.shape_cast %swap3A_311 : vector<1x16xf32> to vector<16xf32>
        %swap3A_313 = vector.shape_cast %max3A_308 : vector<16xf32> to vector<1x16xf32>
        tpu.vector_store %arg11[%swap3A_309, %swap3A_310], %swap3A_313 {strides = array<i32>} : memref<80x128xf32, #tpu.memory_space<vmem>>, vector<1x16xf32>,
        %get3A_314 = arith.index_cast %scan3A_273 : i32 to index
        %get3A_315 = arith.constant 32 : index
        %get3A_316 = tpu.vector_load %arg11[%get3A_314, %get3A_315] {strides = array<i32>} : memref<80x128xf32, #tpu.memory_space<vmem>>, vector<1x16xf32>,
        %get3A_317 = vector.shape_cast %get3A_316 : vector<1x16xf32> to vector<16xf32>
        %get3A_318 = arith.index_cast %scan3A_273 : i32 to index
        %get3A_319 = arith.constant 32 : index
        %get3A_320 = tpu.vector_load %arg12[%get3A_318, %get3A_319] {strides = array<i32>} : memref<80x128xf32, #tpu.memory_space<vmem>>, vector<1x16xf32>,
        %get3A_321 = vector.shape_cast %get3A_320 : vector<1x16xf32> to vector<16xf32>
        %add3A_322 = arith.addf %get3A_317, %get3A_321 : vector<16xf32>
        %mul3A_323 = arith.mulf %add3A_322, %get3A_18 : vector<16xf32>
        %add3A_324 = arith.addf %mul3A_323, %get3A_58 : vector<16xf32>
        %mul3A_325 = arith.constant 3.000000e-01 : f32
        %mul3A_326 = vector.broadcast %mul3A_325 : f32 to vector<16xf32>
        %mul3A_327 = arith.mulf %mul3A_326, %add3A_324 : vector<16xf32>
        %max3A_328 = arith.maximumf %add3A_324, %mul3A_327 : vector<16xf32>
        %swap3A_329 = arith.index_cast %scan3A_273 : i32 to index
        %swap3A_330 = arith.constant 32 : index
        %swap3A_331 = tpu.vector_load %arg11[%swap3A_329, %swap3A_330] {strides = array<i32>} : memref<80x128xf32, #tpu.memory_space<vmem>>, vector<1x16xf32>,
        %swap3A_332 = vector.shape_cast %swap3A_331 : vector<1x16xf32> to vector<16xf32>
        %swap3A_333 = vector.shape_cast %max3A_328 : vector<16xf32> to vector<1x16xf32>
        tpu.vector_store %arg11[%swap3A_329, %swap3A_330], %swap3A_333 {strides = array<i32>} : memref<80x128xf32, #tpu.memory_space<vmem>>, vector<1x16xf32>,
        %get3A_334 = arith.index_cast %scan3A_273 : i32 to index
        %get3A_335 = arith.constant 48 : index
        %get3A_336 = tpu.vector_load %arg11[%get3A_334, %get3A_335] {strides = array<i32>} : memref<80x128xf32, #tpu.memory_space<vmem>>, vector<1x16xf32>,
        %get3A_337 = vector.shape_cast %get3A_336 : vector<1x16xf32> to vector<16xf32>
        %get3A_338 = arith.index_cast %scan3A_273 : i32 to index
        %get3A_339 = arith.constant 48 : index
        %get3A_340 = tpu.vector_load %arg12[%get3A_338, %get3A_339] {strides = array<i32>} : memref<80x128xf32, #tpu.memory_space<vmem>>, vector<1x16xf32>,
        %get3A_341 = vector.shape_cast %get3A_340 : vector<1x16xf32> to vector<16xf32>
        %add3A_342 = arith.addf %get3A_337, %get3A_341 : vector<16xf32>
        %mul3A_343 = arith.mulf %add3A_342, %get3A_23 : vector<16xf32>
        %add3A_344 = arith.addf %mul3A_343, %get3A_63 : vector<16xf32>
        %mul3A_345 = arith.constant 3.000000e-01 : f32
        %mul3A_346 = vector.broadcast %mul3A_345 : f32 to vector<16xf32>
        %mul3A_347 = arith.mulf %mul3A_346, %add3A_344 : vector<16xf32>
        %max3A_348 = arith.maximumf %add3A_344, %mul3A_347 : vector<16xf32>
        %swap3A_349 = arith.index_cast %scan3A_273 : i32 to index
        %swap3A_350 = arith.constant 48 : index
        %swap3A_351 = tpu.vector_load %arg11[%swap3A_349, %swap3A_350] {strides = array<i32>} : memref<80x128xf32, #tpu.memory_space<vmem>>, vector<1x16xf32>,
        %swap3A_352 = vector.shape_cast %swap3A_351 : vector<1x16xf32> to vector<16xf32>
        %swap3A_353 = vector.shape_cast %max3A_348 : vector<16xf32> to vector<1x16xf32>
        tpu.vector_store %arg11[%swap3A_349, %swap3A_350], %swap3A_353 {strides = array<i32>} : memref<80x128xf32, #tpu.memory_space<vmem>>, vector<1x16xf32>,
        %get3A_354 = arith.index_cast %scan3A_273 : i32 to index
        %get3A_355 = arith.constant 64 : index
        %get3A_356 = tpu.vector_load %arg11[%get3A_354, %get3A_355] {strides = array<i32>} : memref<80x128xf32, #tpu.memory_space<vmem>>, vector<1x16xf32>,
        %get3A_357 = vector.shape_cast %get3A_356 : vector<1x16xf32> to vector<16xf32>
        %get3A_358 = arith.index_cast %scan3A_273 : i32 to index
        %get3A_359 = arith.constant 64 : index
        %get3A_360 = tpu.vector_load %arg12[%get3A_358, %get3A_359] {strides = array<i32>} : memref<80x128xf32, #tpu.memory_space<vmem>>, vector<1x16xf32>,
        %get3A_361 = vector.shape_cast %get3A_360 : vector<1x16xf32> to vector<16xf32>
        %add3A_362 = arith.addf %get3A_357, %get3A_361 : vector<16xf32>
        %mul3A_363 = arith.mulf %add3A_362, %get3A_28 : vector<16xf32>
        %add3A_364 = arith.addf %mul3A_363, %get3A_68 : vector<16xf32>
        %mul3A_365 = arith.constant 3.000000e-01 : f32
        %mul3A_366 = vector.broadcast %mul3A_365 : f32 to vector<16xf32>
        %mul3A_367 = arith.mulf %mul3A_366, %add3A_364 : vector<16xf32>
        %max3A_368 = arith.maximumf %add3A_364, %mul3A_367 : vector<16xf32>
        %swap3A_369 = arith.index_cast %scan3A_273 : i32 to index
        %swap3A_370 = arith.constant 64 : index
        %swap3A_371 = tpu.vector_load %arg11[%swap3A_369, %swap3A_370] {strides = array<i32>} : memref<80x128xf32, #tpu.memory_space<vmem>>, vector<1x16xf32>,
        %swap3A_372 = vector.shape_cast %swap3A_371 : vector<1x16xf32> to vector<16xf32>
        %swap3A_373 = vector.shape_cast %max3A_368 : vector<16xf32> to vector<1x16xf32>
        tpu.vector_store %arg11[%swap3A_369, %swap3A_370], %swap3A_373 {strides = array<i32>} : memref<80x128xf32, #tpu.memory_space<vmem>>, vector<1x16xf32>,
        %get3A_374 = arith.index_cast %scan3A_273 : i32 to index
        %get3A_375 = arith.constant 80 : index
        %get3A_376 = tpu.vector_load %arg11[%get3A_374, %get3A_375] {strides = array<i32>} : memref<80x128xf32, #tpu.memory_space<vmem>>, vector<1x16xf32>,
        %get3A_377 = vector.shape_cast %get3A_376 : vector<1x16xf32> to vector<16xf32>
        %get3A_378 = arith.index_cast %scan3A_273 : i32 to index
        %get3A_379 = arith.constant 80 : index
        %get3A_380 = tpu.vector_load %arg12[%get3A_378, %get3A_379] {strides = array<i32>} : memref<80x128xf32, #tpu.memory_space<vmem>>, vector<1x16xf32>,
        %get3A_381 = vector.shape_cast %get3A_380 : vector<1x16xf32> to vector<16xf32>
        %add3A_382 = arith.addf %get3A_377, %get3A_381 : vector<16xf32>
        %mul3A_383 = arith.mulf %add3A_382, %get3A_33 : vector<16xf32>
        %add3A_384 = arith.addf %mul3A_383, %get3A_73 : vector<16xf32>
        %mul3A_385 = arith.constant 3.000000e-01 : f32
        %mul3A_386 = vector.broadcast %mul3A_385 : f32 to vector<16xf32>
        %mul3A_387 = arith.mulf %mul3A_386, %add3A_384 : vector<16xf32>
        %max3A_388 = arith.maximumf %add3A_384, %mul3A_387 : vector<16xf32>
        %swap3A_389 = arith.index_cast %scan3A_273 : i32 to index
        %swap3A_390 = arith.constant 80 : index
        %swap3A_391 = tpu.vector_load %arg11[%swap3A_389, %swap3A_390] {strides = array<i32>} : memref<80x128xf32, #tpu.memory_space<vmem>>, vector<1x16xf32>,
        %swap3A_392 = vector.shape_cast %swap3A_391 : vector<1x16xf32> to vector<16xf32>
        %swap3A_393 = vector.shape_cast %max3A_388 : vector<16xf32> to vector<1x16xf32>
        tpu.vector_store %arg11[%swap3A_389, %swap3A_390], %swap3A_393 {strides = array<i32>} : memref<80x128xf32, #tpu.memory_space<vmem>>, vector<1x16xf32>,
        %get3A_394 = arith.index_cast %scan3A_273 : i32 to index
        %get3A_395 = arith.constant 96 : index
        %get3A_396 = tpu.vector_load %arg11[%get3A_394, %get3A_395] {strides = array<i32>} : memref<80x128xf32, #tpu.memory_space<vmem>>, vector<1x16xf32>,
        %get3A_397 = vector.shape_cast %get3A_396 : vector<1x16xf32> to vector<16xf32>
        %get3A_398 = arith.index_cast %scan3A_273 : i32 to index
        %get3A_399 = arith.constant 96 : index
        %get3A_400 = tpu.vector_load %arg12[%get3A_398, %get3A_399] {strides = array<i32>} : memref<80x128xf32, #tpu.memory_space<vmem>>, vector<1x16xf32>,
        %get3A_401 = vector.shape_cast %get3A_400 : vector<1x16xf32> to vector<16xf32>
        %add3A_402 = arith.addf %get3A_397, %get3A_401 : vector<16xf32>
        %mul3A_403 = arith.mulf %add3A_402, %get3A_38 : vector<16xf32>
        %add3A_404 = arith.addf %mul3A_403, %get3A_78 : vector<16xf32>
        %mul3A_405 = arith.constant 3.000000e-01 : f32
        %mul3A_406 = vector.broadcast %mul3A_405 : f32 to vector<16xf32>
        %mul3A_407 = arith.mulf %mul3A_406, %add3A_404 : vector<16xf32>
        %max3A_408 = arith.maximumf %add3A_404, %mul3A_407 : vector<16xf32>
        %swap3A_409 = arith.index_cast %scan3A_273 : i32 to index
        %swap3A_410 = arith.constant 96 : index
        %swap3A_411 = tpu.vector_load %arg11[%swap3A_409, %swap3A_410] {strides = array<i32>} : memref<80x128xf32, #tpu.memory_space<vmem>>, vector<1x16xf32>,
        %swap3A_412 = vector.shape_cast %swap3A_411 : vector<1x16xf32> to vector<16xf32>
        %swap3A_413 = vector.shape_cast %max3A_408 : vector<16xf32> to vector<1x16xf32>
        tpu.vector_store %arg11[%swap3A_409, %swap3A_410], %swap3A_413 {strides = array<i32>} : memref<80x128xf32, #tpu.memory_space<vmem>>, vector<1x16xf32>,
        %get3A_414 = arith.index_cast %scan3A_273 : i32 to index
        %get3A_415 = arith.constant 112 : index
        %get3A_416 = tpu.vector_load %arg11[%get3A_414, %get3A_415] {strides = array<i32>} : memref<80x128xf32, #tpu.memory_space<vmem>>, vector<1x16xf32>,
        %get3A_417 = vector.shape_cast %get3A_416 : vector<1x16xf32> to vector<16xf32>
        %get3A_418 = arith.index_cast %scan3A_273 : i32 to index
        %get3A_419 = arith.constant 112 : index
        %get3A_420 = tpu.vector_load %arg12[%get3A_418, %get3A_419] {strides = array<i32>} : memref<80x128xf32, #tpu.memory_space<vmem>>, vector<1x16xf32>,
        %get3A_421 = vector.shape_cast %get3A_420 : vector<1x16xf32> to vector<16xf32>
        %add3A_422 = arith.addf %get3A_417, %get3A_421 : vector<16xf32>
        %mul3A_423 = arith.mulf %add3A_422, %get3A_43 : vector<16xf32>
        %add3A_424 = arith.addf %mul3A_423, %get3A_83 : vector<16xf32>
        %mul3A_425 = arith.constant 3.000000e-01 : f32
        %mul3A_426 = vector.broadcast %mul3A_425 : f32 to vector<16xf32>
        %mul3A_427 = arith.mulf %mul3A_426, %add3A_424 : vector<16xf32>
        %max3A_428 = arith.maximumf %add3A_424, %mul3A_427 : vector<16xf32>
        %swap3A_429 = arith.index_cast %scan3A_273 : i32 to index
        %swap3A_430 = arith.constant 112 : index
        %swap3A_431 = tpu.vector_load %arg11[%swap3A_429, %swap3A_430] {strides = array<i32>} : memref<80x128xf32, #tpu.memory_space<vmem>>, vector<1x16xf32>,
        %swap3A_432 = vector.shape_cast %swap3A_431 : vector<1x16xf32> to vector<16xf32>
        %swap3A_433 = vector.shape_cast %max3A_428 : vector<16xf32> to vector<1x16xf32>
        tpu.vector_store %arg11[%swap3A_429, %swap3A_430], %swap3A_433 {strides = array<i32>} : memref<80x128xf32, #tpu.memory_space<vmem>>, vector<1x16xf32>,
        %scan3A_434 = arith.constant 0 : i32
        scf.yield %scan3A_434 : i32
      }
      %scan3A_158 = arith.constant 80 : i32
      %get3A_159 = arith.constant 0 : index
      %get3A_160 = tpu.vector_load %arg9[%get3A_159] {strides = array<i32>} : memref<80xi32, #tpu.memory_space<vmem>>, vector<16xi32>,
      %get3A_161 = vector.shape_cast %get3A_160 : vector<16xi32> to vector<16xi32>
      %swap3A = arith.constant 0 : index
      %swap3A_162 = tpu.vector_load %arg17[%swap3A] {strides = array<i32>} : memref<80xi32, #tpu.memory_space<vmem>>, vector<16xi32>,
      %swap3A_163 = vector.shape_cast %swap3A_162 : vector<16xi32> to vector<16xi32>
      %swap3A_164 = vector.shape_cast %get3A_161 : vector<16xi32> to vector<16xi32>
      tpu.vector_store %arg17[%swap3A], %swap3A_164 {strides = array<i32>} : memref<80xi32, #tpu.memory_space<vmem>>, vector<16xi32>,
      %get3A_165 = arith.constant 16 : index
      %get3A_166 = tpu.vector_load %arg9[%get3A_165] {strides = array<i32>} : memref<80xi32, #tpu.memory_space<vmem>>, vector<16xi32>,
      %get3A_167 = vector.shape_cast %get3A_166 : vector<16xi32> to vector<16xi32>
      %swap3A_168 = arith.constant 16 : index
      %swap3A_169 = tpu.vector_load %arg17[%swap3A_168] {strides = array<i32>} : memref<80xi32, #tpu.memory_space<vmem>>, vector<16xi32>,
      %swap3A_170 = vector.shape_cast %swap3A_169 : vector<16xi32> to vector<16xi32>
      %swap3A_171 = vector.shape_cast %get3A_167 : vector<16xi32> to vector<16xi32>
      tpu.vector_store %arg17[%swap3A_168], %swap3A_171 {strides = array<i32>} : memref<80xi32, #tpu.memory_space<vmem>>, vector<16xi32>,
      %get3A_172 = arith.constant 32 : index
      %get3A_173 = tpu.vector_load %arg9[%get3A_172] {strides = array<i32>} : memref<80xi32, #tpu.memory_space<vmem>>, vector<16xi32>,
      %get3A_174 = vector.shape_cast %get3A_173 : vector<16xi32> to vector<16xi32>
      %swap3A_175 = arith.constant 32 : index
      %swap3A_176 = tpu.vector_load %arg17[%swap3A_175] {strides = array<i32>} : memref<80xi32, #tpu.memory_space<vmem>>, vector<16xi32>,
      %swap3A_177 = vector.shape_cast %swap3A_176 : vector<16xi32> to vector<16xi32>
      %swap3A_178 = vector.shape_cast %get3A_174 : vector<16xi32> to vector<16xi32>
      tpu.vector_store %arg17[%swap3A_175], %swap3A_178 {strides = array<i32>} : memref<80xi32, #tpu.memory_space<vmem>>, vector<16xi32>,
      %get3A_179 = arith.constant 48 : index
      %get3A_180 = tpu.vector_load %arg9[%get3A_179] {strides = array<i32>} : memref<80xi32, #tpu.memory_space<vmem>>, vector<16xi32>,
      %get3A_181 = vector.shape_cast %get3A_180 : vector<16xi32> to vector<16xi32>
      %swap3A_182 = arith.constant 48 : index
      %swap3A_183 = tpu.vector_load %arg17[%swap3A_182] {strides = array<i32>} : memref<80xi32, #tpu.memory_space<vmem>>, vector<16xi32>,
      %swap3A_184 = vector.shape_cast %swap3A_183 : vector<16xi32> to vector<16xi32>
      %swap3A_185 = vector.shape_cast %get3A_181 : vector<16xi32> to vector<16xi32>
      tpu.vector_store %arg17[%swap3A_182], %swap3A_185 {strides = array<i32>} : memref<80xi32, #tpu.memory_space<vmem>>, vector<16xi32>,
      %get3A_186 = arith.constant 64 : index
      %get3A_187 = tpu.vector_load %arg9[%get3A_186] {strides = array<i32>} : memref<80xi32, #tpu.memory_space<vmem>>, vector<16xi32>,
      %get3A_188 = vector.shape_cast %get3A_187 : vector<16xi32> to vector<16xi32>
      %swap3A_189 = arith.constant 64 : index
      %swap3A_190 = tpu.vector_load %arg17[%swap3A_189] {strides = array<i32>} : memref<80xi32, #tpu.memory_space<vmem>>, vector<16xi32>,
      %swap3A_191 = vector.shape_cast %swap3A_190 : vector<16xi32> to vector<16xi32>
      %swap3A_192 = vector.shape_cast %get3A_188 : vector<16xi32> to vector<16xi32>
      tpu.vector_store %arg17[%swap3A_189], %swap3A_192 {strides = array<i32>} : memref<80xi32, #tpu.memory_space<vmem>>, vector<16xi32>,
      %dma_start3A_193 = arith.constant 0 : i32
      %dma_start3A_194 = arith.constant 0 : i32
      %dma_start3A_195 = tpu.memref_slice %arg34[%dma_start3A_193, %dma_start3A_194] : memref<10000x128xf32, #tpu.memory_space<vmem_shared>> -> memref<10000x128xf32, #tpu.memory_space<vmem_shared>>
      tpu.enqueue_indirect_dma source(%arg11 : memref<80x128xf32, #tpu.memory_space<vmem>>) target(%dma_start3A_195 : memref<10000x128xf32, #tpu.memory_space<vmem_shared>>) offsets(%arg17 : memref<80xi32, #tpu.memory_space<vmem>>) semaphore(%arg18 : memref<!tpu.dma_semaphore, #tpu.memory_space<semaphore_mem>>) {add = true}
      %add3A_196 = arith.constant 2 : i32
      %add3A_197 = arith.addi %mul3A_139, %add3A_196 : i32
      %lt3A_198 = arith.constant 125 : i32
      %lt3A_199 = arith.cmpi slt, %add3A_197, %lt3A_198 : i32
      %convert_element_type3A_200 = arith.extui %lt3A_199 : i1 to i32
      %cond3A_201 = arith.constant 0 : i32
      %cond3A_202 = arith.cmpi ne, %convert_element_type3A_200, %cond3A_201 : i32
      scf.if %cond3A_202 {
        %add3A_273 = arith.constant 2 : i32
        %add3A_274 = arith.addi %mul3A_139, %add3A_273 : i32
        %mul3A_275 = arith.constant 80 : i32
        %mul3A_276 = arith.muli %add3A_274, %mul3A_275 : i32
        %add3A_277 = arith.addi %mul3A_2, %mul3A_276 : i32
        %dma_start3A_278 = tpu.memref_slice %arg5[%add3A_277] : memref<320000xi32, #tpu.memory_space<hbm>> -> memref<80xi32, #tpu.memory_space<hbm>>
        %dma_start3A_279 = tpu.memref_slice %arg5[%add3A_277] : memref<320000xi32, #tpu.memory_space<hbm>> -> memref<80xi32, #tpu.memory_space<hbm>>
        tpu.enqueue_dma source(%dma_start3A_279 : memref<80xi32, #tpu.memory_space<hbm>>) target(%arg9 : memref<80xi32, #tpu.memory_space<vmem>>) target_semaphore(%arg13 : memref<!tpu.dma_semaphore, #tpu.memory_space<semaphore_mem>>)
        %dma_start3A_280 = tpu.memref_slice %arg4[%add3A_277] : memref<320000xi32, #tpu.memory_space<hbm>> -> memref<80xi32, #tpu.memory_space<hbm>>
        %dma_start3A_281 = tpu.memref_slice %arg4[%add3A_277] : memref<320000xi32, #tpu.memory_space<hbm>> -> memref<80xi32, #tpu.memory_space<hbm>>
        tpu.enqueue_dma source(%dma_start3A_281 : memref<80xi32, #tpu.memory_space<hbm>>) target(%arg10 : memref<80xi32, #tpu.memory_space<vmem>>) target_semaphore(%arg14 : memref<!tpu.dma_semaphore, #tpu.memory_space<semaphore_mem>>)
      } else {
      }
      %mul3A_203 = arith.constant 2 : i32
      %mul3A_204 = arith.muli %mul3A_203, %scan3A_136 : i32
      %add3A_205 = arith.constant 1 : i32
      %add3A_206 = arith.addi %mul3A_204, %add3A_205 : i32
      %dma_wait3A_207 = arith.constant 0 : i32
      %dma_wait3A_208 = arith.constant 0 : i32
      %dma_wait3A_209 = tpu.memref_slice %arg2[%dma_wait3A_207, %dma_wait3A_208] : memref<10000x128xf32, #tpu.memory_space<hbm>> -> memref<10000x128xf32, #tpu.memory_space<hbm>>
      tpu.wait_indirect_dma semaphore(%arg25 : memref<!tpu.dma_semaphore, #tpu.memory_space<semaphore_mem>>) src(%dma_wait3A_209 : memref<10000x128xf32, #tpu.memory_space<hbm>>) dst(%arg21 : memref<80x128xf32, #tpu.memory_space<vmem>>)
      %dma_wait3A_210 = arith.constant 0 : i32
      %dma_wait3A_211 = arith.constant 0 : i32
      %dma_wait3A_212 = tpu.memref_slice %arg3[%dma_wait3A_210, %dma_wait3A_211] : memref<10000x128xf32, #tpu.memory_space<hbm>> -> memref<10000x128xf32, #tpu.memory_space<hbm>>
      tpu.wait_indirect_dma semaphore(%arg26 : memref<!tpu.dma_semaphore, #tpu.memory_space<semaphore_mem>>) src(%dma_wait3A_212 : memref<10000x128xf32, #tpu.memory_space<hbm>>) dst(%arg22 : memref<80x128xf32, #tpu.memory_space<vmem>>)
      %add3A_213 = arith.constant 1 : i32
      %add3A_214 = arith.addi %add3A_206, %add3A_213 : i32
      %lt3A_215 = arith.constant 125 : i32
      %lt3A_216 = arith.cmpi slt, %add3A_214, %lt3A_215 : i32
      %convert_element_type3A_217 = arith.extui %lt3A_216 : i1 to i32
      %cond3A_218 = arith.constant 0 : i32
      %cond3A_219 = arith.cmpi ne, %convert_element_type3A_217, %cond3A_218 : i32
      scf.if %cond3A_219 {
        %dma_wait3A_273 = arith.constant 0 : i32
        %dma_wait3A_274 = tpu.memref_slice %arg5[%dma_wait3A_273] : memref<320000xi32, #tpu.memory_space<hbm>> -> memref<80xi32, #tpu.memory_space<hbm>>
        %dma_wait3A_275 = arith.constant 0 : i32
        %dma_wait3A_276 = tpu.memref_slice %arg5[%dma_wait3A_275] : memref<320000xi32, #tpu.memory_space<hbm>> -> memref<80xi32, #tpu.memory_space<hbm>>
        tpu.wait_dma2 semaphore(%arg13 : memref<!tpu.dma_semaphore, #tpu.memory_space<semaphore_mem>>) src(%dma_wait3A_276 : memref<80xi32, #tpu.memory_space<hbm>>) dst(%arg9 : memref<80xi32, #tpu.memory_space<vmem>>)
        %dma_wait3A_277 = arith.constant 0 : i32
        %dma_wait3A_278 = tpu.memref_slice %arg4[%dma_wait3A_277] : memref<320000xi32, #tpu.memory_space<hbm>> -> memref<80xi32, #tpu.memory_space<hbm>>
        %dma_wait3A_279 = arith.constant 0 : i32
        %dma_wait3A_280 = tpu.memref_slice %arg4[%dma_wait3A_279] : memref<320000xi32, #tpu.memory_space<hbm>> -> memref<80xi32, #tpu.memory_space<hbm>>
        tpu.wait_dma2 semaphore(%arg14 : memref<!tpu.dma_semaphore, #tpu.memory_space<semaphore_mem>>) src(%dma_wait3A_280 : memref<80xi32, #tpu.memory_space<hbm>>) dst(%arg10 : memref<80xi32, #tpu.memory_space<vmem>>)
        %ge3A = arith.constant 1 : i32
        %ge3A_281 = arith.cmpi sge, %add3A_206, %ge3A : i32
        %convert_element_type3A_282 = arith.extui %ge3A_281 : i1 to i32
        %cond3A_283 = arith.constant 0 : i32
        %cond3A_284 = arith.cmpi ne, %convert_element_type3A_282, %cond3A_283 : i32
        scf.if %cond3A_284 {
          %dma_wait3A_291 = arith.constant 0 : i32
          %dma_wait3A_292 = arith.constant 0 : i32
          %dma_wait3A_293 = tpu.memref_slice %arg34[%dma_wait3A_291, %dma_wait3A_292] : memref<10000x128xf32, #tpu.memory_space<vmem_shared>> -> memref<10000x128xf32, #tpu.memory_space<vmem_shared>>
          tpu.wait_indirect_dma semaphore(%arg18 : memref<!tpu.dma_semaphore, #tpu.memory_space<semaphore_mem>>) src(%arg11 : memref<80x128xf32, #tpu.memory_space<vmem>>) dst(%dma_wait3A_293 : memref<10000x128xf32, #tpu.memory_space<vmem_shared>>)
        } else {
        }
        %dma_start3A_285 = arith.constant 0 : i32
        %dma_start3A_286 = arith.constant 0 : i32
        %dma_start3A_287 = tpu.memref_slice %arg2[%dma_start3A_285, %dma_start3A_286] : memref<10000x128xf32, #tpu.memory_space<hbm>> -> memref<10000x128xf32, #tpu.memory_space<hbm>>
        tpu.enqueue_indirect_dma source(%dma_start3A_287 : memref<10000x128xf32, #tpu.memory_space<hbm>>) target(%arg11 : memref<80x128xf32, #tpu.memory_space<vmem>>) offsets(%arg9 : memref<80xi32, #tpu.memory_space<vmem>>) semaphore(%arg15 : memref<!tpu.dma_semaphore, #tpu.memory_space<semaphore_mem>>)
        %dma_start3A_288 = arith.constant 0 : i32
        %dma_start3A_289 = arith.constant 0 : i32
        %dma_start3A_290 = tpu.memref_slice %arg3[%dma_start3A_288, %dma_start3A_289] : memref<10000x128xf32, #tpu.memory_space<hbm>> -> memref<10000x128xf32, #tpu.memory_space<hbm>>
        tpu.enqueue_indirect_dma source(%dma_start3A_290 : memref<10000x128xf32, #tpu.memory_space<hbm>>) target(%arg12 : memref<80x128xf32, #tpu.memory_space<vmem>>) offsets(%arg10 : memref<80xi32, #tpu.memory_space<vmem>>) semaphore(%arg16 : memref<!tpu.dma_semaphore, #tpu.memory_space<semaphore_mem>>)
      } else {
      }
      %scan3A_220 = arith.constant 0 : i32
      %scan3A_221 = arith.constant 0 : i32
      %scan3A_222 = arith.constant 80 : i32
      %scan3A_223 = arith.addi %scan3A_221, %scan3A_222 : i32
      %scan3A_224 = arith.constant 1 : i32
      %scan3A_225 = scf.for %scan3A_273 = %scan3A_221 to %scan3A_223 step %scan3A_224 iter_args(%scan3A_274 = %scan3A_220) -> (i32)  : i32 {
        %get3A_275 = arith.index_cast %scan3A_273 : i32 to index
        %get3A_276 = arith.constant 0 : index
        %get3A_277 = tpu.vector_load %arg21[%get3A_275, %get3A_276] {strides = array<i32>} : memref<80x128xf32, #tpu.memory_space<vmem>>, vector<1x16xf32>,
        %get3A_278 = vector.shape_cast %get3A_277 : vector<1x16xf32> to vector<16xf32>
        %get3A_279 = arith.index_cast %scan3A_273 : i32 to index
        %get3A_280 = arith.constant 0 : index
        %get3A_281 = tpu.vector_load %arg22[%get3A_279, %get3A_280] {strides = array<i32>} : memref<80x128xf32, #tpu.memory_space<vmem>>, vector<1x16xf32>,
        %get3A_282 = vector.shape_cast %get3A_281 : vector<1x16xf32> to vector<16xf32>
        %add3A_283 = arith.addf %get3A_278, %get3A_282 : vector<16xf32>
        %mul3A_284 = arith.mulf %add3A_283, %get3A_8 : vector<16xf32>
        %add3A_285 = arith.addf %mul3A_284, %get3A_48 : vector<16xf32>
        %mul3A_286 = arith.constant 3.000000e-01 : f32
        %mul3A_287 = vector.broadcast %mul3A_286 : f32 to vector<16xf32>
        %mul3A_288 = arith.mulf %mul3A_287, %add3A_285 : vector<16xf32>
        %max3A = arith.maximumf %add3A_285, %mul3A_288 : vector<16xf32>
        %swap3A_289 = arith.index_cast %scan3A_273 : i32 to index
        %swap3A_290 = arith.constant 0 : index
        %swap3A_291 = tpu.vector_load %arg21[%swap3A_289, %swap3A_290] {strides = array<i32>} : memref<80x128xf32, #tpu.memory_space<vmem>>, vector<1x16xf32>,
        %swap3A_292 = vector.shape_cast %swap3A_291 : vector<1x16xf32> to vector<16xf32>
        %swap3A_293 = vector.shape_cast %max3A : vector<16xf32> to vector<1x16xf32>
        tpu.vector_store %arg21[%swap3A_289, %swap3A_290], %swap3A_293 {strides = array<i32>} : memref<80x128xf32, #tpu.memory_space<vmem>>, vector<1x16xf32>,
        %get3A_294 = arith.index_cast %scan3A_273 : i32 to index
        %get3A_295 = arith.constant 16 : index
        %get3A_296 = tpu.vector_load %arg21[%get3A_294, %get3A_295] {strides = array<i32>} : memref<80x128xf32, #tpu.memory_space<vmem>>, vector<1x16xf32>,
        %get3A_297 = vector.shape_cast %get3A_296 : vector<1x16xf32> to vector<16xf32>
        %get3A_298 = arith.index_cast %scan3A_273 : i32 to index
        %get3A_299 = arith.constant 16 : index
        %get3A_300 = tpu.vector_load %arg22[%get3A_298, %get3A_299] {strides = array<i32>} : memref<80x128xf32, #tpu.memory_space<vmem>>, vector<1x16xf32>,
        %get3A_301 = vector.shape_cast %get3A_300 : vector<1x16xf32> to vector<16xf32>
        %add3A_302 = arith.addf %get3A_297, %get3A_301 : vector<16xf32>
        %mul3A_303 = arith.mulf %add3A_302, %get3A_13 : vector<16xf32>
        %add3A_304 = arith.addf %mul3A_303, %get3A_53 : vector<16xf32>
        %mul3A_305 = arith.constant 3.000000e-01 : f32
        %mul3A_306 = vector.broadcast %mul3A_305 : f32 to vector<16xf32>
        %mul3A_307 = arith.mulf %mul3A_306, %add3A_304 : vector<16xf32>
        %max3A_308 = arith.maximumf %add3A_304, %mul3A_307 : vector<16xf32>
        %swap3A_309 = arith.index_cast %scan3A_273 : i32 to index
        %swap3A_310 = arith.constant 16 : index
        %swap3A_311 = tpu.vector_load %arg21[%swap3A_309, %swap3A_310] {strides = array<i32>} : memref<80x128xf32, #tpu.memory_space<vmem>>, vector<1x16xf32>,
        %swap3A_312 = vector.shape_cast %swap3A_311 : vector<1x16xf32> to vector<16xf32>
        %swap3A_313 = vector.shape_cast %max3A_308 : vector<16xf32> to vector<1x16xf32>
        tpu.vector_store %arg21[%swap3A_309, %swap3A_310], %swap3A_313 {strides = array<i32>} : memref<80x128xf32, #tpu.memory_space<vmem>>, vector<1x16xf32>,
        %get3A_314 = arith.index_cast %scan3A_273 : i32 to index
        %get3A_315 = arith.constant 32 : index
        %get3A_316 = tpu.vector_load %arg21[%get3A_314, %get3A_315] {strides = array<i32>} : memref<80x128xf32, #tpu.memory_space<vmem>>, vector<1x16xf32>,
        %get3A_317 = vector.shape_cast %get3A_316 : vector<1x16xf32> to vector<16xf32>
        %get3A_318 = arith.index_cast %scan3A_273 : i32 to index
        %get3A_319 = arith.constant 32 : index
        %get3A_320 = tpu.vector_load %arg22[%get3A_318, %get3A_319] {strides = array<i32>} : memref<80x128xf32, #tpu.memory_space<vmem>>, vector<1x16xf32>,
        %get3A_321 = vector.shape_cast %get3A_320 : vector<1x16xf32> to vector<16xf32>
        %add3A_322 = arith.addf %get3A_317, %get3A_321 : vector<16xf32>
        %mul3A_323 = arith.mulf %add3A_322, %get3A_18 : vector<16xf32>
        %add3A_324 = arith.addf %mul3A_323, %get3A_58 : vector<16xf32>
        %mul3A_325 = arith.constant 3.000000e-01 : f32
        %mul3A_326 = vector.broadcast %mul3A_325 : f32 to vector<16xf32>
        %mul3A_327 = arith.mulf %mul3A_326, %add3A_324 : vector<16xf32>
        %max3A_328 = arith.maximumf %add3A_324, %mul3A_327 : vector<16xf32>
        %swap3A_329 = arith.index_cast %scan3A_273 : i32 to index
        %swap3A_330 = arith.constant 32 : index
        %swap3A_331 = tpu.vector_load %arg21[%swap3A_329, %swap3A_330] {strides = array<i32>} : memref<80x128xf32, #tpu.memory_space<vmem>>, vector<1x16xf32>,
        %swap3A_332 = vector.shape_cast %swap3A_331 : vector<1x16xf32> to vector<16xf32>
        %swap3A_333 = vector.shape_cast %max3A_328 : vector<16xf32> to vector<1x16xf32>
        tpu.vector_store %arg21[%swap3A_329, %swap3A_330], %swap3A_333 {strides = array<i32>} : memref<80x128xf32, #tpu.memory_space<vmem>>, vector<1x16xf32>,
        %get3A_334 = arith.index_cast %scan3A_273 : i32 to index
        %get3A_335 = arith.constant 48 : index
        %get3A_336 = tpu.vector_load %arg21[%get3A_334, %get3A_335] {strides = array<i32>} : memref<80x128xf32, #tpu.memory_space<vmem>>, vector<1x16xf32>,
        %get3A_337 = vector.shape_cast %get3A_336 : vector<1x16xf32> to vector<16xf32>
        %get3A_338 = arith.index_cast %scan3A_273 : i32 to index
        %get3A_339 = arith.constant 48 : index
        %get3A_340 = tpu.vector_load %arg22[%get3A_338, %get3A_339] {strides = array<i32>} : memref<80x128xf32, #tpu.memory_space<vmem>>, vector<1x16xf32>,
        %get3A_341 = vector.shape_cast %get3A_340 : vector<1x16xf32> to vector<16xf32>
        %add3A_342 = arith.addf %get3A_337, %get3A_341 : vector<16xf32>
        %mul3A_343 = arith.mulf %add3A_342, %get3A_23 : vector<16xf32>
        %add3A_344 = arith.addf %mul3A_343, %get3A_63 : vector<16xf32>
        %mul3A_345 = arith.constant 3.000000e-01 : f32
        %mul3A_346 = vector.broadcast %mul3A_345 : f32 to vector<16xf32>
        %mul3A_347 = arith.mulf %mul3A_346, %add3A_344 : vector<16xf32>
        %max3A_348 = arith.maximumf %add3A_344, %mul3A_347 : vector<16xf32>
        %swap3A_349 = arith.index_cast %scan3A_273 : i32 to index
        %swap3A_350 = arith.constant 48 : index
        %swap3A_351 = tpu.vector_load %arg21[%swap3A_349, %swap3A_350] {strides = array<i32>} : memref<80x128xf32, #tpu.memory_space<vmem>>, vector<1x16xf32>,
        %swap3A_352 = vector.shape_cast %swap3A_351 : vector<1x16xf32> to vector<16xf32>
        %swap3A_353 = vector.shape_cast %max3A_348 : vector<16xf32> to vector<1x16xf32>
        tpu.vector_store %arg21[%swap3A_349, %swap3A_350], %swap3A_353 {strides = array<i32>} : memref<80x128xf32, #tpu.memory_space<vmem>>, vector<1x16xf32>,
        %get3A_354 = arith.index_cast %scan3A_273 : i32 to index
        %get3A_355 = arith.constant 64 : index
        %get3A_356 = tpu.vector_load %arg21[%get3A_354, %get3A_355] {strides = array<i32>} : memref<80x128xf32, #tpu.memory_space<vmem>>, vector<1x16xf32>,
        %get3A_357 = vector.shape_cast %get3A_356 : vector<1x16xf32> to vector<16xf32>
        %get3A_358 = arith.index_cast %scan3A_273 : i32 to index
        %get3A_359 = arith.constant 64 : index
        %get3A_360 = tpu.vector_load %arg22[%get3A_358, %get3A_359] {strides = array<i32>} : memref<80x128xf32, #tpu.memory_space<vmem>>, vector<1x16xf32>,
        %get3A_361 = vector.shape_cast %get3A_360 : vector<1x16xf32> to vector<16xf32>
        %add3A_362 = arith.addf %get3A_357, %get3A_361 : vector<16xf32>
        %mul3A_363 = arith.mulf %add3A_362, %get3A_28 : vector<16xf32>
        %add3A_364 = arith.addf %mul3A_363, %get3A_68 : vector<16xf32>
        %mul3A_365 = arith.constant 3.000000e-01 : f32
        %mul3A_366 = vector.broadcast %mul3A_365 : f32 to vector<16xf32>
        %mul3A_367 = arith.mulf %mul3A_366, %add3A_364 : vector<16xf32>
        %max3A_368 = arith.maximumf %add3A_364, %mul3A_367 : vector<16xf32>
        %swap3A_369 = arith.index_cast %scan3A_273 : i32 to index
        %swap3A_370 = arith.constant 64 : index
        %swap3A_371 = tpu.vector_load %arg21[%swap3A_369, %swap3A_370] {strides = array<i32>} : memref<80x128xf32, #tpu.memory_space<vmem>>, vector<1x16xf32>,
        %swap3A_372 = vector.shape_cast %swap3A_371 : vector<1x16xf32> to vector<16xf32>
        %swap3A_373 = vector.shape_cast %max3A_368 : vector<16xf32> to vector<1x16xf32>
        tpu.vector_store %arg21[%swap3A_369, %swap3A_370], %swap3A_373 {strides = array<i32>} : memref<80x128xf32, #tpu.memory_space<vmem>>, vector<1x16xf32>,
        %get3A_374 = arith.index_cast %scan3A_273 : i32 to index
        %get3A_375 = arith.constant 80 : index
        %get3A_376 = tpu.vector_load %arg21[%get3A_374, %get3A_375] {strides = array<i32>} : memref<80x128xf32, #tpu.memory_space<vmem>>, vector<1x16xf32>,
        %get3A_377 = vector.shape_cast %get3A_376 : vector<1x16xf32> to vector<16xf32>
        %get3A_378 = arith.index_cast %scan3A_273 : i32 to index
        %get3A_379 = arith.constant 80 : index
        %get3A_380 = tpu.vector_load %arg22[%get3A_378, %get3A_379] {strides = array<i32>} : memref<80x128xf32, #tpu.memory_space<vmem>>, vector<1x16xf32>,
        %get3A_381 = vector.shape_cast %get3A_380 : vector<1x16xf32> to vector<16xf32>
        %add3A_382 = arith.addf %get3A_377, %get3A_381 : vector<16xf32>
        %mul3A_383 = arith.mulf %add3A_382, %get3A_33 : vector<16xf32>
        %add3A_384 = arith.addf %mul3A_383, %get3A_73 : vector<16xf32>
        %mul3A_385 = arith.constant 3.000000e-01 : f32
        %mul3A_386 = vector.broadcast %mul3A_385 : f32 to vector<16xf32>
        %mul3A_387 = arith.mulf %mul3A_386, %add3A_384 : vector<16xf32>
        %max3A_388 = arith.maximumf %add3A_384, %mul3A_387 : vector<16xf32>
        %swap3A_389 = arith.index_cast %scan3A_273 : i32 to index
        %swap3A_390 = arith.constant 80 : index
        %swap3A_391 = tpu.vector_load %arg21[%swap3A_389, %swap3A_390] {strides = array<i32>} : memref<80x128xf32, #tpu.memory_space<vmem>>, vector<1x16xf32>,
        %swap3A_392 = vector.shape_cast %swap3A_391 : vector<1x16xf32> to vector<16xf32>
        %swap3A_393 = vector.shape_cast %max3A_388 : vector<16xf32> to vector<1x16xf32>
        tpu.vector_store %arg21[%swap3A_389, %swap3A_390], %swap3A_393 {strides = array<i32>} : memref<80x128xf32, #tpu.memory_space<vmem>>, vector<1x16xf32>,
        %get3A_394 = arith.index_cast %scan3A_273 : i32 to index
        %get3A_395 = arith.constant 96 : index
        %get3A_396 = tpu.vector_load %arg21[%get3A_394, %get3A_395] {strides = array<i32>} : memref<80x128xf32, #tpu.memory_space<vmem>>, vector<1x16xf32>,
        %get3A_397 = vector.shape_cast %get3A_396 : vector<1x16xf32> to vector<16xf32>
        %get3A_398 = arith.index_cast %scan3A_273 : i32 to index
        %get3A_399 = arith.constant 96 : index
        %get3A_400 = tpu.vector_load %arg22[%get3A_398, %get3A_399] {strides = array<i32>} : memref<80x128xf32, #tpu.memory_space<vmem>>, vector<1x16xf32>,
        %get3A_401 = vector.shape_cast %get3A_400 : vector<1x16xf32> to vector<16xf32>
        %add3A_402 = arith.addf %get3A_397, %get3A_401 : vector<16xf32>
        %mul3A_403 = arith.mulf %add3A_402, %get3A_38 : vector<16xf32>
        %add3A_404 = arith.addf %mul3A_403, %get3A_78 : vector<16xf32>
        %mul3A_405 = arith.constant 3.000000e-01 : f32
        %mul3A_406 = vector.broadcast %mul3A_405 : f32 to vector<16xf32>
        %mul3A_407 = arith.mulf %mul3A_406, %add3A_404 : vector<16xf32>
        %max3A_408 = arith.maximumf %add3A_404, %mul3A_407 : vector<16xf32>
        %swap3A_409 = arith.index_cast %scan3A_273 : i32 to index
        %swap3A_410 = arith.constant 96 : index
        %swap3A_411 = tpu.vector_load %arg21[%swap3A_409, %swap3A_410] {strides = array<i32>} : memref<80x128xf32, #tpu.memory_space<vmem>>, vector<1x16xf32>,
        %swap3A_412 = vector.shape_cast %swap3A_411 : vector<1x16xf32> to vector<16xf32>
        %swap3A_413 = vector.shape_cast %max3A_408 : vector<16xf32> to vector<1x16xf32>
        tpu.vector_store %arg21[%swap3A_409, %swap3A_410], %swap3A_413 {strides = array<i32>} : memref<80x128xf32, #tpu.memory_space<vmem>>, vector<1x16xf32>,
        %get3A_414 = arith.index_cast %scan3A_273 : i32 to index
        %get3A_415 = arith.constant 112 : index
        %get3A_416 = tpu.vector_load %arg21[%get3A_414, %get3A_415] {strides = array<i32>} : memref<80x128xf32, #tpu.memory_space<vmem>>, vector<1x16xf32>,
        %get3A_417 = vector.shape_cast %get3A_416 : vector<1x16xf32> to vector<16xf32>
        %get3A_418 = arith.index_cast %scan3A_273 : i32 to index
        %get3A_419 = arith.constant 112 : index
        %get3A_420 = tpu.vector_load %arg22[%get3A_418, %get3A_419] {strides = array<i32>} : memref<80x128xf32, #tpu.memory_space<vmem>>, vector<1x16xf32>,
        %get3A_421 = vector.shape_cast %get3A_420 : vector<1x16xf32> to vector<16xf32>
        %add3A_422 = arith.addf %get3A_417, %get3A_421 : vector<16xf32>
        %mul3A_423 = arith.mulf %add3A_422, %get3A_43 : vector<16xf32>
        %add3A_424 = arith.addf %mul3A_423, %get3A_83 : vector<16xf32>
        %mul3A_425 = arith.constant 3.000000e-01 : f32
        %mul3A_426 = vector.broadcast %mul3A_425 : f32 to vector<16xf32>
        %mul3A_427 = arith.mulf %mul3A_426, %add3A_424 : vector<16xf32>
        %max3A_428 = arith.maximumf %add3A_424, %mul3A_427 : vector<16xf32>
        %swap3A_429 = arith.index_cast %scan3A_273 : i32 to index
        %swap3A_430 = arith.constant 112 : index
        %swap3A_431 = tpu.vector_load %arg21[%swap3A_429, %swap3A_430] {strides = array<i32>} : memref<80x128xf32, #tpu.memory_space<vmem>>, vector<1x16xf32>,
        %swap3A_432 = vector.shape_cast %swap3A_431 : vector<1x16xf32> to vector<16xf32>
        %swap3A_433 = vector.shape_cast %max3A_428 : vector<16xf32> to vector<1x16xf32>
        tpu.vector_store %arg21[%swap3A_429, %swap3A_430], %swap3A_433 {strides = array<i32>} : memref<80x128xf32, #tpu.memory_space<vmem>>, vector<1x16xf32>,
        %scan3A_434 = arith.constant 0 : i32
        scf.yield %scan3A_434 : i32
      }
      %scan3A_226 = arith.constant 80 : i32
      %get3A_227 = arith.constant 0 : index
      %get3A_228 = tpu.vector_load %arg19[%get3A_227] {strides = array<i32>} : memref<80xi32, #tpu.memory_space<vmem>>, vector<16xi32>,
      %get3A_229 = vector.shape_cast %get3A_228 : vector<16xi32> to vector<16xi32>
      %swap3A_230 = arith.constant 0 : index
      %swap3A_231 = tpu.vector_load %arg27[%swap3A_230] {strides = array<i32>} : memref<80xi32, #tpu.memory_space<vmem>>, vector<16xi32>,
      %swap3A_232 = vector.shape_cast %swap3A_231 : vector<16xi32> to vector<16xi32>
      %swap3A_233 = vector.shape_cast %get3A_229 : vector<16xi32> to vector<16xi32>
      tpu.vector_store %arg27[%swap3A_230], %swap3A_233 {strides = array<i32>} : memref<80xi32, #tpu.memory_space<vmem>>, vector<16xi32>,
      %get3A_234 = arith.constant 16 : index
      %get3A_235 = tpu.vector_load %arg19[%get3A_234] {strides = array<i32>} : memref<80xi32, #tpu.memory_space<vmem>>, vector<16xi32>,
      %get3A_236 = vector.shape_cast %get3A_235 : vector<16xi32> to vector<16xi32>
      %swap3A_237 = arith.constant 16 : index
      %swap3A_238 = tpu.vector_load %arg27[%swap3A_237] {strides = array<i32>} : memref<80xi32, #tpu.memory_space<vmem>>, vector<16xi32>,
      %swap3A_239 = vector.shape_cast %swap3A_238 : vector<16xi32> to vector<16xi32>
      %swap3A_240 = vector.shape_cast %get3A_236 : vector<16xi32> to vector<16xi32>
      tpu.vector_store %arg27[%swap3A_237], %swap3A_240 {strides = array<i32>} : memref<80xi32, #tpu.memory_space<vmem>>, vector<16xi32>,
      %get3A_241 = arith.constant 32 : index
      %get3A_242 = tpu.vector_load %arg19[%get3A_241] {strides = array<i32>} : memref<80xi32, #tpu.memory_space<vmem>>, vector<16xi32>,
      %get3A_243 = vector.shape_cast %get3A_242 : vector<16xi32> to vector<16xi32>
      %swap3A_244 = arith.constant 32 : index
      %swap3A_245 = tpu.vector_load %arg27[%swap3A_244] {strides = array<i32>} : memref<80xi32, #tpu.memory_space<vmem>>, vector<16xi32>,
      %swap3A_246 = vector.shape_cast %swap3A_245 : vector<16xi32> to vector<16xi32>
      %swap3A_247 = vector.shape_cast %get3A_243 : vector<16xi32> to vector<16xi32>
      tpu.vector_store %arg27[%swap3A_244], %swap3A_247 {strides = array<i32>} : memref<80xi32, #tpu.memory_space<vmem>>, vector<16xi32>,
      %get3A_248 = arith.constant 48 : index
      %get3A_249 = tpu.vector_load %arg19[%get3A_248] {strides = array<i32>} : memref<80xi32, #tpu.memory_space<vmem>>, vector<16xi32>,
      %get3A_250 = vector.shape_cast %get3A_249 : vector<16xi32> to vector<16xi32>
      %swap3A_251 = arith.constant 48 : index
      %swap3A_252 = tpu.vector_load %arg27[%swap3A_251] {strides = array<i32>} : memref<80xi32, #tpu.memory_space<vmem>>, vector<16xi32>,
      %swap3A_253 = vector.shape_cast %swap3A_252 : vector<16xi32> to vector<16xi32>
      %swap3A_254 = vector.shape_cast %get3A_250 : vector<16xi32> to vector<16xi32>
      tpu.vector_store %arg27[%swap3A_251], %swap3A_254 {strides = array<i32>} : memref<80xi32, #tpu.memory_space<vmem>>, vector<16xi32>,
      %get3A_255 = arith.constant 64 : index
      %get3A_256 = tpu.vector_load %arg19[%get3A_255] {strides = array<i32>} : memref<80xi32, #tpu.memory_space<vmem>>, vector<16xi32>,
      %get3A_257 = vector.shape_cast %get3A_256 : vector<16xi32> to vector<16xi32>
      %swap3A_258 = arith.constant 64 : index
      %swap3A_259 = tpu.vector_load %arg27[%swap3A_258] {strides = array<i32>} : memref<80xi32, #tpu.memory_space<vmem>>, vector<16xi32>,
      %swap3A_260 = vector.shape_cast %swap3A_259 : vector<16xi32> to vector<16xi32>
      %swap3A_261 = vector.shape_cast %get3A_257 : vector<16xi32> to vector<16xi32>
      tpu.vector_store %arg27[%swap3A_258], %swap3A_261 {strides = array<i32>} : memref<80xi32, #tpu.memory_space<vmem>>, vector<16xi32>,
      %dma_start3A_262 = arith.constant 0 : i32
      %dma_start3A_263 = arith.constant 0 : i32
      %dma_start3A_264 = tpu.memref_slice %arg34[%dma_start3A_262, %dma_start3A_263] : memref<10000x128xf32, #tpu.memory_space<vmem_shared>> -> memref<10000x128xf32, #tpu.memory_space<vmem_shared>>
      tpu.enqueue_indirect_dma source(%arg21 : memref<80x128xf32, #tpu.memory_space<vmem>>) target(%dma_start3A_264 : memref<10000x128xf32, #tpu.memory_space<vmem_shared>>) offsets(%arg27 : memref<80xi32, #tpu.memory_space<vmem>>) semaphore(%arg28 : memref<!tpu.dma_semaphore, #tpu.memory_space<semaphore_mem>>) {add = true}
      %add3A_265 = arith.constant 2 : i32
      %add3A_266 = arith.addi %add3A_206, %add3A_265 : i32
      %lt3A_267 = arith.constant 125 : i32
      %lt3A_268 = arith.cmpi slt, %add3A_266, %lt3A_267 : i32
      %convert_element_type3A_269 = arith.extui %lt3A_268 : i1 to i32
      %cond3A_270 = arith.constant 0 : i32
      %cond3A_271 = arith.cmpi ne, %convert_element_type3A_269, %cond3A_270 : i32
      scf.if %cond3A_271 {
        %add3A_273 = arith.constant 2 : i32
        %add3A_274 = arith.addi %add3A_206, %add3A_273 : i32
        %mul3A_275 = arith.constant 80 : i32
        %mul3A_276 = arith.muli %add3A_274, %mul3A_275 : i32
        %add3A_277 = arith.addi %mul3A_2, %mul3A_276 : i32
        %dma_start3A_278 = tpu.memref_slice %arg5[%add3A_277] : memref<320000xi32, #tpu.memory_space<hbm>> -> memref<80xi32, #tpu.memory_space<hbm>>
        %dma_start3A_279 = tpu.memref_slice %arg5[%add3A_277] : memref<320000xi32, #tpu.memory_space<hbm>> -> memref<80xi32, #tpu.memory_space<hbm>>
        tpu.enqueue_dma source(%dma_start3A_279 : memref<80xi32, #tpu.memory_space<hbm>>) target(%arg19 : memref<80xi32, #tpu.memory_space<vmem>>) target_semaphore(%arg23 : memref<!tpu.dma_semaphore, #tpu.memory_space<semaphore_mem>>)
        %dma_start3A_280 = tpu.memref_slice %arg4[%add3A_277] : memref<320000xi32, #tpu.memory_space<hbm>> -> memref<80xi32, #tpu.memory_space<hbm>>
        %dma_start3A_281 = tpu.memref_slice %arg4[%add3A_277] : memref<320000xi32, #tpu.memory_space<hbm>> -> memref<80xi32, #tpu.memory_space<hbm>>
        tpu.enqueue_dma source(%dma_start3A_281 : memref<80xi32, #tpu.memory_space<hbm>>) target(%arg20 : memref<80xi32, #tpu.memory_space<vmem>>) target_semaphore(%arg24 : memref<!tpu.dma_semaphore, #tpu.memory_space<semaphore_mem>>)
      } else {
      }
      %scan3A_272 = arith.constant 0 : i32
      scf.yield %scan3A_272 : i32
    }
    %scan3A_113 = arith.constant 62 : i32
    %dma_wait3A_114 = arith.constant 0 : i32
    %dma_wait3A_115 = arith.constant 0 : i32
    %dma_wait3A_116 = tpu.memref_slice %arg34[%dma_wait3A_114, %dma_wait3A_115] : memref<10000x128xf32, #tpu.memory_space<vmem_shared>> -> memref<10000x128xf32, #tpu.memory_space<vmem_shared>>
    tpu.wait_indirect_dma semaphore(%arg28 : memref<!tpu.dma_semaphore, #tpu.memory_space<semaphore_mem>>) src(%arg21 : memref<80x128xf32, #tpu.memory_space<vmem>>) dst(%dma_wait3A_116 : memref<10000x128xf32, #tpu.memory_space<vmem_shared>>)
    %dma_wait3A_117 = arith.constant 0 : i32
    %dma_wait3A_118 = arith.constant 0 : i32
    %dma_wait3A_119 = tpu.memref_slice %arg2[%dma_wait3A_117, %dma_wait3A_118] : memref<10000x128xf32, #tpu.memory_space<hbm>> -> memref<10000x128xf32, #tpu.memory_space<hbm>>
    tpu.wait_indirect_dma semaphore(%arg15 : memref<!tpu.dma_semaphore, #tpu.memory_space<semaphore_mem>>) src(%dma_wait3A_119 : memref<10000x128xf32, #tpu.memory_space<hbm>>) dst(%arg11 : memref<80x128xf32, #tpu.memory_space<vmem>>)
    %dma_wait3A_120 = arith.constant 0 : i32
    %dma_wait3A_121 = arith.constant 0 : i32
    %dma_wait3A_122 = tpu.memref_slice %arg3[%dma_wait3A_120, %dma_wait3A_121] : memref<10000x128xf32, #tpu.memory_space<hbm>> -> memref<10000x128xf32, #tpu.memory_space<hbm>>
    tpu.wait_indirect_dma semaphore(%arg16 : memref<!tpu.dma_semaphore, #tpu.memory_space<semaphore_mem>>) src(%dma_wait3A_122 : memref<10000x128xf32, #tpu.memory_space<hbm>>) dst(%arg12 : memref<80x128xf32, #tpu.memory_space<vmem>>)
    %scan3A_123 = arith.constant 0 : i32
    %scan3A_124 = arith.constant 0 : i32
    %scan3A_125 = arith.constant 80 : i32
    %scan3A_126 = arith.addi %scan3A_124, %scan3A_125 : i32
    %scan3A_127 = arith.constant 1 : i32
    %scan3A_128 = scf.for %scan3A_136 = %scan3A_124 to %scan3A_126 step %scan3A_127 iter_args(%scan3A_137 = %scan3A_123) -> (i32)  : i32 {
      %get3A_138 = arith.index_cast %scan3A_136 : i32 to index
      %get3A_139 = arith.constant 0 : index
      %get3A_140 = tpu.vector_load %arg11[%get3A_138, %get3A_139] {strides = array<i32>} : memref<80x128xf32, #tpu.memory_space<vmem>>, vector<1x16xf32>,
      %get3A_141 = vector.shape_cast %get3A_140 : vector<1x16xf32> to vector<16xf32>
      %get3A_142 = arith.index_cast %scan3A_136 : i32 to index
      %get3A_143 = arith.constant 0 : index
      %get3A_144 = tpu.vector_load %arg12[%get3A_142, %get3A_143] {strides = array<i32>} : memref<80x128xf32, #tpu.memory_space<vmem>>, vector<1x16xf32>,
      %get3A_145 = vector.shape_cast %get3A_144 : vector<1x16xf32> to vector<16xf32>
      %add3A_146 = arith.addf %get3A_141, %get3A_145 : vector<16xf32>
      %mul3A_147 = arith.mulf %add3A_146, %get3A_8 : vector<16xf32>
      %add3A_148 = arith.addf %mul3A_147, %get3A_48 : vector<16xf32>
      %mul3A_149 = arith.constant 3.000000e-01 : f32
      %mul3A_150 = vector.broadcast %mul3A_149 : f32 to vector<16xf32>
      %mul3A_151 = arith.mulf %mul3A_150, %add3A_148 : vector<16xf32>
      %max3A = arith.maximumf %add3A_148, %mul3A_151 : vector<16xf32>
      %swap3A = arith.index_cast %scan3A_136 : i32 to index
      %swap3A_152 = arith.constant 0 : index
      %swap3A_153 = tpu.vector_load %arg11[%swap3A, %swap3A_152] {strides = array<i32>} : memref<80x128xf32, #tpu.memory_space<vmem>>, vector<1x16xf32>,
      %swap3A_154 = vector.shape_cast %swap3A_153 : vector<1x16xf32> to vector<16xf32>
      %swap3A_155 = vector.shape_cast %max3A : vector<16xf32> to vector<1x16xf32>
      tpu.vector_store %arg11[%swap3A, %swap3A_152], %swap3A_155 {strides = array<i32>} : memref<80x128xf32, #tpu.memory_space<vmem>>, vector<1x16xf32>,
      %get3A_156 = arith.index_cast %scan3A_136 : i32 to index
      %get3A_157 = arith.constant 16 : index
      %get3A_158 = tpu.vector_load %arg11[%get3A_156, %get3A_157] {strides = array<i32>} : memref<80x128xf32, #tpu.memory_space<vmem>>, vector<1x16xf32>,
      %get3A_159 = vector.shape_cast %get3A_158 : vector<1x16xf32> to vector<16xf32>
      %get3A_160 = arith.index_cast %scan3A_136 : i32 to index
      %get3A_161 = arith.constant 16 : index
      %get3A_162 = tpu.vector_load %arg12[%get3A_160, %get3A_161] {strides = array<i32>} : memref<80x128xf32, #tpu.memory_space<vmem>>, vector<1x16xf32>,
      %get3A_163 = vector.shape_cast %get3A_162 : vector<1x16xf32> to vector<16xf32>
      %add3A_164 = arith.addf %get3A_159, %get3A_163 : vector<16xf32>
      %mul3A_165 = arith.mulf %add3A_164, %get3A_13 : vector<16xf32>
      %add3A_166 = arith.addf %mul3A_165, %get3A_53 : vector<16xf32>
      %mul3A_167 = arith.constant 3.000000e-01 : f32
      %mul3A_168 = vector.broadcast %mul3A_167 : f32 to vector<16xf32>
      %mul3A_169 = arith.mulf %mul3A_168, %add3A_166 : vector<16xf32>
      %max3A_170 = arith.maximumf %add3A_166, %mul3A_169 : vector<16xf32>
      %swap3A_171 = arith.index_cast %scan3A_136 : i32 to index
      %swap3A_172 = arith.constant 16 : index
      %swap3A_173 = tpu.vector_load %arg11[%swap3A_171, %swap3A_172] {strides = array<i32>} : memref<80x128xf32, #tpu.memory_space<vmem>>, vector<1x16xf32>,
      %swap3A_174 = vector.shape_cast %swap3A_173 : vector<1x16xf32> to vector<16xf32>
      %swap3A_175 = vector.shape_cast %max3A_170 : vector<16xf32> to vector<1x16xf32>
      tpu.vector_store %arg11[%swap3A_171, %swap3A_172], %swap3A_175 {strides = array<i32>} : memref<80x128xf32, #tpu.memory_space<vmem>>, vector<1x16xf32>,
      %get3A_176 = arith.index_cast %scan3A_136 : i32 to index
      %get3A_177 = arith.constant 32 : index
      %get3A_178 = tpu.vector_load %arg11[%get3A_176, %get3A_177] {strides = array<i32>} : memref<80x128xf32, #tpu.memory_space<vmem>>, vector<1x16xf32>,
      %get3A_179 = vector.shape_cast %get3A_178 : vector<1x16xf32> to vector<16xf32>
      %get3A_180 = arith.index_cast %scan3A_136 : i32 to index
      %get3A_181 = arith.constant 32 : index
      %get3A_182 = tpu.vector_load %arg12[%get3A_180, %get3A_181] {strides = array<i32>} : memref<80x128xf32, #tpu.memory_space<vmem>>, vector<1x16xf32>,
      %get3A_183 = vector.shape_cast %get3A_182 : vector<1x16xf32> to vector<16xf32>
      %add3A_184 = arith.addf %get3A_179, %get3A_183 : vector<16xf32>
      %mul3A_185 = arith.mulf %add3A_184, %get3A_18 : vector<16xf32>
      %add3A_186 = arith.addf %mul3A_185, %get3A_58 : vector<16xf32>
      %mul3A_187 = arith.constant 3.000000e-01 : f32
      %mul3A_188 = vector.broadcast %mul3A_187 : f32 to vector<16xf32>
      %mul3A_189 = arith.mulf %mul3A_188, %add3A_186 : vector<16xf32>
      %max3A_190 = arith.maximumf %add3A_186, %mul3A_189 : vector<16xf32>
      %swap3A_191 = arith.index_cast %scan3A_136 : i32 to index
      %swap3A_192 = arith.constant 32 : index
      %swap3A_193 = tpu.vector_load %arg11[%swap3A_191, %swap3A_192] {strides = array<i32>} : memref<80x128xf32, #tpu.memory_space<vmem>>, vector<1x16xf32>,
      %swap3A_194 = vector.shape_cast %swap3A_193 : vector<1x16xf32> to vector<16xf32>
      %swap3A_195 = vector.shape_cast %max3A_190 : vector<16xf32> to vector<1x16xf32>
      tpu.vector_store %arg11[%swap3A_191, %swap3A_192], %swap3A_195 {strides = array<i32>} : memref<80x128xf32, #tpu.memory_space<vmem>>, vector<1x16xf32>,
      %get3A_196 = arith.index_cast %scan3A_136 : i32 to index
      %get3A_197 = arith.constant 48 : index
      %get3A_198 = tpu.vector_load %arg11[%get3A_196, %get3A_197] {strides = array<i32>} : memref<80x128xf32, #tpu.memory_space<vmem>>, vector<1x16xf32>,
      %get3A_199 = vector.shape_cast %get3A_198 : vector<1x16xf32> to vector<16xf32>
      %get3A_200 = arith.index_cast %scan3A_136 : i32 to index
      %get3A_201 = arith.constant 48 : index
      %get3A_202 = tpu.vector_load %arg12[%get3A_200, %get3A_201] {strides = array<i32>} : memref<80x128xf32, #tpu.memory_space<vmem>>, vector<1x16xf32>,
      %get3A_203 = vector.shape_cast %get3A_202 : vector<1x16xf32> to vector<16xf32>
      %add3A_204 = arith.addf %get3A_199, %get3A_203 : vector<16xf32>
      %mul3A_205 = arith.mulf %add3A_204, %get3A_23 : vector<16xf32>
      %add3A_206 = arith.addf %mul3A_205, %get3A_63 : vector<16xf32>
      %mul3A_207 = arith.constant 3.000000e-01 : f32
      %mul3A_208 = vector.broadcast %mul3A_207 : f32 to vector<16xf32>
      %mul3A_209 = arith.mulf %mul3A_208, %add3A_206 : vector<16xf32>
      %max3A_210 = arith.maximumf %add3A_206, %mul3A_209 : vector<16xf32>
      %swap3A_211 = arith.index_cast %scan3A_136 : i32 to index
      %swap3A_212 = arith.constant 48 : index
      %swap3A_213 = tpu.vector_load %arg11[%swap3A_211, %swap3A_212] {strides = array<i32>} : memref<80x128xf32, #tpu.memory_space<vmem>>, vector<1x16xf32>,
      %swap3A_214 = vector.shape_cast %swap3A_213 : vector<1x16xf32> to vector<16xf32>
      %swap3A_215 = vector.shape_cast %max3A_210 : vector<16xf32> to vector<1x16xf32>
      tpu.vector_store %arg11[%swap3A_211, %swap3A_212], %swap3A_215 {strides = array<i32>} : memref<80x128xf32, #tpu.memory_space<vmem>>, vector<1x16xf32>,
      %get3A_216 = arith.index_cast %scan3A_136 : i32 to index
      %get3A_217 = arith.constant 64 : index
      %get3A_218 = tpu.vector_load %arg11[%get3A_216, %get3A_217] {strides = array<i32>} : memref<80x128xf32, #tpu.memory_space<vmem>>, vector<1x16xf32>,
      %get3A_219 = vector.shape_cast %get3A_218 : vector<1x16xf32> to vector<16xf32>
      %get3A_220 = arith.index_cast %scan3A_136 : i32 to index
      %get3A_221 = arith.constant 64 : index
      %get3A_222 = tpu.vector_load %arg12[%get3A_220, %get3A_221] {strides = array<i32>} : memref<80x128xf32, #tpu.memory_space<vmem>>, vector<1x16xf32>,
      %get3A_223 = vector.shape_cast %get3A_222 : vector<1x16xf32> to vector<16xf32>
      %add3A_224 = arith.addf %get3A_219, %get3A_223 : vector<16xf32>
      %mul3A_225 = arith.mulf %add3A_224, %get3A_28 : vector<16xf32>
      %add3A_226 = arith.addf %mul3A_225, %get3A_68 : vector<16xf32>
      %mul3A_227 = arith.constant 3.000000e-01 : f32
      %mul3A_228 = vector.broadcast %mul3A_227 : f32 to vector<16xf32>
      %mul3A_229 = arith.mulf %mul3A_228, %add3A_226 : vector<16xf32>
      %max3A_230 = arith.maximumf %add3A_226, %mul3A_229 : vector<16xf32>
      %swap3A_231 = arith.index_cast %scan3A_136 : i32 to index
      %swap3A_232 = arith.constant 64 : index
      %swap3A_233 = tpu.vector_load %arg11[%swap3A_231, %swap3A_232] {strides = array<i32>} : memref<80x128xf32, #tpu.memory_space<vmem>>, vector<1x16xf32>,
      %swap3A_234 = vector.shape_cast %swap3A_233 : vector<1x16xf32> to vector<16xf32>
      %swap3A_235 = vector.shape_cast %max3A_230 : vector<16xf32> to vector<1x16xf32>
      tpu.vector_store %arg11[%swap3A_231, %swap3A_232], %swap3A_235 {strides = array<i32>} : memref<80x128xf32, #tpu.memory_space<vmem>>, vector<1x16xf32>,
      %get3A_236 = arith.index_cast %scan3A_136 : i32 to index
      %get3A_237 = arith.constant 80 : index
      %get3A_238 = tpu.vector_load %arg11[%get3A_236, %get3A_237] {strides = array<i32>} : memref<80x128xf32, #tpu.memory_space<vmem>>, vector<1x16xf32>,
      %get3A_239 = vector.shape_cast %get3A_238 : vector<1x16xf32> to vector<16xf32>
      %get3A_240 = arith.index_cast %scan3A_136 : i32 to index
      %get3A_241 = arith.constant 80 : index
      %get3A_242 = tpu.vector_load %arg12[%get3A_240, %get3A_241] {strides = array<i32>} : memref<80x128xf32, #tpu.memory_space<vmem>>, vector<1x16xf32>,
      %get3A_243 = vector.shape_cast %get3A_242 : vector<1x16xf32> to vector<16xf32>
      %add3A_244 = arith.addf %get3A_239, %get3A_243 : vector<16xf32>
      %mul3A_245 = arith.mulf %add3A_244, %get3A_33 : vector<16xf32>
      %add3A_246 = arith.addf %mul3A_245, %get3A_73 : vector<16xf32>
      %mul3A_247 = arith.constant 3.000000e-01 : f32
      %mul3A_248 = vector.broadcast %mul3A_247 : f32 to vector<16xf32>
      %mul3A_249 = arith.mulf %mul3A_248, %add3A_246 : vector<16xf32>
      %max3A_250 = arith.maximumf %add3A_246, %mul3A_249 : vector<16xf32>
      %swap3A_251 = arith.index_cast %scan3A_136 : i32 to index
      %swap3A_252 = arith.constant 80 : index
      %swap3A_253 = tpu.vector_load %arg11[%swap3A_251, %swap3A_252] {strides = array<i32>} : memref<80x128xf32, #tpu.memory_space<vmem>>, vector<1x16xf32>,
      %swap3A_254 = vector.shape_cast %swap3A_253 : vector<1x16xf32> to vector<16xf32>
      %swap3A_255 = vector.shape_cast %max3A_250 : vector<16xf32> to vector<1x16xf32>
      tpu.vector_store %arg11[%swap3A_251, %swap3A_252], %swap3A_255 {strides = array<i32>} : memref<80x128xf32, #tpu.memory_space<vmem>>, vector<1x16xf32>,
      %get3A_256 = arith.index_cast %scan3A_136 : i32 to index
      %get3A_257 = arith.constant 96 : index
      %get3A_258 = tpu.vector_load %arg11[%get3A_256, %get3A_257] {strides = array<i32>} : memref<80x128xf32, #tpu.memory_space<vmem>>, vector<1x16xf32>,
      %get3A_259 = vector.shape_cast %get3A_258 : vector<1x16xf32> to vector<16xf32>
      %get3A_260 = arith.index_cast %scan3A_136 : i32 to index
      %get3A_261 = arith.constant 96 : index
      %get3A_262 = tpu.vector_load %arg12[%get3A_260, %get3A_261] {strides = array<i32>} : memref<80x128xf32, #tpu.memory_space<vmem>>, vector<1x16xf32>,
      %get3A_263 = vector.shape_cast %get3A_262 : vector<1x16xf32> to vector<16xf32>
      %add3A_264 = arith.addf %get3A_259, %get3A_263 : vector<16xf32>
      %mul3A_265 = arith.mulf %add3A_264, %get3A_38 : vector<16xf32>
      %add3A_266 = arith.addf %mul3A_265, %get3A_78 : vector<16xf32>
      %mul3A_267 = arith.constant 3.000000e-01 : f32
      %mul3A_268 = vector.broadcast %mul3A_267 : f32 to vector<16xf32>
      %mul3A_269 = arith.mulf %mul3A_268, %add3A_266 : vector<16xf32>
      %max3A_270 = arith.maximumf %add3A_266, %mul3A_269 : vector<16xf32>
      %swap3A_271 = arith.index_cast %scan3A_136 : i32 to index
      %swap3A_272 = arith.constant 96 : index
      %swap3A_273 = tpu.vector_load %arg11[%swap3A_271, %swap3A_272] {strides = array<i32>} : memref<80x128xf32, #tpu.memory_space<vmem>>, vector<1x16xf32>,
      %swap3A_274 = vector.shape_cast %swap3A_273 : vector<1x16xf32> to vector<16xf32>
      %swap3A_275 = vector.shape_cast %max3A_270 : vector<16xf32> to vector<1x16xf32>
      tpu.vector_store %arg11[%swap3A_271, %swap3A_272], %swap3A_275 {strides = array<i32>} : memref<80x128xf32, #tpu.memory_space<vmem>>, vector<1x16xf32>,
      %get3A_276 = arith.index_cast %scan3A_136 : i32 to index
      %get3A_277 = arith.constant 112 : index
      %get3A_278 = tpu.vector_load %arg11[%get3A_276, %get3A_277] {strides = array<i32>} : memref<80x128xf32, #tpu.memory_space<vmem>>, vector<1x16xf32>,
      %get3A_279 = vector.shape_cast %get3A_278 : vector<1x16xf32> to vector<16xf32>
      %get3A_280 = arith.index_cast %scan3A_136 : i32 to index
      %get3A_281 = arith.constant 112 : index
      %get3A_282 = tpu.vector_load %arg12[%get3A_280, %get3A_281] {strides = array<i32>} : memref<80x128xf32, #tpu.memory_space<vmem>>, vector<1x16xf32>,
      %get3A_283 = vector.shape_cast %get3A_282 : vector<1x16xf32> to vector<16xf32>
      %add3A_284 = arith.addf %get3A_279, %get3A_283 : vector<16xf32>
      %mul3A_285 = arith.mulf %add3A_284, %get3A_43 : vector<16xf32>
      %add3A_286 = arith.addf %mul3A_285, %get3A_83 : vector<16xf32>
      %mul3A_287 = arith.constant 3.000000e-01 : f32
      %mul3A_288 = vector.broadcast %mul3A_287 : f32 to vector<16xf32>
      %mul3A_289 = arith.mulf %mul3A_288, %add3A_286 : vector<16xf32>
      %max3A_290 = arith.maximumf %add3A_286, %mul3A_289 : vector<16xf32>
      %swap3A_291 = arith.index_cast %scan3A_136 : i32 to index
      %swap3A_292 = arith.constant 112 : index
      %swap3A_293 = tpu.vector_load %arg11[%swap3A_291, %swap3A_292] {strides = array<i32>} : memref<80x128xf32, #tpu.memory_space<vmem>>, vector<1x16xf32>,
      %swap3A_294 = vector.shape_cast %swap3A_293 : vector<1x16xf32> to vector<16xf32>
      %swap3A_295 = vector.shape_cast %max3A_290 : vector<16xf32> to vector<1x16xf32>
      tpu.vector_store %arg11[%swap3A_291, %swap3A_292], %swap3A_295 {strides = array<i32>} : memref<80x128xf32, #tpu.memory_space<vmem>>, vector<1x16xf32>,
      %scan3A_296 = arith.constant 0 : i32
      scf.yield %scan3A_296 : i32
    }
    %scan3A_129 = arith.constant 80 : i32
    "tpu.region"() ({
      %run_scoped3A = tpu.sem_alloc : memref<!tpu.dma_semaphore, #tpu.memory_space<semaphore_mem>>
      %dma_start3A_136 = arith.constant 0 : i32
      %dma_start3A_137 = arith.constant 0 : i32
      %dma_start3A_138 = tpu.memref_slice %arg34[%dma_start3A_136, %dma_start3A_137] : memref<10000x128xf32, #tpu.memory_space<vmem_shared>> -> memref<10000x128xf32, #tpu.memory_space<vmem_shared>>
      tpu.enqueue_indirect_dma source(%arg11 : memref<80x128xf32, #tpu.memory_space<vmem>>) target(%dma_start3A_138 : memref<10000x128xf32, #tpu.memory_space<vmem_shared>>) offsets(%arg9 : memref<80xi32, #tpu.memory_space<vmem>>) semaphore(%run_scoped3A : memref<!tpu.dma_semaphore, #tpu.memory_space<semaphore_mem>>) {add = true}
      %dma_wait3A_139 = arith.constant 0 : i32
      %dma_wait3A_140 = arith.constant 0 : i32
      %dma_wait3A_141 = tpu.memref_slice %arg34[%dma_wait3A_139, %dma_wait3A_140] : memref<10000x128xf32, #tpu.memory_space<vmem_shared>> -> memref<10000x128xf32, #tpu.memory_space<vmem_shared>>
      tpu.wait_indirect_dma semaphore(%run_scoped3A : memref<!tpu.dma_semaphore, #tpu.memory_space<semaphore_mem>>) src(%arg11 : memref<80x128xf32, #tpu.memory_space<vmem>>) dst(%dma_wait3A_141 : memref<10000x128xf32, #tpu.memory_space<vmem_shared>>)
      tpu.yield
    }) : () -> ()
    %barrier3A_130 = arith.constant 0 : index
    tpu.barrier barrier_id(%barrier3A_130)
    %eq3A_131 = arith.constant 0 : i32
    %eq3A_132 = arith.cmpi eq, %arg1, %eq3A_131 : i32
    %convert_element_type3A_133 = arith.extui %eq3A_132 : i1 to i32
    %cond3A_134 = arith.constant 0 : i32
    %cond3A_135 = arith.cmpi ne, %convert_element_type3A_133, %cond3A_134 : i32
    scf.if %cond3A_135 {
      "tpu.region"() ({
        %run_scoped3A = tpu.sem_alloc : memref<!tpu.dma_semaphore, #tpu.memory_space<semaphore_mem>>
        %dma_start3A_136 = arith.constant 0 : i32
        %dma_start3A_137 = arith.constant 0 : i32
        %dma_start3A_138 = tpu.memref_slice %arg8[%arg0, %dma_start3A_136, %dma_start3A_137] : memref<2x10000x128xf32, #tpu.memory_space<hbm>> -> memref<1x10000x128xf32, #tpu.memory_space<hbm>>
        %dma_start3A_139 = tpu.memref_squeeze %dma_start3A_138 : memref<1x10000x128xf32, #tpu.memory_space<hbm>> -> memref<10000x128xf32, #tpu.memory_space<hbm>>
        tpu.enqueue_dma source(%arg34 : memref<10000x128xf32, #tpu.memory_space<vmem_shared>>) target(%dma_start3A_139 : memref<10000x128xf32, #tpu.memory_space<hbm>>) target_semaphore(%run_scoped3A : memref<!tpu.dma_semaphore, #tpu.memory_space<semaphore_mem>>)
        %dma_wait3A_140 = arith.constant 0 : i32
        %dma_wait3A_141 = arith.constant 0 : i32
        %dma_wait3A_142 = tpu.memref_slice %arg8[%arg0, %dma_wait3A_140, %dma_wait3A_141] : memref<2x10000x128xf32, #tpu.memory_space<hbm>> -> memref<1x10000x128xf32, #tpu.memory_space<hbm>>
        %dma_wait3A_143 = tpu.memref_squeeze %dma_wait3A_142 : memref<1x10000x128xf32, #tpu.memory_space<hbm>> -> memref<10000x128xf32, #tpu.memory_space<hbm>>
        tpu.wait_dma2 semaphore(%run_scoped3A : memref<!tpu.dma_semaphore, #tpu.memory_space<semaphore_mem>>) src(%arg34 : memref<10000x128xf32, #tpu.memory_space<vmem_shared>>) dst(%dma_wait3A_143 : memref<10000x128xf32, #tpu.memory_space<hbm>>)
        tpu.yield
      }) : () -> ()
    } else {
    }
    return
  }
}

#map = affine_map<(d0, d1) -> (0, 0)>
#map1 = affine_map<(d0, d1) -> (0)>
module attributes {stable_mosaic.version = 14 : i64} {
  func.func @k(%arg0: i32, %arg1: i32, %arg2: memref<10000x128xf32, #tpu.memory_space<hbm>>, %arg3: memref<10000x128xf32, #tpu.memory_space<hbm>>, %arg4: memref<320000xi32, #tpu.memory_space<hbm>>, %arg5: memref<320000xi32, #tpu.memory_space<hbm>>, %arg6: memref<32x128xf32, #tpu.memory_space<hbm>>, %arg7: memref<32x128xf32, #tpu.memory_space<hbm>>, %arg8: memref<128xi32, #tpu.memory_space<vmem>>, %arg9: memref<128xi32, #tpu.memory_space<vmem>>, %arg10: memref<128x128xf32, #tpu.memory_space<vmem>>, %arg11: memref<128x128xf32, #tpu.memory_space<vmem>>, %arg12: memref<!tpu.dma_semaphore, #tpu.memory_space<semaphore_mem>>, %arg13: memref<!tpu.dma_semaphore, #tpu.memory_space<semaphore_mem>>, %arg14: memref<!tpu.dma_semaphore, #tpu.memory_space<semaphore_mem>>, %arg15: memref<!tpu.dma_semaphore, #tpu.memory_space<semaphore_mem>>, %arg16: memref<128xi32, #tpu.memory_space<vmem>>, %arg17: memref<128xi32, #tpu.memory_space<vmem>>, %arg18: memref<128x128xf32, #tpu.memory_space<vmem>>, %arg19: memref<128x128xf32, #tpu.memory_space<vmem>>, %arg20: memref<!tpu.dma_semaphore, #tpu.memory_space<semaphore_mem>>, %arg21: memref<!tpu.dma_semaphore, #tpu.memory_space<semaphore_mem>>, %arg22: memref<!tpu.dma_semaphore, #tpu.memory_space<semaphore_mem>>, %arg23: memref<!tpu.dma_semaphore, #tpu.memory_space<semaphore_mem>>, %arg24: memref<16xi32, #tpu.memory_space<vmem>>, %arg25: memref<16xi32, #tpu.memory_space<vmem>>, %arg26: memref<16x128xf32, #tpu.memory_space<vmem>>, %arg27: memref<16x128xf32, #tpu.memory_space<vmem>>, %arg28: memref<128xf32, #tpu.memory_space<vmem>>, %arg29: memref<128xf32, #tpu.memory_space<vmem>>) attributes {dimension_semantics = [#tpu.dimension_semantics<core_parallel>, #tpu.dimension_semantics<subcore_parallel>], iteration_bounds = array<i64: 2, 16>, scalar_prefetch = 0 : i64, scratch_operands = 22 : i64, tpu.core_type = #tpu.core_type<sc_vector_subcore>, window_params = [{transform_indices = #map}, {transform_indices = #map}, {transform_indices = #map1}, {transform_indices = #map1}, {transform_indices = #map}, {transform_indices = #map}]} {
    %mul3A = arith.constant 2 : i32
    %mul3A_0 = arith.muli %arg1, %mul3A : i32
    %add3A = arith.addi %mul3A_0, %arg0 : i32
    %mul3A_1 = arith.constant 10000 : i32
    %mul3A_2 = arith.muli %add3A, %mul3A_1 : i32
    %broadcast_in_dim3A = arith.constant 0.000000e+00 : f32
    %broadcast_in_dim3A_3 = vector.broadcast %broadcast_in_dim3A : f32 to vector<16xf32>
    %add3A_4 = arith.constant 0 : i32
    %add3A_5 = arith.addi %mul3A_2, %add3A_4 : i32
    %dma_start3A = tpu.memref_slice %arg5[%add3A_5] : memref<320000xi32, #tpu.memory_space<hbm>> -> memref<128xi32, #tpu.memory_space<hbm>>
    %dma_start3A_6 = tpu.memref_slice %arg5[%add3A_5] : memref<320000xi32, #tpu.memory_space<hbm>> -> memref<128xi32, #tpu.memory_space<hbm>>
    tpu.enqueue_dma source(%dma_start3A_6 : memref<128xi32, #tpu.memory_space<hbm>>) target(%arg8 : memref<128xi32, #tpu.memory_space<vmem>>) target_semaphore(%arg12 : memref<!tpu.dma_semaphore, #tpu.memory_space<semaphore_mem>>)
    %dma_start3A_7 = tpu.memref_slice %arg4[%add3A_5] : memref<320000xi32, #tpu.memory_space<hbm>> -> memref<128xi32, #tpu.memory_space<hbm>>
    %dma_start3A_8 = tpu.memref_slice %arg4[%add3A_5] : memref<320000xi32, #tpu.memory_space<hbm>> -> memref<128xi32, #tpu.memory_space<hbm>>
    tpu.enqueue_dma source(%dma_start3A_8 : memref<128xi32, #tpu.memory_space<hbm>>) target(%arg9 : memref<128xi32, #tpu.memory_space<vmem>>) target_semaphore(%arg13 : memref<!tpu.dma_semaphore, #tpu.memory_space<semaphore_mem>>)
    %add3A_9 = arith.constant 128 : i32
    %add3A_10 = arith.addi %mul3A_2, %add3A_9 : i32
    %dma_start3A_11 = tpu.memref_slice %arg5[%add3A_10] : memref<320000xi32, #tpu.memory_space<hbm>> -> memref<128xi32, #tpu.memory_space<hbm>>
    %dma_start3A_12 = tpu.memref_slice %arg5[%add3A_10] : memref<320000xi32, #tpu.memory_space<hbm>> -> memref<128xi32, #tpu.memory_space<hbm>>
    tpu.enqueue_dma source(%dma_start3A_12 : memref<128xi32, #tpu.memory_space<hbm>>) target(%arg16 : memref<128xi32, #tpu.memory_space<vmem>>) target_semaphore(%arg20 : memref<!tpu.dma_semaphore, #tpu.memory_space<semaphore_mem>>)
    %dma_start3A_13 = tpu.memref_slice %arg4[%add3A_10] : memref<320000xi32, #tpu.memory_space<hbm>> -> memref<128xi32, #tpu.memory_space<hbm>>
    %dma_start3A_14 = tpu.memref_slice %arg4[%add3A_10] : memref<320000xi32, #tpu.memory_space<hbm>> -> memref<128xi32, #tpu.memory_space<hbm>>
    tpu.enqueue_dma source(%dma_start3A_14 : memref<128xi32, #tpu.memory_space<hbm>>) target(%arg17 : memref<128xi32, #tpu.memory_space<vmem>>) target_semaphore(%arg21 : memref<!tpu.dma_semaphore, #tpu.memory_space<semaphore_mem>>)
    %dma_wait3A = arith.constant 0 : i32
    %dma_wait3A_15 = tpu.memref_slice %arg5[%dma_wait3A] : memref<320000xi32, #tpu.memory_space<hbm>> -> memref<128xi32, #tpu.memory_space<hbm>>
    %dma_wait3A_16 = arith.constant 0 : i32
    %dma_wait3A_17 = tpu.memref_slice %arg5[%dma_wait3A_16] : memref<320000xi32, #tpu.memory_space<hbm>> -> memref<128xi32, #tpu.memory_space<hbm>>
    tpu.wait_dma2 semaphore(%arg12 : memref<!tpu.dma_semaphore, #tpu.memory_space<semaphore_mem>>) src(%dma_wait3A_17 : memref<128xi32, #tpu.memory_space<hbm>>) dst(%arg8 : memref<128xi32, #tpu.memory_space<vmem>>)
    %dma_wait3A_18 = arith.constant 0 : i32
    %dma_wait3A_19 = tpu.memref_slice %arg4[%dma_wait3A_18] : memref<320000xi32, #tpu.memory_space<hbm>> -> memref<128xi32, #tpu.memory_space<hbm>>
    %dma_wait3A_20 = arith.constant 0 : i32
    %dma_wait3A_21 = tpu.memref_slice %arg4[%dma_wait3A_20] : memref<320000xi32, #tpu.memory_space<hbm>> -> memref<128xi32, #tpu.memory_space<hbm>>
    tpu.wait_dma2 semaphore(%arg13 : memref<!tpu.dma_semaphore, #tpu.memory_space<semaphore_mem>>) src(%dma_wait3A_21 : memref<128xi32, #tpu.memory_space<hbm>>) dst(%arg9 : memref<128xi32, #tpu.memory_space<vmem>>)
    %dma_start3A_22 = arith.constant 0 : i32
    %dma_start3A_23 = arith.constant 0 : i32
    %dma_start3A_24 = tpu.memref_slice %arg2[%dma_start3A_22, %dma_start3A_23] : memref<10000x128xf32, #tpu.memory_space<hbm>> -> memref<10000x128xf32, #tpu.memory_space<hbm>>
    tpu.enqueue_indirect_dma source(%dma_start3A_24 : memref<10000x128xf32, #tpu.memory_space<hbm>>) target(%arg10 : memref<128x128xf32, #tpu.memory_space<vmem>>) offsets(%arg8 : memref<128xi32, #tpu.memory_space<vmem>>) semaphore(%arg14 : memref<!tpu.dma_semaphore, #tpu.memory_space<semaphore_mem>>)
    %dma_start3A_25 = arith.constant 0 : i32
    %dma_start3A_26 = arith.constant 0 : i32
    %dma_start3A_27 = tpu.memref_slice %arg3[%dma_start3A_25, %dma_start3A_26] : memref<10000x128xf32, #tpu.memory_space<hbm>> -> memref<10000x128xf32, #tpu.memory_space<hbm>>
    tpu.enqueue_indirect_dma source(%dma_start3A_27 : memref<10000x128xf32, #tpu.memory_space<hbm>>) target(%arg11 : memref<128x128xf32, #tpu.memory_space<vmem>>) offsets(%arg9 : memref<128xi32, #tpu.memory_space<vmem>>) semaphore(%arg15 : memref<!tpu.dma_semaphore, #tpu.memory_space<semaphore_mem>>)
    %scan3A = arith.constant 0 : i32
    %scan3A_28 = arith.constant 39 : i32
    %scan3A_29 = arith.addi %scan3A, %scan3A_28 : i32
    %scan3A_30 = arith.constant 1 : i32
    %scan3A_31:16 = scf.for %scan3A_104 = %scan3A to %scan3A_29 step %scan3A_30 iter_args(%scan3A_105 = %broadcast_in_dim3A_3, %scan3A_106 = %broadcast_in_dim3A_3, %scan3A_107 = %broadcast_in_dim3A_3, %scan3A_108 = %broadcast_in_dim3A_3, %scan3A_109 = %broadcast_in_dim3A_3, %scan3A_110 = %broadcast_in_dim3A_3, %scan3A_111 = %broadcast_in_dim3A_3, %scan3A_112 = %broadcast_in_dim3A_3, %scan3A_113 = %broadcast_in_dim3A_3, %scan3A_114 = %broadcast_in_dim3A_3, %scan3A_115 = %broadcast_in_dim3A_3, %scan3A_116 = %broadcast_in_dim3A_3, %scan3A_117 = %broadcast_in_dim3A_3, %scan3A_118 = %broadcast_in_dim3A_3, %scan3A_119 = %broadcast_in_dim3A_3, %scan3A_120 = %broadcast_in_dim3A_3) -> (vector<16xf32>, vector<16xf32>, vector<16xf32>, vector<16xf32>, vector<16xf32>, vector<16xf32>, vector<16xf32>, vector<16xf32>, vector<16xf32>, vector<16xf32>, vector<16xf32>, vector<16xf32>, vector<16xf32>, vector<16xf32>, vector<16xf32>, vector<16xf32>)  : i32 {
      %mul3A_121 = arith.constant 2 : i32
      %mul3A_122 = arith.muli %mul3A_121, %scan3A_104 : i32
      %dma_wait3A_123 = arith.constant 0 : i32
      %dma_wait3A_124 = arith.constant 0 : i32
      %dma_wait3A_125 = tpu.memref_slice %arg2[%dma_wait3A_123, %dma_wait3A_124] : memref<10000x128xf32, #tpu.memory_space<hbm>> -> memref<10000x128xf32, #tpu.memory_space<hbm>>
      tpu.wait_indirect_dma semaphore(%arg14 : memref<!tpu.dma_semaphore, #tpu.memory_space<semaphore_mem>>) src(%dma_wait3A_125 : memref<10000x128xf32, #tpu.memory_space<hbm>>) dst(%arg10 : memref<128x128xf32, #tpu.memory_space<vmem>>)
      %dma_wait3A_126 = arith.constant 0 : i32
      %dma_wait3A_127 = arith.constant 0 : i32
      %dma_wait3A_128 = tpu.memref_slice %arg3[%dma_wait3A_126, %dma_wait3A_127] : memref<10000x128xf32, #tpu.memory_space<hbm>> -> memref<10000x128xf32, #tpu.memory_space<hbm>>
      tpu.wait_indirect_dma semaphore(%arg15 : memref<!tpu.dma_semaphore, #tpu.memory_space<semaphore_mem>>) src(%dma_wait3A_128 : memref<10000x128xf32, #tpu.memory_space<hbm>>) dst(%arg11 : memref<128x128xf32, #tpu.memory_space<vmem>>)
      %add3A_129 = arith.constant 1 : i32
      %add3A_130 = arith.addi %mul3A_122, %add3A_129 : i32
      %lt3A = arith.constant 78 : i32
      %lt3A_131 = arith.cmpi slt, %add3A_130, %lt3A : i32
      %convert_element_type3A = arith.extui %lt3A_131 : i1 to i32
      %cond3A = arith.constant 0 : i32
      %cond3A_132 = arith.cmpi ne, %convert_element_type3A, %cond3A : i32
      scf.if %cond3A_132 {
        %dma_wait3A_176 = arith.constant 0 : i32
        %dma_wait3A_177 = tpu.memref_slice %arg5[%dma_wait3A_176] : memref<320000xi32, #tpu.memory_space<hbm>> -> memref<128xi32, #tpu.memory_space<hbm>>
        %dma_wait3A_178 = arith.constant 0 : i32
        %dma_wait3A_179 = tpu.memref_slice %arg5[%dma_wait3A_178] : memref<320000xi32, #tpu.memory_space<hbm>> -> memref<128xi32, #tpu.memory_space<hbm>>
        tpu.wait_dma2 semaphore(%arg20 : memref<!tpu.dma_semaphore, #tpu.memory_space<semaphore_mem>>) src(%dma_wait3A_179 : memref<128xi32, #tpu.memory_space<hbm>>) dst(%arg16 : memref<128xi32, #tpu.memory_space<vmem>>)
        %dma_wait3A_180 = arith.constant 0 : i32
        %dma_wait3A_181 = tpu.memref_slice %arg4[%dma_wait3A_180] : memref<320000xi32, #tpu.memory_space<hbm>> -> memref<128xi32, #tpu.memory_space<hbm>>
        %dma_wait3A_182 = arith.constant 0 : i32
        %dma_wait3A_183 = tpu.memref_slice %arg4[%dma_wait3A_182] : memref<320000xi32, #tpu.memory_space<hbm>> -> memref<128xi32, #tpu.memory_space<hbm>>
        tpu.wait_dma2 semaphore(%arg21 : memref<!tpu.dma_semaphore, #tpu.memory_space<semaphore_mem>>) src(%dma_wait3A_183 : memref<128xi32, #tpu.memory_space<hbm>>) dst(%arg17 : memref<128xi32, #tpu.memory_space<vmem>>)
        %dma_start3A_184 = arith.constant 0 : i32
        %dma_start3A_185 = arith.constant 0 : i32
        %dma_start3A_186 = tpu.memref_slice %arg2[%dma_start3A_184, %dma_start3A_185] : memref<10000x128xf32, #tpu.memory_space<hbm>> -> memref<10000x128xf32, #tpu.memory_space<hbm>>
        tpu.enqueue_indirect_dma source(%dma_start3A_186 : memref<10000x128xf32, #tpu.memory_space<hbm>>) target(%arg18 : memref<128x128xf32, #tpu.memory_space<vmem>>) offsets(%arg16 : memref<128xi32, #tpu.memory_space<vmem>>) semaphore(%arg22 : memref<!tpu.dma_semaphore, #tpu.memory_space<semaphore_mem>>)
        %dma_start3A_187 = arith.constant 0 : i32
        %dma_start3A_188 = arith.constant 0 : i32
        %dma_start3A_189 = tpu.memref_slice %arg3[%dma_start3A_187, %dma_start3A_188] : memref<10000x128xf32, #tpu.memory_space<hbm>> -> memref<10000x128xf32, #tpu.memory_space<hbm>>
        tpu.enqueue_indirect_dma source(%dma_start3A_189 : memref<10000x128xf32, #tpu.memory_space<hbm>>) target(%arg19 : memref<128x128xf32, #tpu.memory_space<vmem>>) offsets(%arg17 : memref<128xi32, #tpu.memory_space<vmem>>) semaphore(%arg23 : memref<!tpu.dma_semaphore, #tpu.memory_space<semaphore_mem>>)
      } else {
      }
      %scan3A_133 = arith.constant 0 : i32
      %scan3A_134 = arith.constant 128 : i32
      %scan3A_135 = arith.addi %scan3A_133, %scan3A_134 : i32
      %scan3A_136 = arith.constant 1 : i32
      %scan3A_137:16 = scf.for %scan3A_176 = %scan3A_133 to %scan3A_135 step %scan3A_136 iter_args(%scan3A_177 = %scan3A_105, %scan3A_178 = %scan3A_106, %scan3A_179 = %scan3A_107, %scan3A_180 = %scan3A_108, %scan3A_181 = %scan3A_109, %scan3A_182 = %scan3A_110, %scan3A_183 = %scan3A_111, %scan3A_184 = %scan3A_112, %scan3A_185 = %scan3A_113, %scan3A_186 = %scan3A_114, %scan3A_187 = %scan3A_115, %scan3A_188 = %scan3A_116, %scan3A_189 = %scan3A_117, %scan3A_190 = %scan3A_118, %scan3A_191 = %scan3A_119, %scan3A_192 = %scan3A_120) -> (vector<16xf32>, vector<16xf32>, vector<16xf32>, vector<16xf32>, vector<16xf32>, vector<16xf32>, vector<16xf32>, vector<16xf32>, vector<16xf32>, vector<16xf32>, vector<16xf32>, vector<16xf32>, vector<16xf32>, vector<16xf32>, vector<16xf32>, vector<16xf32>)  : i32 {
        %get3A = arith.index_cast %scan3A_176 : i32 to index
        %get3A_193 = arith.constant 0 : index
        %get3A_194 = tpu.vector_load %arg10[%get3A, %get3A_193] {strides = array<i32>} : memref<128x128xf32, #tpu.memory_space<vmem>>, vector<1x16xf32>,
        %get3A_195 = vector.shape_cast %get3A_194 : vector<1x16xf32> to vector<16xf32>
        %get3A_196 = arith.index_cast %scan3A_176 : i32 to index
        %get3A_197 = arith.constant 0 : index
        %get3A_198 = tpu.vector_load %arg11[%get3A_196, %get3A_197] {strides = array<i32>} : memref<128x128xf32, #tpu.memory_space<vmem>>, vector<1x16xf32>,
        %get3A_199 = vector.shape_cast %get3A_198 : vector<1x16xf32> to vector<16xf32>
        %add3A_200 = arith.addf %get3A_195, %get3A_199 : vector<16xf32>
        %add3A_201 = arith.addf %scan3A_177, %add3A_200 : vector<16xf32>
        %mul3A_202 = arith.mulf %add3A_200, %add3A_200 : vector<16xf32>
        %add3A_203 = arith.addf %scan3A_185, %mul3A_202 : vector<16xf32>
        %get3A_204 = arith.index_cast %scan3A_176 : i32 to index
        %get3A_205 = arith.constant 16 : index
        %get3A_206 = tpu.vector_load %arg10[%get3A_204, %get3A_205] {strides = array<i32>} : memref<128x128xf32, #tpu.memory_space<vmem>>, vector<1x16xf32>,
        %get3A_207 = vector.shape_cast %get3A_206 : vector<1x16xf32> to vector<16xf32>
        %get3A_208 = arith.index_cast %scan3A_176 : i32 to index
        %get3A_209 = arith.constant 16 : index
        %get3A_210 = tpu.vector_load %arg11[%get3A_208, %get3A_209] {strides = array<i32>} : memref<128x128xf32, #tpu.memory_space<vmem>>, vector<1x16xf32>,
        %get3A_211 = vector.shape_cast %get3A_210 : vector<1x16xf32> to vector<16xf32>
        %add3A_212 = arith.addf %get3A_207, %get3A_211 : vector<16xf32>
        %add3A_213 = arith.addf %scan3A_178, %add3A_212 : vector<16xf32>
        %mul3A_214 = arith.mulf %add3A_212, %add3A_212 : vector<16xf32>
        %add3A_215 = arith.addf %scan3A_186, %mul3A_214 : vector<16xf32>
        %get3A_216 = arith.index_cast %scan3A_176 : i32 to index
        %get3A_217 = arith.constant 32 : index
        %get3A_218 = tpu.vector_load %arg10[%get3A_216, %get3A_217] {strides = array<i32>} : memref<128x128xf32, #tpu.memory_space<vmem>>, vector<1x16xf32>,
        %get3A_219 = vector.shape_cast %get3A_218 : vector<1x16xf32> to vector<16xf32>
        %get3A_220 = arith.index_cast %scan3A_176 : i32 to index
        %get3A_221 = arith.constant 32 : index
        %get3A_222 = tpu.vector_load %arg11[%get3A_220, %get3A_221] {strides = array<i32>} : memref<128x128xf32, #tpu.memory_space<vmem>>, vector<1x16xf32>,
        %get3A_223 = vector.shape_cast %get3A_222 : vector<1x16xf32> to vector<16xf32>
        %add3A_224 = arith.addf %get3A_219, %get3A_223 : vector<16xf32>
        %add3A_225 = arith.addf %scan3A_179, %add3A_224 : vector<16xf32>
        %mul3A_226 = arith.mulf %add3A_224, %add3A_224 : vector<16xf32>
        %add3A_227 = arith.addf %scan3A_187, %mul3A_226 : vector<16xf32>
        %get3A_228 = arith.index_cast %scan3A_176 : i32 to index
        %get3A_229 = arith.constant 48 : index
        %get3A_230 = tpu.vector_load %arg10[%get3A_228, %get3A_229] {strides = array<i32>} : memref<128x128xf32, #tpu.memory_space<vmem>>, vector<1x16xf32>,
        %get3A_231 = vector.shape_cast %get3A_230 : vector<1x16xf32> to vector<16xf32>
        %get3A_232 = arith.index_cast %scan3A_176 : i32 to index
        %get3A_233 = arith.constant 48 : index
        %get3A_234 = tpu.vector_load %arg11[%get3A_232, %get3A_233] {strides = array<i32>} : memref<128x128xf32, #tpu.memory_space<vmem>>, vector<1x16xf32>,
        %get3A_235 = vector.shape_cast %get3A_234 : vector<1x16xf32> to vector<16xf32>
        %add3A_236 = arith.addf %get3A_231, %get3A_235 : vector<16xf32>
        %add3A_237 = arith.addf %scan3A_180, %add3A_236 : vector<16xf32>
        %mul3A_238 = arith.mulf %add3A_236, %add3A_236 : vector<16xf32>
        %add3A_239 = arith.addf %scan3A_188, %mul3A_238 : vector<16xf32>
        %get3A_240 = arith.index_cast %scan3A_176 : i32 to index
        %get3A_241 = arith.constant 64 : index
        %get3A_242 = tpu.vector_load %arg10[%get3A_240, %get3A_241] {strides = array<i32>} : memref<128x128xf32, #tpu.memory_space<vmem>>, vector<1x16xf32>,
        %get3A_243 = vector.shape_cast %get3A_242 : vector<1x16xf32> to vector<16xf32>
        %get3A_244 = arith.index_cast %scan3A_176 : i32 to index
        %get3A_245 = arith.constant 64 : index
        %get3A_246 = tpu.vector_load %arg11[%get3A_244, %get3A_245] {strides = array<i32>} : memref<128x128xf32, #tpu.memory_space<vmem>>, vector<1x16xf32>,
        %get3A_247 = vector.shape_cast %get3A_246 : vector<1x16xf32> to vector<16xf32>
        %add3A_248 = arith.addf %get3A_243, %get3A_247 : vector<16xf32>
        %add3A_249 = arith.addf %scan3A_181, %add3A_248 : vector<16xf32>
        %mul3A_250 = arith.mulf %add3A_248, %add3A_248 : vector<16xf32>
        %add3A_251 = arith.addf %scan3A_189, %mul3A_250 : vector<16xf32>
        %get3A_252 = arith.index_cast %scan3A_176 : i32 to index
        %get3A_253 = arith.constant 80 : index
        %get3A_254 = tpu.vector_load %arg10[%get3A_252, %get3A_253] {strides = array<i32>} : memref<128x128xf32, #tpu.memory_space<vmem>>, vector<1x16xf32>,
        %get3A_255 = vector.shape_cast %get3A_254 : vector<1x16xf32> to vector<16xf32>
        %get3A_256 = arith.index_cast %scan3A_176 : i32 to index
        %get3A_257 = arith.constant 80 : index
        %get3A_258 = tpu.vector_load %arg11[%get3A_256, %get3A_257] {strides = array<i32>} : memref<128x128xf32, #tpu.memory_space<vmem>>, vector<1x16xf32>,
        %get3A_259 = vector.shape_cast %get3A_258 : vector<1x16xf32> to vector<16xf32>
        %add3A_260 = arith.addf %get3A_255, %get3A_259 : vector<16xf32>
        %add3A_261 = arith.addf %scan3A_182, %add3A_260 : vector<16xf32>
        %mul3A_262 = arith.mulf %add3A_260, %add3A_260 : vector<16xf32>
        %add3A_263 = arith.addf %scan3A_190, %mul3A_262 : vector<16xf32>
        %get3A_264 = arith.index_cast %scan3A_176 : i32 to index
        %get3A_265 = arith.constant 96 : index
        %get3A_266 = tpu.vector_load %arg10[%get3A_264, %get3A_265] {strides = array<i32>} : memref<128x128xf32, #tpu.memory_space<vmem>>, vector<1x16xf32>,
        %get3A_267 = vector.shape_cast %get3A_266 : vector<1x16xf32> to vector<16xf32>
        %get3A_268 = arith.index_cast %scan3A_176 : i32 to index
        %get3A_269 = arith.constant 96 : index
        %get3A_270 = tpu.vector_load %arg11[%get3A_268, %get3A_269] {strides = array<i32>} : memref<128x128xf32, #tpu.memory_space<vmem>>, vector<1x16xf32>,
        %get3A_271 = vector.shape_cast %get3A_270 : vector<1x16xf32> to vector<16xf32>
        %add3A_272 = arith.addf %get3A_267, %get3A_271 : vector<16xf32>
        %add3A_273 = arith.addf %scan3A_183, %add3A_272 : vector<16xf32>
        %mul3A_274 = arith.mulf %add3A_272, %add3A_272 : vector<16xf32>
        %add3A_275 = arith.addf %scan3A_191, %mul3A_274 : vector<16xf32>
        %get3A_276 = arith.index_cast %scan3A_176 : i32 to index
        %get3A_277 = arith.constant 112 : index
        %get3A_278 = tpu.vector_load %arg10[%get3A_276, %get3A_277] {strides = array<i32>} : memref<128x128xf32, #tpu.memory_space<vmem>>, vector<1x16xf32>,
        %get3A_279 = vector.shape_cast %get3A_278 : vector<1x16xf32> to vector<16xf32>
        %get3A_280 = arith.index_cast %scan3A_176 : i32 to index
        %get3A_281 = arith.constant 112 : index
        %get3A_282 = tpu.vector_load %arg11[%get3A_280, %get3A_281] {strides = array<i32>} : memref<128x128xf32, #tpu.memory_space<vmem>>, vector<1x16xf32>,
        %get3A_283 = vector.shape_cast %get3A_282 : vector<1x16xf32> to vector<16xf32>
        %add3A_284 = arith.addf %get3A_279, %get3A_283 : vector<16xf32>
        %add3A_285 = arith.addf %scan3A_184, %add3A_284 : vector<16xf32>
        %mul3A_286 = arith.mulf %add3A_284, %add3A_284 : vector<16xf32>
        %add3A_287 = arith.addf %scan3A_192, %mul3A_286 : vector<16xf32>
        scf.yield %add3A_201, %add3A_213, %add3A_225, %add3A_237, %add3A_249, %add3A_261, %add3A_273, %add3A_285, %add3A_203, %add3A_215, %add3A_227, %add3A_239, %add3A_251, %add3A_263, %add3A_275, %add3A_287 : vector<16xf32>, vector<16xf32>, vector<16xf32>, vector<16xf32>, vector<16xf32>, vector<16xf32>, vector<16xf32>, vector<16xf32>, vector<16xf32>, vector<16xf32>, vector<16xf32>, vector<16xf32>, vector<16xf32>, vector<16xf32>, vector<16xf32>, vector<16xf32>
      }
      %scan3A_138 = arith.constant 128 : i32
      %add3A_139 = arith.constant 2 : i32
      %add3A_140 = arith.addi %mul3A_122, %add3A_139 : i32
      %lt3A_141 = arith.constant 78 : i32
      %lt3A_142 = arith.cmpi slt, %add3A_140, %lt3A_141 : i32
      %convert_element_type3A_143 = arith.extui %lt3A_142 : i1 to i32
      %cond3A_144 = arith.constant 0 : i32
      %cond3A_145 = arith.cmpi ne, %convert_element_type3A_143, %cond3A_144 : i32
      scf.if %cond3A_145 {
        %add3A_176 = arith.constant 2 : i32
        %add3A_177 = arith.addi %mul3A_122, %add3A_176 : i32
        %mul3A_178 = arith.constant 128 : i32
        %mul3A_179 = arith.muli %add3A_177, %mul3A_178 : i32
        %add3A_180 = arith.addi %mul3A_2, %mul3A_179 : i32
        %dma_start3A_181 = tpu.memref_slice %arg5[%add3A_180] : memref<320000xi32, #tpu.memory_space<hbm>> -> memref<128xi32, #tpu.memory_space<hbm>>
        %dma_start3A_182 = tpu.memref_slice %arg5[%add3A_180] : memref<320000xi32, #tpu.memory_space<hbm>> -> memref<128xi32, #tpu.memory_space<hbm>>
        tpu.enqueue_dma source(%dma_start3A_182 : memref<128xi32, #tpu.memory_space<hbm>>) target(%arg8 : memref<128xi32, #tpu.memory_space<vmem>>) target_semaphore(%arg12 : memref<!tpu.dma_semaphore, #tpu.memory_space<semaphore_mem>>)
        %dma_start3A_183 = tpu.memref_slice %arg4[%add3A_180] : memref<320000xi32, #tpu.memory_space<hbm>> -> memref<128xi32, #tpu.memory_space<hbm>>
        %dma_start3A_184 = tpu.memref_slice %arg4[%add3A_180] : memref<320000xi32, #tpu.memory_space<hbm>> -> memref<128xi32, #tpu.memory_space<hbm>>
        tpu.enqueue_dma source(%dma_start3A_184 : memref<128xi32, #tpu.memory_space<hbm>>) target(%arg9 : memref<128xi32, #tpu.memory_space<vmem>>) target_semaphore(%arg13 : memref<!tpu.dma_semaphore, #tpu.memory_space<semaphore_mem>>)
      } else {
      }
      %mul3A_146 = arith.constant 2 : i32
      %mul3A_147 = arith.muli %mul3A_146, %scan3A_104 : i32
      %add3A_148 = arith.constant 1 : i32
      %add3A_149 = arith.addi %mul3A_147, %add3A_148 : i32
      %dma_wait3A_150 = arith.constant 0 : i32
      %dma_wait3A_151 = arith.constant 0 : i32
      %dma_wait3A_152 = tpu.memref_slice %arg2[%dma_wait3A_150, %dma_wait3A_151] : memref<10000x128xf32, #tpu.memory_space<hbm>> -> memref<10000x128xf32, #tpu.memory_space<hbm>>
      tpu.wait_indirect_dma semaphore(%arg22 : memref<!tpu.dma_semaphore, #tpu.memory_space<semaphore_mem>>) src(%dma_wait3A_152 : memref<10000x128xf32, #tpu.memory_space<hbm>>) dst(%arg18 : memref<128x128xf32, #tpu.memory_space<vmem>>)
      %dma_wait3A_153 = arith.constant 0 : i32
      %dma_wait3A_154 = arith.constant 0 : i32
      %dma_wait3A_155 = tpu.memref_slice %arg3[%dma_wait3A_153, %dma_wait3A_154] : memref<10000x128xf32, #tpu.memory_space<hbm>> -> memref<10000x128xf32, #tpu.memory_space<hbm>>
      tpu.wait_indirect_dma semaphore(%arg23 : memref<!tpu.dma_semaphore, #tpu.memory_space<semaphore_mem>>) src(%dma_wait3A_155 : memref<10000x128xf32, #tpu.memory_space<hbm>>) dst(%arg19 : memref<128x128xf32, #tpu.memory_space<vmem>>)
      %add3A_156 = arith.constant 1 : i32
      %add3A_157 = arith.addi %add3A_149, %add3A_156 : i32
      %lt3A_158 = arith.constant 78 : i32
      %lt3A_159 = arith.cmpi slt, %add3A_157, %lt3A_158 : i32
      %convert_element_type3A_160 = arith.extui %lt3A_159 : i1 to i32
      %cond3A_161 = arith.constant 0 : i32
      %cond3A_162 = arith.cmpi ne, %convert_element_type3A_160, %cond3A_161 : i32
      scf.if %cond3A_162 {
        %dma_wait3A_176 = arith.constant 0 : i32
        %dma_wait3A_177 = tpu.memref_slice %arg5[%dma_wait3A_176] : memref<320000xi32, #tpu.memory_space<hbm>> -> memref<128xi32, #tpu.memory_space<hbm>>
        %dma_wait3A_178 = arith.constant 0 : i32
        %dma_wait3A_179 = tpu.memref_slice %arg5[%dma_wait3A_178] : memref<320000xi32, #tpu.memory_space<hbm>> -> memref<128xi32, #tpu.memory_space<hbm>>
        tpu.wait_dma2 semaphore(%arg12 : memref<!tpu.dma_semaphore, #tpu.memory_space<semaphore_mem>>) src(%dma_wait3A_179 : memref<128xi32, #tpu.memory_space<hbm>>) dst(%arg8 : memref<128xi32, #tpu.memory_space<vmem>>)
        %dma_wait3A_180 = arith.constant 0 : i32
        %dma_wait3A_181 = tpu.memref_slice %arg4[%dma_wait3A_180] : memref<320000xi32, #tpu.memory_space<hbm>> -> memref<128xi32, #tpu.memory_space<hbm>>
        %dma_wait3A_182 = arith.constant 0 : i32
        %dma_wait3A_183 = tpu.memref_slice %arg4[%dma_wait3A_182] : memref<320000xi32, #tpu.memory_space<hbm>> -> memref<128xi32, #tpu.memory_space<hbm>>
        tpu.wait_dma2 semaphore(%arg13 : memref<!tpu.dma_semaphore, #tpu.memory_space<semaphore_mem>>) src(%dma_wait3A_183 : memref<128xi32, #tpu.memory_space<hbm>>) dst(%arg9 : memref<128xi32, #tpu.memory_space<vmem>>)
        %dma_start3A_184 = arith.constant 0 : i32
        %dma_start3A_185 = arith.constant 0 : i32
        %dma_start3A_186 = tpu.memref_slice %arg2[%dma_start3A_184, %dma_start3A_185] : memref<10000x128xf32, #tpu.memory_space<hbm>> -> memref<10000x128xf32, #tpu.memory_space<hbm>>
        tpu.enqueue_indirect_dma source(%dma_start3A_186 : memref<10000x128xf32, #tpu.memory_space<hbm>>) target(%arg10 : memref<128x128xf32, #tpu.memory_space<vmem>>) offsets(%arg8 : memref<128xi32, #tpu.memory_space<vmem>>) semaphore(%arg14 : memref<!tpu.dma_semaphore, #tpu.memory_space<semaphore_mem>>)
        %dma_start3A_187 = arith.constant 0 : i32
        %dma_start3A_188 = arith.constant 0 : i32
        %dma_start3A_189 = tpu.memref_slice %arg3[%dma_start3A_187, %dma_start3A_188] : memref<10000x128xf32, #tpu.memory_space<hbm>> -> memref<10000x128xf32, #tpu.memory_space<hbm>>
        tpu.enqueue_indirect_dma source(%dma_start3A_189 : memref<10000x128xf32, #tpu.memory_space<hbm>>) target(%arg11 : memref<128x128xf32, #tpu.memory_space<vmem>>) offsets(%arg9 : memref<128xi32, #tpu.memory_space<vmem>>) semaphore(%arg15 : memref<!tpu.dma_semaphore, #tpu.memory_space<semaphore_mem>>)
      } else {
      }
      %scan3A_163 = arith.constant 0 : i32
      %scan3A_164 = arith.constant 128 : i32
      %scan3A_165 = arith.addi %scan3A_163, %scan3A_164 : i32
      %scan3A_166 = arith.constant 1 : i32
      %scan3A_167:16 = scf.for %scan3A_176 = %scan3A_163 to %scan3A_165 step %scan3A_166 iter_args(%scan3A_177 = %scan3A_137#0, %scan3A_178 = %scan3A_137#1, %scan3A_179 = %scan3A_137#2, %scan3A_180 = %scan3A_137#3, %scan3A_181 = %scan3A_137#4, %scan3A_182 = %scan3A_137#5, %scan3A_183 = %scan3A_137#6, %scan3A_184 = %scan3A_137#7, %scan3A_185 = %scan3A_137#8, %scan3A_186 = %scan3A_137#9, %scan3A_187 = %scan3A_137#10, %scan3A_188 = %scan3A_137#11, %scan3A_189 = %scan3A_137#12, %scan3A_190 = %scan3A_137#13, %scan3A_191 = %scan3A_137#14, %scan3A_192 = %scan3A_137#15) -> (vector<16xf32>, vector<16xf32>, vector<16xf32>, vector<16xf32>, vector<16xf32>, vector<16xf32>, vector<16xf32>, vector<16xf32>, vector<16xf32>, vector<16xf32>, vector<16xf32>, vector<16xf32>, vector<16xf32>, vector<16xf32>, vector<16xf32>, vector<16xf32>)  : i32 {
        %get3A = arith.index_cast %scan3A_176 : i32 to index
        %get3A_193 = arith.constant 0 : index
        %get3A_194 = tpu.vector_load %arg18[%get3A, %get3A_193] {strides = array<i32>} : memref<128x128xf32, #tpu.memory_space<vmem>>, vector<1x16xf32>,
        %get3A_195 = vector.shape_cast %get3A_194 : vector<1x16xf32> to vector<16xf32>
        %get3A_196 = arith.index_cast %scan3A_176 : i32 to index
        %get3A_197 = arith.constant 0 : index
        %get3A_198 = tpu.vector_load %arg19[%get3A_196, %get3A_197] {strides = array<i32>} : memref<128x128xf32, #tpu.memory_space<vmem>>, vector<1x16xf32>,
        %get3A_199 = vector.shape_cast %get3A_198 : vector<1x16xf32> to vector<16xf32>
        %add3A_200 = arith.addf %get3A_195, %get3A_199 : vector<16xf32>
        %add3A_201 = arith.addf %scan3A_177, %add3A_200 : vector<16xf32>
        %mul3A_202 = arith.mulf %add3A_200, %add3A_200 : vector<16xf32>
        %add3A_203 = arith.addf %scan3A_185, %mul3A_202 : vector<16xf32>
        %get3A_204 = arith.index_cast %scan3A_176 : i32 to index
        %get3A_205 = arith.constant 16 : index
        %get3A_206 = tpu.vector_load %arg18[%get3A_204, %get3A_205] {strides = array<i32>} : memref<128x128xf32, #tpu.memory_space<vmem>>, vector<1x16xf32>,
        %get3A_207 = vector.shape_cast %get3A_206 : vector<1x16xf32> to vector<16xf32>
        %get3A_208 = arith.index_cast %scan3A_176 : i32 to index
        %get3A_209 = arith.constant 16 : index
        %get3A_210 = tpu.vector_load %arg19[%get3A_208, %get3A_209] {strides = array<i32>} : memref<128x128xf32, #tpu.memory_space<vmem>>, vector<1x16xf32>,
        %get3A_211 = vector.shape_cast %get3A_210 : vector<1x16xf32> to vector<16xf32>
        %add3A_212 = arith.addf %get3A_207, %get3A_211 : vector<16xf32>
        %add3A_213 = arith.addf %scan3A_178, %add3A_212 : vector<16xf32>
        %mul3A_214 = arith.mulf %add3A_212, %add3A_212 : vector<16xf32>
        %add3A_215 = arith.addf %scan3A_186, %mul3A_214 : vector<16xf32>
        %get3A_216 = arith.index_cast %scan3A_176 : i32 to index
        %get3A_217 = arith.constant 32 : index
        %get3A_218 = tpu.vector_load %arg18[%get3A_216, %get3A_217] {strides = array<i32>} : memref<128x128xf32, #tpu.memory_space<vmem>>, vector<1x16xf32>,
        %get3A_219 = vector.shape_cast %get3A_218 : vector<1x16xf32> to vector<16xf32>
        %get3A_220 = arith.index_cast %scan3A_176 : i32 to index
        %get3A_221 = arith.constant 32 : index
        %get3A_222 = tpu.vector_load %arg19[%get3A_220, %get3A_221] {strides = array<i32>} : memref<128x128xf32, #tpu.memory_space<vmem>>, vector<1x16xf32>,
        %get3A_223 = vector.shape_cast %get3A_222 : vector<1x16xf32> to vector<16xf32>
        %add3A_224 = arith.addf %get3A_219, %get3A_223 : vector<16xf32>
        %add3A_225 = arith.addf %scan3A_179, %add3A_224 : vector<16xf32>
        %mul3A_226 = arith.mulf %add3A_224, %add3A_224 : vector<16xf32>
        %add3A_227 = arith.addf %scan3A_187, %mul3A_226 : vector<16xf32>
        %get3A_228 = arith.index_cast %scan3A_176 : i32 to index
        %get3A_229 = arith.constant 48 : index
        %get3A_230 = tpu.vector_load %arg18[%get3A_228, %get3A_229] {strides = array<i32>} : memref<128x128xf32, #tpu.memory_space<vmem>>, vector<1x16xf32>,
        %get3A_231 = vector.shape_cast %get3A_230 : vector<1x16xf32> to vector<16xf32>
        %get3A_232 = arith.index_cast %scan3A_176 : i32 to index
        %get3A_233 = arith.constant 48 : index
        %get3A_234 = tpu.vector_load %arg19[%get3A_232, %get3A_233] {strides = array<i32>} : memref<128x128xf32, #tpu.memory_space<vmem>>, vector<1x16xf32>,
        %get3A_235 = vector.shape_cast %get3A_234 : vector<1x16xf32> to vector<16xf32>
        %add3A_236 = arith.addf %get3A_231, %get3A_235 : vector<16xf32>
        %add3A_237 = arith.addf %scan3A_180, %add3A_236 : vector<16xf32>
        %mul3A_238 = arith.mulf %add3A_236, %add3A_236 : vector<16xf32>
        %add3A_239 = arith.addf %scan3A_188, %mul3A_238 : vector<16xf32>
        %get3A_240 = arith.index_cast %scan3A_176 : i32 to index
        %get3A_241 = arith.constant 64 : index
        %get3A_242 = tpu.vector_load %arg18[%get3A_240, %get3A_241] {strides = array<i32>} : memref<128x128xf32, #tpu.memory_space<vmem>>, vector<1x16xf32>,
        %get3A_243 = vector.shape_cast %get3A_242 : vector<1x16xf32> to vector<16xf32>
        %get3A_244 = arith.index_cast %scan3A_176 : i32 to index
        %get3A_245 = arith.constant 64 : index
        %get3A_246 = tpu.vector_load %arg19[%get3A_244, %get3A_245] {strides = array<i32>} : memref<128x128xf32, #tpu.memory_space<vmem>>, vector<1x16xf32>,
        %get3A_247 = vector.shape_cast %get3A_246 : vector<1x16xf32> to vector<16xf32>
        %add3A_248 = arith.addf %get3A_243, %get3A_247 : vector<16xf32>
        %add3A_249 = arith.addf %scan3A_181, %add3A_248 : vector<16xf32>
        %mul3A_250 = arith.mulf %add3A_248, %add3A_248 : vector<16xf32>
        %add3A_251 = arith.addf %scan3A_189, %mul3A_250 : vector<16xf32>
        %get3A_252 = arith.index_cast %scan3A_176 : i32 to index
        %get3A_253 = arith.constant 80 : index
        %get3A_254 = tpu.vector_load %arg18[%get3A_252, %get3A_253] {strides = array<i32>} : memref<128x128xf32, #tpu.memory_space<vmem>>, vector<1x16xf32>,
        %get3A_255 = vector.shape_cast %get3A_254 : vector<1x16xf32> to vector<16xf32>
        %get3A_256 = arith.index_cast %scan3A_176 : i32 to index
        %get3A_257 = arith.constant 80 : index
        %get3A_258 = tpu.vector_load %arg19[%get3A_256, %get3A_257] {strides = array<i32>} : memref<128x128xf32, #tpu.memory_space<vmem>>, vector<1x16xf32>,
        %get3A_259 = vector.shape_cast %get3A_258 : vector<1x16xf32> to vector<16xf32>
        %add3A_260 = arith.addf %get3A_255, %get3A_259 : vector<16xf32>
        %add3A_261 = arith.addf %scan3A_182, %add3A_260 : vector<16xf32>
        %mul3A_262 = arith.mulf %add3A_260, %add3A_260 : vector<16xf32>
        %add3A_263 = arith.addf %scan3A_190, %mul3A_262 : vector<16xf32>
        %get3A_264 = arith.index_cast %scan3A_176 : i32 to index
        %get3A_265 = arith.constant 96 : index
        %get3A_266 = tpu.vector_load %arg18[%get3A_264, %get3A_265] {strides = array<i32>} : memref<128x128xf32, #tpu.memory_space<vmem>>, vector<1x16xf32>,
        %get3A_267 = vector.shape_cast %get3A_266 : vector<1x16xf32> to vector<16xf32>
        %get3A_268 = arith.index_cast %scan3A_176 : i32 to index
        %get3A_269 = arith.constant 96 : index
        %get3A_270 = tpu.vector_load %arg19[%get3A_268, %get3A_269] {strides = array<i32>} : memref<128x128xf32, #tpu.memory_space<vmem>>, vector<1x16xf32>,
        %get3A_271 = vector.shape_cast %get3A_270 : vector<1x16xf32> to vector<16xf32>
        %add3A_272 = arith.addf %get3A_267, %get3A_271 : vector<16xf32>
        %add3A_273 = arith.addf %scan3A_183, %add3A_272 : vector<16xf32>
        %mul3A_274 = arith.mulf %add3A_272, %add3A_272 : vector<16xf32>
        %add3A_275 = arith.addf %scan3A_191, %mul3A_274 : vector<16xf32>
        %get3A_276 = arith.index_cast %scan3A_176 : i32 to index
        %get3A_277 = arith.constant 112 : index
        %get3A_278 = tpu.vector_load %arg18[%get3A_276, %get3A_277] {strides = array<i32>} : memref<128x128xf32, #tpu.memory_space<vmem>>, vector<1x16xf32>,
        %get3A_279 = vector.shape_cast %get3A_278 : vector<1x16xf32> to vector<16xf32>
        %get3A_280 = arith.index_cast %scan3A_176 : i32 to index
        %get3A_281 = arith.constant 112 : index
        %get3A_282 = tpu.vector_load %arg19[%get3A_280, %get3A_281] {strides = array<i32>} : memref<128x128xf32, #tpu.memory_space<vmem>>, vector<1x16xf32>,
        %get3A_283 = vector.shape_cast %get3A_282 : vector<1x16xf32> to vector<16xf32>
        %add3A_284 = arith.addf %get3A_279, %get3A_283 : vector<16xf32>
        %add3A_285 = arith.addf %scan3A_184, %add3A_284 : vector<16xf32>
        %mul3A_286 = arith.mulf %add3A_284, %add3A_284 : vector<16xf32>
        %add3A_287 = arith.addf %scan3A_192, %mul3A_286 : vector<16xf32>
        scf.yield %add3A_201, %add3A_213, %add3A_225, %add3A_237, %add3A_249, %add3A_261, %add3A_273, %add3A_285, %add3A_203, %add3A_215, %add3A_227, %add3A_239, %add3A_251, %add3A_263, %add3A_275, %add3A_287 : vector<16xf32>, vector<16xf32>, vector<16xf32>, vector<16xf32>, vector<16xf32>, vector<16xf32>, vector<16xf32>, vector<16xf32>, vector<16xf32>, vector<16xf32>, vector<16xf32>, vector<16xf32>, vector<16xf32>, vector<16xf32>, vector<16xf32>, vector<16xf32>
      }
      %scan3A_168 = arith.constant 128 : i32
      %add3A_169 = arith.constant 2 : i32
      %add3A_170 = arith.addi %add3A_149, %add3A_169 : i32
      %lt3A_171 = arith.constant 78 : i32
      %lt3A_172 = arith.cmpi slt, %add3A_170, %lt3A_171 : i32
      %convert_element_type3A_173 = arith.extui %lt3A_172 : i1 to i32
      %cond3A_174 = arith.constant 0 : i32
      %cond3A_175 = arith.cmpi ne, %convert_element_type3A_173, %cond3A_174 : i32
      scf.if %cond3A_175 {
        %add3A_176 = arith.constant 2 : i32
        %add3A_177 = arith.addi %add3A_149, %add3A_176 : i32
        %mul3A_178 = arith.constant 128 : i32
        %mul3A_179 = arith.muli %add3A_177, %mul3A_178 : i32
        %add3A_180 = arith.addi %mul3A_2, %mul3A_179 : i32
        %dma_start3A_181 = tpu.memref_slice %arg5[%add3A_180] : memref<320000xi32, #tpu.memory_space<hbm>> -> memref<128xi32, #tpu.memory_space<hbm>>
        %dma_start3A_182 = tpu.memref_slice %arg5[%add3A_180] : memref<320000xi32, #tpu.memory_space<hbm>> -> memref<128xi32, #tpu.memory_space<hbm>>
        tpu.enqueue_dma source(%dma_start3A_182 : memref<128xi32, #tpu.memory_space<hbm>>) target(%arg16 : memref<128xi32, #tpu.memory_space<vmem>>) target_semaphore(%arg20 : memref<!tpu.dma_semaphore, #tpu.memory_space<semaphore_mem>>)
        %dma_start3A_183 = tpu.memref_slice %arg4[%add3A_180] : memref<320000xi32, #tpu.memory_space<hbm>> -> memref<128xi32, #tpu.memory_space<hbm>>
        %dma_start3A_184 = tpu.memref_slice %arg4[%add3A_180] : memref<320000xi32, #tpu.memory_space<hbm>> -> memref<128xi32, #tpu.memory_space<hbm>>
        tpu.enqueue_dma source(%dma_start3A_184 : memref<128xi32, #tpu.memory_space<hbm>>) target(%arg17 : memref<128xi32, #tpu.memory_space<vmem>>) target_semaphore(%arg21 : memref<!tpu.dma_semaphore, #tpu.memory_space<semaphore_mem>>)
      } else {
      }
      scf.yield %scan3A_167#0, %scan3A_167#1, %scan3A_167#2, %scan3A_167#3, %scan3A_167#4, %scan3A_167#5, %scan3A_167#6, %scan3A_167#7, %scan3A_167#8, %scan3A_167#9, %scan3A_167#10, %scan3A_167#11, %scan3A_167#12, %scan3A_167#13, %scan3A_167#14, %scan3A_167#15 : vector<16xf32>, vector<16xf32>, vector<16xf32>, vector<16xf32>, vector<16xf32>, vector<16xf32>, vector<16xf32>, vector<16xf32>, vector<16xf32>, vector<16xf32>, vector<16xf32>, vector<16xf32>, vector<16xf32>, vector<16xf32>, vector<16xf32>, vector<16xf32>
    }
    %scan3A_32 = arith.constant 39 : i32
    %add3A_33 = arith.constant 9984 : i32
    %add3A_34 = arith.addi %mul3A_2, %add3A_33 : i32
    "tpu.region"() ({
      %run_scoped3A = tpu.sem_alloc : memref<!tpu.dma_semaphore, #tpu.memory_space<semaphore_mem>>
      %dma_start3A_104 = tpu.memref_slice %arg5[%add3A_34] : memref<320000xi32, #tpu.memory_space<hbm>> -> memref<16xi32, #tpu.memory_space<hbm>>
      %dma_start3A_105 = tpu.memref_slice %arg5[%add3A_34] : memref<320000xi32, #tpu.memory_space<hbm>> -> memref<16xi32, #tpu.memory_space<hbm>>
      tpu.enqueue_dma source(%dma_start3A_105 : memref<16xi32, #tpu.memory_space<hbm>>) target(%arg24 : memref<16xi32, #tpu.memory_space<vmem>>) target_semaphore(%run_scoped3A : memref<!tpu.dma_semaphore, #tpu.memory_space<semaphore_mem>>)
      %dma_wait3A_106 = tpu.memref_slice %arg5[%add3A_34] : memref<320000xi32, #tpu.memory_space<hbm>> -> memref<16xi32, #tpu.memory_space<hbm>>
      %dma_wait3A_107 = tpu.memref_slice %arg5[%add3A_34] : memref<320000xi32, #tpu.memory_space<hbm>> -> memref<16xi32, #tpu.memory_space<hbm>>
      tpu.wait_dma2 semaphore(%run_scoped3A : memref<!tpu.dma_semaphore, #tpu.memory_space<semaphore_mem>>) src(%dma_wait3A_107 : memref<16xi32, #tpu.memory_space<hbm>>) dst(%arg24 : memref<16xi32, #tpu.memory_space<vmem>>)
      tpu.yield
    }) : () -> ()
    "tpu.region"() ({
      %run_scoped3A = tpu.sem_alloc : memref<!tpu.dma_semaphore, #tpu.memory_space<semaphore_mem>>
      %dma_start3A_104 = tpu.memref_slice %arg4[%add3A_34] : memref<320000xi32, #tpu.memory_space<hbm>> -> memref<16xi32, #tpu.memory_space<hbm>>
      %dma_start3A_105 = tpu.memref_slice %arg4[%add3A_34] : memref<320000xi32, #tpu.memory_space<hbm>> -> memref<16xi32, #tpu.memory_space<hbm>>
      tpu.enqueue_dma source(%dma_start3A_105 : memref<16xi32, #tpu.memory_space<hbm>>) target(%arg25 : memref<16xi32, #tpu.memory_space<vmem>>) target_semaphore(%run_scoped3A : memref<!tpu.dma_semaphore, #tpu.memory_space<semaphore_mem>>)
      %dma_wait3A_106 = tpu.memref_slice %arg4[%add3A_34] : memref<320000xi32, #tpu.memory_space<hbm>> -> memref<16xi32, #tpu.memory_space<hbm>>
      %dma_wait3A_107 = tpu.memref_slice %arg4[%add3A_34] : memref<320000xi32, #tpu.memory_space<hbm>> -> memref<16xi32, #tpu.memory_space<hbm>>
      tpu.wait_dma2 semaphore(%run_scoped3A : memref<!tpu.dma_semaphore, #tpu.memory_space<semaphore_mem>>) src(%dma_wait3A_107 : memref<16xi32, #tpu.memory_space<hbm>>) dst(%arg25 : memref<16xi32, #tpu.memory_space<vmem>>)
      tpu.yield
    }) : () -> ()
    "tpu.region"() ({
      %run_scoped3A = tpu.sem_alloc : memref<!tpu.dma_semaphore, #tpu.memory_space<semaphore_mem>>
      %dma_start3A_104 = arith.constant 0 : i32
      %dma_start3A_105 = arith.constant 0 : i32
      %dma_start3A_106 = tpu.memref_slice %arg2[%dma_start3A_104, %dma_start3A_105] : memref<10000x128xf32, #tpu.memory_space<hbm>> -> memref<10000x128xf32, #tpu.memory_space<hbm>>
      tpu.enqueue_indirect_dma source(%dma_start3A_106 : memref<10000x128xf32, #tpu.memory_space<hbm>>) target(%arg26 : memref<16x128xf32, #tpu.memory_space<vmem>>) offsets(%arg24 : memref<16xi32, #tpu.memory_space<vmem>>) semaphore(%run_scoped3A : memref<!tpu.dma_semaphore, #tpu.memory_space<semaphore_mem>>)
      %dma_wait3A_107 = arith.constant 0 : i32
      %dma_wait3A_108 = arith.constant 0 : i32
      %dma_wait3A_109 = tpu.memref_slice %arg2[%dma_wait3A_107, %dma_wait3A_108] : memref<10000x128xf32, #tpu.memory_space<hbm>> -> memref<10000x128xf32, #tpu.memory_space<hbm>>
      tpu.wait_indirect_dma semaphore(%run_scoped3A : memref<!tpu.dma_semaphore, #tpu.memory_space<semaphore_mem>>) src(%dma_wait3A_109 : memref<10000x128xf32, #tpu.memory_space<hbm>>) dst(%arg26 : memref<16x128xf32, #tpu.memory_space<vmem>>)
      tpu.yield
    }) : () -> ()
    "tpu.region"() ({
      %run_scoped3A = tpu.sem_alloc : memref<!tpu.dma_semaphore, #tpu.memory_space<semaphore_mem>>
      %dma_start3A_104 = arith.constant 0 : i32
      %dma_start3A_105 = arith.constant 0 : i32
      %dma_start3A_106 = tpu.memref_slice %arg3[%dma_start3A_104, %dma_start3A_105] : memref<10000x128xf32, #tpu.memory_space<hbm>> -> memref<10000x128xf32, #tpu.memory_space<hbm>>
      tpu.enqueue_indirect_dma source(%dma_start3A_106 : memref<10000x128xf32, #tpu.memory_space<hbm>>) target(%arg27 : memref<16x128xf32, #tpu.memory_space<vmem>>) offsets(%arg25 : memref<16xi32, #tpu.memory_space<vmem>>) semaphore(%run_scoped3A : memref<!tpu.dma_semaphore, #tpu.memory_space<semaphore_mem>>)
      %dma_wait3A_107 = arith.constant 0 : i32
      %dma_wait3A_108 = arith.constant 0 : i32
      %dma_wait3A_109 = tpu.memref_slice %arg3[%dma_wait3A_107, %dma_wait3A_108] : memref<10000x128xf32, #tpu.memory_space<hbm>> -> memref<10000x128xf32, #tpu.memory_space<hbm>>
      tpu.wait_indirect_dma semaphore(%run_scoped3A : memref<!tpu.dma_semaphore, #tpu.memory_space<semaphore_mem>>) src(%dma_wait3A_109 : memref<10000x128xf32, #tpu.memory_space<hbm>>) dst(%arg27 : memref<16x128xf32, #tpu.memory_space<vmem>>)
      tpu.yield
    }) : () -> ()
    %scan3A_35 = arith.constant 0 : i32
    %scan3A_36 = arith.constant 16 : i32
    %scan3A_37 = arith.addi %scan3A_35, %scan3A_36 : i32
    %scan3A_38 = arith.constant 1 : i32
    %scan3A_39:16 = scf.for %scan3A_104 = %scan3A_35 to %scan3A_37 step %scan3A_38 iter_args(%scan3A_105 = %scan3A_31#0, %scan3A_106 = %scan3A_31#1, %scan3A_107 = %scan3A_31#2, %scan3A_108 = %scan3A_31#3, %scan3A_109 = %scan3A_31#4, %scan3A_110 = %scan3A_31#5, %scan3A_111 = %scan3A_31#6, %scan3A_112 = %scan3A_31#7, %scan3A_113 = %scan3A_31#8, %scan3A_114 = %scan3A_31#9, %scan3A_115 = %scan3A_31#10, %scan3A_116 = %scan3A_31#11, %scan3A_117 = %scan3A_31#12, %scan3A_118 = %scan3A_31#13, %scan3A_119 = %scan3A_31#14, %scan3A_120 = %scan3A_31#15) -> (vector<16xf32>, vector<16xf32>, vector<16xf32>, vector<16xf32>, vector<16xf32>, vector<16xf32>, vector<16xf32>, vector<16xf32>, vector<16xf32>, vector<16xf32>, vector<16xf32>, vector<16xf32>, vector<16xf32>, vector<16xf32>, vector<16xf32>, vector<16xf32>)  : i32 {
      %get3A = arith.index_cast %scan3A_104 : i32 to index
      %get3A_121 = arith.constant 0 : index
      %get3A_122 = tpu.vector_load %arg26[%get3A, %get3A_121] {strides = array<i32>} : memref<16x128xf32, #tpu.memory_space<vmem>>, vector<1x16xf32>,
      %get3A_123 = vector.shape_cast %get3A_122 : vector<1x16xf32> to vector<16xf32>
      %get3A_124 = arith.index_cast %scan3A_104 : i32 to index
      %get3A_125 = arith.constant 0 : index
      %get3A_126 = tpu.vector_load %arg27[%get3A_124, %get3A_125] {strides = array<i32>} : memref<16x128xf32, #tpu.memory_space<vmem>>, vector<1x16xf32>,
      %get3A_127 = vector.shape_cast %get3A_126 : vector<1x16xf32> to vector<16xf32>
      %add3A_128 = arith.addf %get3A_123, %get3A_127 : vector<16xf32>
      %add3A_129 = arith.addf %scan3A_105, %add3A_128 : vector<16xf32>
      %mul3A_130 = arith.mulf %add3A_128, %add3A_128 : vector<16xf32>
      %add3A_131 = arith.addf %scan3A_113, %mul3A_130 : vector<16xf32>
      %get3A_132 = arith.index_cast %scan3A_104 : i32 to index
      %get3A_133 = arith.constant 16 : index
      %get3A_134 = tpu.vector_load %arg26[%get3A_132, %get3A_133] {strides = array<i32>} : memref<16x128xf32, #tpu.memory_space<vmem>>, vector<1x16xf32>,
      %get3A_135 = vector.shape_cast %get3A_134 : vector<1x16xf32> to vector<16xf32>
      %get3A_136 = arith.index_cast %scan3A_104 : i32 to index
      %get3A_137 = arith.constant 16 : index
      %get3A_138 = tpu.vector_load %arg27[%get3A_136, %get3A_137] {strides = array<i32>} : memref<16x128xf32, #tpu.memory_space<vmem>>, vector<1x16xf32>,
      %get3A_139 = vector.shape_cast %get3A_138 : vector<1x16xf32> to vector<16xf32>
      %add3A_140 = arith.addf %get3A_135, %get3A_139 : vector<16xf32>
      %add3A_141 = arith.addf %scan3A_106, %add3A_140 : vector<16xf32>
      %mul3A_142 = arith.mulf %add3A_140, %add3A_140 : vector<16xf32>
      %add3A_143 = arith.addf %scan3A_114, %mul3A_142 : vector<16xf32>
      %get3A_144 = arith.index_cast %scan3A_104 : i32 to index
      %get3A_145 = arith.constant 32 : index
      %get3A_146 = tpu.vector_load %arg26[%get3A_144, %get3A_145] {strides = array<i32>} : memref<16x128xf32, #tpu.memory_space<vmem>>, vector<1x16xf32>,
      %get3A_147 = vector.shape_cast %get3A_146 : vector<1x16xf32> to vector<16xf32>
      %get3A_148 = arith.index_cast %scan3A_104 : i32 to index
      %get3A_149 = arith.constant 32 : index
      %get3A_150 = tpu.vector_load %arg27[%get3A_148, %get3A_149] {strides = array<i32>} : memref<16x128xf32, #tpu.memory_space<vmem>>, vector<1x16xf32>,
      %get3A_151 = vector.shape_cast %get3A_150 : vector<1x16xf32> to vector<16xf32>
      %add3A_152 = arith.addf %get3A_147, %get3A_151 : vector<16xf32>
      %add3A_153 = arith.addf %scan3A_107, %add3A_152 : vector<16xf32>
      %mul3A_154 = arith.mulf %add3A_152, %add3A_152 : vector<16xf32>
      %add3A_155 = arith.addf %scan3A_115, %mul3A_154 : vector<16xf32>
      %get3A_156 = arith.index_cast %scan3A_104 : i32 to index
      %get3A_157 = arith.constant 48 : index
      %get3A_158 = tpu.vector_load %arg26[%get3A_156, %get3A_157] {strides = array<i32>} : memref<16x128xf32, #tpu.memory_space<vmem>>, vector<1x16xf32>,
      %get3A_159 = vector.shape_cast %get3A_158 : vector<1x16xf32> to vector<16xf32>
      %get3A_160 = arith.index_cast %scan3A_104 : i32 to index
      %get3A_161 = arith.constant 48 : index
      %get3A_162 = tpu.vector_load %arg27[%get3A_160, %get3A_161] {strides = array<i32>} : memref<16x128xf32, #tpu.memory_space<vmem>>, vector<1x16xf32>,
      %get3A_163 = vector.shape_cast %get3A_162 : vector<1x16xf32> to vector<16xf32>
      %add3A_164 = arith.addf %get3A_159, %get3A_163 : vector<16xf32>
      %add3A_165 = arith.addf %scan3A_108, %add3A_164 : vector<16xf32>
      %mul3A_166 = arith.mulf %add3A_164, %add3A_164 : vector<16xf32>
      %add3A_167 = arith.addf %scan3A_116, %mul3A_166 : vector<16xf32>
      %get3A_168 = arith.index_cast %scan3A_104 : i32 to index
      %get3A_169 = arith.constant 64 : index
      %get3A_170 = tpu.vector_load %arg26[%get3A_168, %get3A_169] {strides = array<i32>} : memref<16x128xf32, #tpu.memory_space<vmem>>, vector<1x16xf32>,
      %get3A_171 = vector.shape_cast %get3A_170 : vector<1x16xf32> to vector<16xf32>
      %get3A_172 = arith.index_cast %scan3A_104 : i32 to index
      %get3A_173 = arith.constant 64 : index
      %get3A_174 = tpu.vector_load %arg27[%get3A_172, %get3A_173] {strides = array<i32>} : memref<16x128xf32, #tpu.memory_space<vmem>>, vector<1x16xf32>,
      %get3A_175 = vector.shape_cast %get3A_174 : vector<1x16xf32> to vector<16xf32>
      %add3A_176 = arith.addf %get3A_171, %get3A_175 : vector<16xf32>
      %add3A_177 = arith.addf %scan3A_109, %add3A_176 : vector<16xf32>
      %mul3A_178 = arith.mulf %add3A_176, %add3A_176 : vector<16xf32>
      %add3A_179 = arith.addf %scan3A_117, %mul3A_178 : vector<16xf32>
      %get3A_180 = arith.index_cast %scan3A_104 : i32 to index
      %get3A_181 = arith.constant 80 : index
      %get3A_182 = tpu.vector_load %arg26[%get3A_180, %get3A_181] {strides = array<i32>} : memref<16x128xf32, #tpu.memory_space<vmem>>, vector<1x16xf32>,
      %get3A_183 = vector.shape_cast %get3A_182 : vector<1x16xf32> to vector<16xf32>
      %get3A_184 = arith.index_cast %scan3A_104 : i32 to index
      %get3A_185 = arith.constant 80 : index
      %get3A_186 = tpu.vector_load %arg27[%get3A_184, %get3A_185] {strides = array<i32>} : memref<16x128xf32, #tpu.memory_space<vmem>>, vector<1x16xf32>,
      %get3A_187 = vector.shape_cast %get3A_186 : vector<1x16xf32> to vector<16xf32>
      %add3A_188 = arith.addf %get3A_183, %get3A_187 : vector<16xf32>
      %add3A_189 = arith.addf %scan3A_110, %add3A_188 : vector<16xf32>
      %mul3A_190 = arith.mulf %add3A_188, %add3A_188 : vector<16xf32>
      %add3A_191 = arith.addf %scan3A_118, %mul3A_190 : vector<16xf32>
      %get3A_192 = arith.index_cast %scan3A_104 : i32 to index
      %get3A_193 = arith.constant 96 : index
      %get3A_194 = tpu.vector_load %arg26[%get3A_192, %get3A_193] {strides = array<i32>} : memref<16x128xf32, #tpu.memory_space<vmem>>, vector<1x16xf32>,
      %get3A_195 = vector.shape_cast %get3A_194 : vector<1x16xf32> to vector<16xf32>
      %get3A_196 = arith.index_cast %scan3A_104 : i32 to index
      %get3A_197 = arith.constant 96 : index
      %get3A_198 = tpu.vector_load %arg27[%get3A_196, %get3A_197] {strides = array<i32>} : memref<16x128xf32, #tpu.memory_space<vmem>>, vector<1x16xf32>,
      %get3A_199 = vector.shape_cast %get3A_198 : vector<1x16xf32> to vector<16xf32>
      %add3A_200 = arith.addf %get3A_195, %get3A_199 : vector<16xf32>
      %add3A_201 = arith.addf %scan3A_111, %add3A_200 : vector<16xf32>
      %mul3A_202 = arith.mulf %add3A_200, %add3A_200 : vector<16xf32>
      %add3A_203 = arith.addf %scan3A_119, %mul3A_202 : vector<16xf32>
      %get3A_204 = arith.index_cast %scan3A_104 : i32 to index
      %get3A_205 = arith.constant 112 : index
      %get3A_206 = tpu.vector_load %arg26[%get3A_204, %get3A_205] {strides = array<i32>} : memref<16x128xf32, #tpu.memory_space<vmem>>, vector<1x16xf32>,
      %get3A_207 = vector.shape_cast %get3A_206 : vector<1x16xf32> to vector<16xf32>
      %get3A_208 = arith.index_cast %scan3A_104 : i32 to index
      %get3A_209 = arith.constant 112 : index
      %get3A_210 = tpu.vector_load %arg27[%get3A_208, %get3A_209] {strides = array<i32>} : memref<16x128xf32, #tpu.memory_space<vmem>>, vector<1x16xf32>,
      %get3A_211 = vector.shape_cast %get3A_210 : vector<1x16xf32> to vector<16xf32>
      %add3A_212 = arith.addf %get3A_207, %get3A_211 : vector<16xf32>
      %add3A_213 = arith.addf %scan3A_112, %add3A_212 : vector<16xf32>
      %mul3A_214 = arith.mulf %add3A_212, %add3A_212 : vector<16xf32>
      %add3A_215 = arith.addf %scan3A_120, %mul3A_214 : vector<16xf32>
      scf.yield %add3A_129, %add3A_141, %add3A_153, %add3A_165, %add3A_177, %add3A_189, %add3A_201, %add3A_213, %add3A_131, %add3A_143, %add3A_155, %add3A_167, %add3A_179, %add3A_191, %add3A_203, %add3A_215 : vector<16xf32>, vector<16xf32>, vector<16xf32>, vector<16xf32>, vector<16xf32>, vector<16xf32>, vector<16xf32>, vector<16xf32>, vector<16xf32>, vector<16xf32>, vector<16xf32>, vector<16xf32>, vector<16xf32>, vector<16xf32>, vector<16xf32>, vector<16xf32>
    }
    %scan3A_40 = arith.constant 16 : i32
    %swap3A = arith.constant 0 : index
    %swap3A_41 = tpu.vector_load %arg28[%swap3A] {strides = array<i32>} : memref<128xf32, #tpu.memory_space<vmem>>, vector<16xf32>,
    %swap3A_42 = vector.shape_cast %swap3A_41 : vector<16xf32> to vector<16xf32>
    %swap3A_43 = vector.shape_cast %scan3A_39#0 : vector<16xf32> to vector<16xf32>
    tpu.vector_store %arg28[%swap3A], %swap3A_43 {strides = array<i32>} : memref<128xf32, #tpu.memory_space<vmem>>, vector<16xf32>,
    %swap3A_44 = arith.constant 0 : index
    %swap3A_45 = tpu.vector_load %arg29[%swap3A_44] {strides = array<i32>} : memref<128xf32, #tpu.memory_space<vmem>>, vector<16xf32>,
    %swap3A_46 = vector.shape_cast %swap3A_45 : vector<16xf32> to vector<16xf32>
    %swap3A_47 = vector.shape_cast %scan3A_39#8 : vector<16xf32> to vector<16xf32>
    tpu.vector_store %arg29[%swap3A_44], %swap3A_47 {strides = array<i32>} : memref<128xf32, #tpu.memory_space<vmem>>, vector<16xf32>,
    %swap3A_48 = arith.constant 16 : index
    %swap3A_49 = tpu.vector_load %arg28[%swap3A_48] {strides = array<i32>} : memref<128xf32, #tpu.memory_space<vmem>>, vector<16xf32>,
    %swap3A_50 = vector.shape_cast %swap3A_49 : vector<16xf32> to vector<16xf32>
    %swap3A_51 = vector.shape_cast %scan3A_39#1 : vector<16xf32> to vector<16xf32>
    tpu.vector_store %arg28[%swap3A_48], %swap3A_51 {strides = array<i32>} : memref<128xf32, #tpu.memory_space<vmem>>, vector<16xf32>,
    %swap3A_52 = arith.constant 16 : index
    %swap3A_53 = tpu.vector_load %arg29[%swap3A_52] {strides = array<i32>} : memref<128xf32, #tpu.memory_space<vmem>>, vector<16xf32>,
    %swap3A_54 = vector.shape_cast %swap3A_53 : vector<16xf32> to vector<16xf32>
    %swap3A_55 = vector.shape_cast %scan3A_39#9 : vector<16xf32> to vector<16xf32>
    tpu.vector_store %arg29[%swap3A_52], %swap3A_55 {strides = array<i32>} : memref<128xf32, #tpu.memory_space<vmem>>, vector<16xf32>,
    %swap3A_56 = arith.constant 32 : index
    %swap3A_57 = tpu.vector_load %arg28[%swap3A_56] {strides = array<i32>} : memref<128xf32, #tpu.memory_space<vmem>>, vector<16xf32>,
    %swap3A_58 = vector.shape_cast %swap3A_57 : vector<16xf32> to vector<16xf32>
    %swap3A_59 = vector.shape_cast %scan3A_39#2 : vector<16xf32> to vector<16xf32>
    tpu.vector_store %arg28[%swap3A_56], %swap3A_59 {strides = array<i32>} : memref<128xf32, #tpu.memory_space<vmem>>, vector<16xf32>,
    %swap3A_60 = arith.constant 32 : index
    %swap3A_61 = tpu.vector_load %arg29[%swap3A_60] {strides = array<i32>} : memref<128xf32, #tpu.memory_space<vmem>>, vector<16xf32>,
    %swap3A_62 = vector.shape_cast %swap3A_61 : vector<16xf32> to vector<16xf32>
    %swap3A_63 = vector.shape_cast %scan3A_39#10 : vector<16xf32> to vector<16xf32>
    tpu.vector_store %arg29[%swap3A_60], %swap3A_63 {strides = array<i32>} : memref<128xf32, #tpu.memory_space<vmem>>, vector<16xf32>,
    %swap3A_64 = arith.constant 48 : index
    %swap3A_65 = tpu.vector_load %arg28[%swap3A_64] {strides = array<i32>} : memref<128xf32, #tpu.memory_space<vmem>>, vector<16xf32>,
    %swap3A_66 = vector.shape_cast %swap3A_65 : vector<16xf32> to vector<16xf32>
    %swap3A_67 = vector.shape_cast %scan3A_39#3 : vector<16xf32> to vector<16xf32>
    tpu.vector_store %arg28[%swap3A_64], %swap3A_67 {strides = array<i32>} : memref<128xf32, #tpu.memory_space<vmem>>, vector<16xf32>,
    %swap3A_68 = arith.constant 48 : index
    %swap3A_69 = tpu.vector_load %arg29[%swap3A_68] {strides = array<i32>} : memref<128xf32, #tpu.memory_space<vmem>>, vector<16xf32>,
    %swap3A_70 = vector.shape_cast %swap3A_69 : vector<16xf32> to vector<16xf32>
    %swap3A_71 = vector.shape_cast %scan3A_39#11 : vector<16xf32> to vector<16xf32>
    tpu.vector_store %arg29[%swap3A_68], %swap3A_71 {strides = array<i32>} : memref<128xf32, #tpu.memory_space<vmem>>, vector<16xf32>,
    %swap3A_72 = arith.constant 64 : index
    %swap3A_73 = tpu.vector_load %arg28[%swap3A_72] {strides = array<i32>} : memref<128xf32, #tpu.memory_space<vmem>>, vector<16xf32>,
    %swap3A_74 = vector.shape_cast %swap3A_73 : vector<16xf32> to vector<16xf32>
    %swap3A_75 = vector.shape_cast %scan3A_39#4 : vector<16xf32> to vector<16xf32>
    tpu.vector_store %arg28[%swap3A_72], %swap3A_75 {strides = array<i32>} : memref<128xf32, #tpu.memory_space<vmem>>, vector<16xf32>,
    %swap3A_76 = arith.constant 64 : index
    %swap3A_77 = tpu.vector_load %arg29[%swap3A_76] {strides = array<i32>} : memref<128xf32, #tpu.memory_space<vmem>>, vector<16xf32>,
    %swap3A_78 = vector.shape_cast %swap3A_77 : vector<16xf32> to vector<16xf32>
    %swap3A_79 = vector.shape_cast %scan3A_39#12 : vector<16xf32> to vector<16xf32>
    tpu.vector_store %arg29[%swap3A_76], %swap3A_79 {strides = array<i32>} : memref<128xf32, #tpu.memory_space<vmem>>, vector<16xf32>,
    %swap3A_80 = arith.constant 80 : index
    %swap3A_81 = tpu.vector_load %arg28[%swap3A_80] {strides = array<i32>} : memref<128xf32, #tpu.memory_space<vmem>>, vector<16xf32>,
    %swap3A_82 = vector.shape_cast %swap3A_81 : vector<16xf32> to vector<16xf32>
    %swap3A_83 = vector.shape_cast %scan3A_39#5 : vector<16xf32> to vector<16xf32>
    tpu.vector_store %arg28[%swap3A_80], %swap3A_83 {strides = array<i32>} : memref<128xf32, #tpu.memory_space<vmem>>, vector<16xf32>,
    %swap3A_84 = arith.constant 80 : index
    %swap3A_85 = tpu.vector_load %arg29[%swap3A_84] {strides = array<i32>} : memref<128xf32, #tpu.memory_space<vmem>>, vector<16xf32>,
    %swap3A_86 = vector.shape_cast %swap3A_85 : vector<16xf32> to vector<16xf32>
    %swap3A_87 = vector.shape_cast %scan3A_39#13 : vector<16xf32> to vector<16xf32>
    tpu.vector_store %arg29[%swap3A_84], %swap3A_87 {strides = array<i32>} : memref<128xf32, #tpu.memory_space<vmem>>, vector<16xf32>,
    %swap3A_88 = arith.constant 96 : index
    %swap3A_89 = tpu.vector_load %arg28[%swap3A_88] {strides = array<i32>} : memref<128xf32, #tpu.memory_space<vmem>>, vector<16xf32>,
    %swap3A_90 = vector.shape_cast %swap3A_89 : vector<16xf32> to vector<16xf32>
    %swap3A_91 = vector.shape_cast %scan3A_39#6 : vector<16xf32> to vector<16xf32>
    tpu.vector_store %arg28[%swap3A_88], %swap3A_91 {strides = array<i32>} : memref<128xf32, #tpu.memory_space<vmem>>, vector<16xf32>,
    %swap3A_92 = arith.constant 96 : index
    %swap3A_93 = tpu.vector_load %arg29[%swap3A_92] {strides = array<i32>} : memref<128xf32, #tpu.memory_space<vmem>>, vector<16xf32>,
    %swap3A_94 = vector.shape_cast %swap3A_93 : vector<16xf32> to vector<16xf32>
    %swap3A_95 = vector.shape_cast %scan3A_39#14 : vector<16xf32> to vector<16xf32>
    tpu.vector_store %arg29[%swap3A_92], %swap3A_95 {strides = array<i32>} : memref<128xf32, #tpu.memory_space<vmem>>, vector<16xf32>,
    %swap3A_96 = arith.constant 112 : index
    %swap3A_97 = tpu.vector_load %arg28[%swap3A_96] {strides = array<i32>} : memref<128xf32, #tpu.memory_space<vmem>>, vector<16xf32>,
    %swap3A_98 = vector.shape_cast %swap3A_97 : vector<16xf32> to vector<16xf32>
    %swap3A_99 = vector.shape_cast %scan3A_39#7 : vector<16xf32> to vector<16xf32>
    tpu.vector_store %arg28[%swap3A_96], %swap3A_99 {strides = array<i32>} : memref<128xf32, #tpu.memory_space<vmem>>, vector<16xf32>,
    %swap3A_100 = arith.constant 112 : index
    %swap3A_101 = tpu.vector_load %arg29[%swap3A_100] {strides = array<i32>} : memref<128xf32, #tpu.memory_space<vmem>>, vector<16xf32>,
    %swap3A_102 = vector.shape_cast %swap3A_101 : vector<16xf32> to vector<16xf32>
    %swap3A_103 = vector.shape_cast %scan3A_39#15 : vector<16xf32> to vector<16xf32>
    tpu.vector_store %arg29[%swap3A_100], %swap3A_103 {strides = array<i32>} : memref<128xf32, #tpu.memory_space<vmem>>, vector<16xf32>,
    "tpu.region"() ({
      %run_scoped3A = tpu.sem_alloc : memref<!tpu.dma_semaphore, #tpu.memory_space<semaphore_mem>>
      %dma_start3A_104 = arith.constant 0 : i32
      %dma_start3A_105 = tpu.memref_slice %arg6[%add3A, %dma_start3A_104] : memref<32x128xf32, #tpu.memory_space<hbm>> -> memref<1x128xf32, #tpu.memory_space<hbm>>
      %dma_start3A_106 = tpu.memref_squeeze %dma_start3A_105 : memref<1x128xf32, #tpu.memory_space<hbm>> -> memref<128xf32, #tpu.memory_space<hbm>>
      %dma_start3A_107 = arith.constant 0 : i32
      %dma_start3A_108 = tpu.memref_slice %arg6[%add3A, %dma_start3A_107] : memref<32x128xf32, #tpu.memory_space<hbm>> -> memref<1x128xf32, #tpu.memory_space<hbm>>
      %dma_start3A_109 = tpu.memref_squeeze %dma_start3A_108 : memref<1x128xf32, #tpu.memory_space<hbm>> -> memref<128xf32, #tpu.memory_space<hbm>>
      tpu.enqueue_dma source(%arg28 : memref<128xf32, #tpu.memory_space<vmem>>) target(%dma_start3A_109 : memref<128xf32, #tpu.memory_space<hbm>>) target_semaphore(%run_scoped3A : memref<!tpu.dma_semaphore, #tpu.memory_space<semaphore_mem>>)
      %dma_wait3A_110 = arith.constant 0 : i32
      %dma_wait3A_111 = tpu.memref_slice %arg6[%add3A, %dma_wait3A_110] : memref<32x128xf32, #tpu.memory_space<hbm>> -> memref<1x128xf32, #tpu.memory_space<hbm>>
      %dma_wait3A_112 = tpu.memref_squeeze %dma_wait3A_111 : memref<1x128xf32, #tpu.memory_space<hbm>> -> memref<128xf32, #tpu.memory_space<hbm>>
      %dma_wait3A_113 = arith.constant 0 : i32
      %dma_wait3A_114 = tpu.memref_slice %arg6[%add3A, %dma_wait3A_113] : memref<32x128xf32, #tpu.memory_space<hbm>> -> memref<1x128xf32, #tpu.memory_space<hbm>>
      %dma_wait3A_115 = tpu.memref_squeeze %dma_wait3A_114 : memref<1x128xf32, #tpu.memory_space<hbm>> -> memref<128xf32, #tpu.memory_space<hbm>>
      tpu.wait_dma2 semaphore(%run_scoped3A : memref<!tpu.dma_semaphore, #tpu.memory_space<semaphore_mem>>) src(%arg28 : memref<128xf32, #tpu.memory_space<vmem>>) dst(%dma_wait3A_115 : memref<128xf32, #tpu.memory_space<hbm>>)
      tpu.yield
    }) : () -> ()
    "tpu.region"() ({
      %run_scoped3A = tpu.sem_alloc : memref<!tpu.dma_semaphore, #tpu.memory_space<semaphore_mem>>
      %dma_start3A_104 = arith.constant 0 : i32
      %dma_start3A_105 = tpu.memref_slice %arg7[%add3A, %dma_start3A_104] : memref<32x128xf32, #tpu.memory_space<hbm>> -> memref<1x128xf32, #tpu.memory_space<hbm>>
      %dma_start3A_106 = tpu.memref_squeeze %dma_start3A_105 : memref<1x128xf32, #tpu.memory_space<hbm>> -> memref<128xf32, #tpu.memory_space<hbm>>
      %dma_start3A_107 = arith.constant 0 : i32
      %dma_start3A_108 = tpu.memref_slice %arg7[%add3A, %dma_start3A_107] : memref<32x128xf32, #tpu.memory_space<hbm>> -> memref<1x128xf32, #tpu.memory_space<hbm>>
      %dma_start3A_109 = tpu.memref_squeeze %dma_start3A_108 : memref<1x128xf32, #tpu.memory_space<hbm>> -> memref<128xf32, #tpu.memory_space<hbm>>
      tpu.enqueue_dma source(%arg29 : memref<128xf32, #tpu.memory_space<vmem>>) target(%dma_start3A_109 : memref<128xf32, #tpu.memory_space<hbm>>) target_semaphore(%run_scoped3A : memref<!tpu.dma_semaphore, #tpu.memory_space<semaphore_mem>>)
      %dma_wait3A_110 = arith.constant 0 : i32
      %dma_wait3A_111 = tpu.memref_slice %arg7[%add3A, %dma_wait3A_110] : memref<32x128xf32, #tpu.memory_space<hbm>> -> memref<1x128xf32, #tpu.memory_space<hbm>>
      %dma_wait3A_112 = tpu.memref_squeeze %dma_wait3A_111 : memref<1x128xf32, #tpu.memory_space<hbm>> -> memref<128xf32, #tpu.memory_space<hbm>>
      %dma_wait3A_113 = arith.constant 0 : i32
      %dma_wait3A_114 = tpu.memref_slice %arg7[%add3A, %dma_wait3A_113] : memref<32x128xf32, #tpu.memory_space<hbm>> -> memref<1x128xf32, #tpu.memory_space<hbm>>
      %dma_wait3A_115 = tpu.memref_squeeze %dma_wait3A_114 : memref<1x128xf32, #tpu.memory_space<hbm>> -> memref<128xf32, #tpu.memory_space<hbm>>
      tpu.wait_dma2 semaphore(%run_scoped3A : memref<!tpu.dma_semaphore, #tpu.memory_space<semaphore_mem>>) src(%arg29 : memref<128xf32, #tpu.memory_space<vmem>>) dst(%dma_wait3A_115 : memref<128xf32, #tpu.memory_space<hbm>>)
      tpu.yield
    }) : () -> ()
    return
  }
}

module attributes {stable_mosaic.version = 14 : i64} {
  func.func @body(%arg0: memref<32x128xf32, #tpu.memory_space<vmem>>, %arg1: memref<32x128xf32, #tpu.memory_space<vmem>>, %arg2: memref<1x128xf32, #tpu.memory_space<vmem>>, %arg3: memref<1x128xf32, #tpu.memory_space<vmem>>, %arg4: memref<2x128xf32, #tpu.memory_space<vmem>>) attributes {dimension_semantics = [], scalar_prefetch = 0 : i64, scratch_operands = 0 : i64, tpu.core_type = #tpu.core_type<tc>} {
    %get3A = arith.constant 0 : index
    %get3A_0 = arith.constant 0 : index
    %get3A_1 = vector.load %arg0[%get3A, %get3A_0] : memref<32x128xf32, #tpu.memory_space<vmem>>, vector<32x128xf32>
    %reduce_sum3A = arith.constant dense<0.000000e+00> : vector<128xf32>
    %reduce_sum3A_2 = vector.multi_reduction <add>, %get3A_1, %reduce_sum3A [0] : vector<32x128xf32> to vector<128xf32>
    %broadcast_in_dim3A = vector.shape_cast %reduce_sum3A_2 : vector<128xf32> to vector<1x128xf32>
    %div3A = arith.constant 3.200000e+05 : f32
    %div3A_3 = vector.broadcast %div3A : f32 to vector<1x128xf32>
    %div3A_4 = arith.divf %broadcast_in_dim3A, %div3A_3 : vector<1x128xf32>
    %get3A_5 = arith.constant 0 : index
    %get3A_6 = arith.constant 0 : index
    %get3A_7 = vector.load %arg1[%get3A_5, %get3A_6] : memref<32x128xf32, #tpu.memory_space<vmem>>, vector<32x128xf32>
    %reduce_sum3A_8 = arith.constant dense<0.000000e+00> : vector<128xf32>
    %reduce_sum3A_9 = vector.multi_reduction <add>, %get3A_7, %reduce_sum3A_8 [0] : vector<32x128xf32> to vector<128xf32>
    %broadcast_in_dim3A_10 = vector.shape_cast %reduce_sum3A_9 : vector<128xf32> to vector<1x128xf32>
    %div3A_11 = arith.constant 3.200000e+05 : f32
    %div3A_12 = vector.broadcast %div3A_11 : f32 to vector<1x128xf32>
    %div3A_13 = arith.divf %broadcast_in_dim3A_10, %div3A_12 : vector<1x128xf32>
    %mul3A = arith.mulf %div3A_4, %div3A_4 : vector<1x128xf32>
    %sub3A = arith.subf %div3A_13, %mul3A : vector<1x128xf32>
    %get3A_14 = arith.constant 0 : index
    %get3A_15 = arith.constant 0 : index
    %get3A_16 = vector.load %arg2[%get3A_14, %get3A_15] : memref<1x128xf32, #tpu.memory_space<vmem>>, vector<1x128xf32>
    %add3A = arith.constant 9.99999974E-6 : f32
    %add3A_17 = vector.broadcast %add3A : f32 to vector<1x128xf32>
    %add3A_18 = arith.addf %sub3A, %add3A_17 : vector<1x128xf32>
    %rsqrt3A = math.rsqrt %add3A_18 : vector<1x128xf32>
    %mul3A_19 = arith.mulf %get3A_16, %rsqrt3A : vector<1x128xf32>
    %get3A_20 = arith.constant 0 : index
    %get3A_21 = arith.constant 0 : index
    %get3A_22 = vector.load %arg3[%get3A_20, %get3A_21] : memref<1x128xf32, #tpu.memory_space<vmem>>, vector<1x128xf32>
    %mul3A_23 = arith.mulf %div3A_4, %mul3A_19 : vector<1x128xf32>
    %sub3A_24 = arith.subf %get3A_22, %mul3A_23 : vector<1x128xf32>
    %concatenate3A = tpu.concatenate %mul3A_19, %sub3A_24 in 0 : vector<1x128xf32>, vector<1x128xf32> -> vector<2x128xf32>
    %swap3A = arith.constant 0 : index
    %swap3A_25 = arith.constant 0 : index
    %swap3A_26 = vector.load %arg4[%swap3A, %swap3A_25] : memref<2x128xf32, #tpu.memory_space<vmem>>, vector<2x128xf32>
    tpu.vector_store %arg4[%swap3A, %swap3A_25], %concatenate3A {strides = array<i32>} : memref<2x128xf32, #tpu.memory_space<vmem>>, vector<2x128xf32>,
    return
  }
}

module attributes {stable_mosaic.version = 14 : i64} {
  func.func @_prep_body(%arg0: i32, %arg1: memref<1000x128xf32, #tpu.memory_space<vmem>>, %arg2: memref<128x128xf32, #tpu.memory_space<vmem>>, %arg3: memref<128x128xf32, #tpu.memory_space<vmem>>, %arg4: memref<1x128xf32, #tpu.memory_space<vmem>>, %arg5: memref<1000x128xf32, #tpu.memory_space<vmem>>, %arg6: memref<1000x128xf32, #tpu.memory_space<vmem>>) attributes {dimension_semantics = [#tpu.dimension_semantics<arbitrary>], iteration_bounds = array<i64: 10>, scalar_prefetch = 0 : i64, scratch_operands = 0 : i64, tpu.core_type = #tpu.core_type<tc>, window_params = [{transform_indices = @transform_0, window_bounds = array<i64: 1000, 128>}, {pipeline_mode = #tpu.pipeline_mode<synchronous>, transform_indices = @transform_1, window_bounds = array<i64: 128, 128>}, {pipeline_mode = #tpu.pipeline_mode<synchronous>, transform_indices = @transform_2, window_bounds = array<i64: 128, 128>}, {pipeline_mode = #tpu.pipeline_mode<synchronous>, transform_indices = @transform_3, window_bounds = array<i64: 1, 128>}, {transform_indices = @transform_4, window_bounds = array<i64: 1000, 128>}, {transform_indices = @transform_5, window_bounds = array<i64: 1000, 128>}]} {
    %get3A = arith.constant 0 : index
    %get3A_0 = arith.constant 0 : index
    %get3A_1 = vector.load %arg1[%get3A, %get3A_0] : memref<1000x128xf32, #tpu.memory_space<vmem>>, vector<1000x128xf32>
    %get3A_2 = arith.constant 0 : index
    %get3A_3 = arith.constant 0 : index
    %get3A_4 = vector.load %arg2[%get3A_2, %get3A_3] : memref<128x128xf32, #tpu.memory_space<vmem>>, vector<128x128xf32>
    %dot_general3A = arith.constant dense<0.000000e+00> : vector<1000x128xf32>
    %dot_general3A_5 = tpu.matmul %get3A_1, %get3A_4, %dot_general3A {dimension_numbers = #tpu.dot_dimension_numbers<[1], [0], [0], [1], [0, 0, 1, 1], [], []>, transpose_lhs_hint = false} : vector<1000x128xf32>, vector<128x128xf32>, vector<1000x128xf32> -> vector<1000x128xf32>
    %get3A_6 = arith.constant 0 : index
    %get3A_7 = arith.constant 0 : index
    %get3A_8 = vector.load %arg4[%get3A_6, %get3A_7] : memref<1x128xf32, #tpu.memory_space<vmem>>, vector<1x128xf32>
    %add3A = vector.broadcast %get3A_8 : vector<1x128xf32> to vector<1000x128xf32>
    %add3A_9 = arith.addf %dot_general3A_5, %add3A : vector<1000x128xf32>
    %swap3A = arith.constant 0 : index
    %swap3A_10 = arith.constant 0 : index
    %swap3A_11 = vector.load %arg5[%swap3A, %swap3A_10] : memref<1000x128xf32, #tpu.memory_space<vmem>>, vector<1000x128xf32>
    tpu.vector_store %arg5[%swap3A, %swap3A_10], %add3A_9 {strides = array<i32>} : memref<1000x128xf32, #tpu.memory_space<vmem>>, vector<1000x128xf32>,
    %get3A_12 = arith.constant 0 : index
    %get3A_13 = arith.constant 0 : index
    %get3A_14 = vector.load %arg3[%get3A_12, %get3A_13] : memref<128x128xf32, #tpu.memory_space<vmem>>, vector<128x128xf32>
    %dot_general3A_15 = arith.constant dense<0.000000e+00> : vector<1000x128xf32>
    %dot_general3A_16 = tpu.matmul %get3A_1, %get3A_14, %dot_general3A_15 {dimension_numbers = #tpu.dot_dimension_numbers<[1], [0], [0], [1], [0, 0, 1, 1], [], []>, transpose_lhs_hint = false} : vector<1000x128xf32>, vector<128x128xf32>, vector<1000x128xf32> -> vector<1000x128xf32>
    %swap3A_17 = arith.constant 0 : index
    %swap3A_18 = arith.constant 0 : index
    %swap3A_19 = vector.load %arg6[%swap3A_17, %swap3A_18] : memref<1000x128xf32, #tpu.memory_space<vmem>>, vector<1000x128xf32>
    tpu.vector_store %arg6[%swap3A_17, %swap3A_18], %dot_general3A_16 {strides = array<i32>} : memref<1000x128xf32, #tpu.memory_space<vmem>>, vector<1000x128xf32>,
    return
  }
  func.func @transform_0(%arg0: i32) -> (i32, i32) {
    %c0_i32 = arith.constant 0 : i32
    %c0_i32_0 = arith.constant 0 : i32
    return %arg0, %c0_i32 : i32, i32
  }
  func.func @transform_1(%arg0: i32) -> (i32, i32) {
    %c0_i32 = arith.constant 0 : i32
    %c0_i32_0 = arith.constant 0 : i32
    %c0_i32_1 = arith.constant 0 : i32
    return %c0_i32, %c0_i32_0 : i32, i32
  }
  func.func @transform_2(%arg0: i32) -> (i32, i32) {
    %c0_i32 = arith.constant 0 : i32
    %c0_i32_0 = arith.constant 0 : i32
    %c0_i32_1 = arith.constant 0 : i32
    return %c0_i32, %c0_i32_0 : i32, i32
  }
  func.func @transform_3(%arg0: i32) -> (i32, i32) {
    %c0_i32 = arith.constant 0 : i32
    %c0_i32_0 = arith.constant 0 : i32
    %c0_i32_1 = arith.constant 0 : i32
    return %c0_i32, %c0_i32_0 : i32, i32
  }
  func.func @transform_4(%arg0: i32) -> (i32, i32) {
    %c0_i32 = arith.constant 0 : i32
    %c0_i32_0 = arith.constant 0 : i32
    return %arg0, %c0_i32 : i32, i32
  }
  func.func @transform_5(%arg0: i32) -> (i32, i32) {
    %c0_i32 = arith.constant 0 : i32
    %c0_i32_0 = arith.constant 0 : i32
    return %arg0, %c0_i32 : i32, i32
  }
}

module attributes {stable_mosaic.version = 14 : i64} {
  func.func @body(%arg0: i32, %arg1: memref<1x1x2000xi32, #tpu.memory_space<vmem>>, %arg2: memref<128x128xf32, #tpu.memory_space<vmem>>) attributes {dimension_semantics = [#tpu.dimension_semantics<arbitrary>], iteration_bounds = array<i64: 160>, scalar_prefetch = 0 : i64, scratch_operands = 0 : i64, tpu.core_type = #tpu.core_type<tc>, window_params = [{transform_indices = @transform_0, window_bounds = array<i64: 1, 1, 2000>}, {pipeline_mode = #tpu.pipeline_mode<synchronous>, transform_indices = @transform_1, window_bounds = array<i64: 128, 128>}]} {
    %get3A = arith.constant 0 : index
    %get3A_0 = arith.constant 0 : index
    %get3A_1 = arith.constant 0 : index
    %get3A_2 = vector.load %arg1[%get3A, %get3A_0, %get3A_1] : memref<1x1x2000xi32, #tpu.memory_space<vmem>>, vector<1x1x2000xi32>
    %get3A_3 = vector.shape_cast %get3A_2 : vector<1x1x2000xi32> to vector<2000xi32>
    %shift_right_arithmetic3A = arith.constant 7 : i32
    %shift_right_arithmetic3A_4 = vector.broadcast %shift_right_arithmetic3A : i32 to vector<2000xi32>
    %shift_right_arithmetic3A_5 = arith.shrsi %get3A_3, %shift_right_arithmetic3A_4 : vector<2000xi32>
    %and3A = arith.constant 127 : i32
    %and3A_6 = vector.broadcast %and3A : i32 to vector<2000xi32>
    %and3A_7 = arith.andi %get3A_3, %and3A_6 : vector<2000xi32>
    %iota3A = tpu.iota {dimensions = array<i32: 1>} : vector<2000x128xi32>
    %broadcast_in_dim3A = vector.shape_cast %shift_right_arithmetic3A_5 : vector<2000xi32> to vector<2000x1xi32>
    %eq3A = vector.broadcast %broadcast_in_dim3A : vector<2000x1xi32> to vector<2000x128xi32>
    %eq3A_8 = arith.cmpi eq, %eq3A, %iota3A : vector<2000x128xi32>
    %convert_element_type3A = arith.extui %eq3A_8 : vector<2000x128xi1> to vector<2000x128xi32>
    %convert_element_type3A_9 = arith.sitofp %convert_element_type3A : vector<2000x128xi32> to vector<2000x128xf32>
    %broadcast_in_dim3A_10 = vector.shape_cast %and3A_7 : vector<2000xi32> to vector<2000x1xi32>
    %eq3A_11 = vector.broadcast %broadcast_in_dim3A_10 : vector<2000x1xi32> to vector<2000x128xi32>
    %eq3A_12 = arith.cmpi eq, %eq3A_11, %iota3A : vector<2000x128xi32>
    %convert_element_type3A_13 = arith.extui %eq3A_12 : vector<2000x128xi1> to vector<2000x128xi32>
    %convert_element_type3A_14 = arith.sitofp %convert_element_type3A_13 : vector<2000x128xi32> to vector<2000x128xf32>
    %dot_general3A = arith.constant dense<0.000000e+00> : vector<128x128xf32>
    %dot_general3A_15 = tpu.matmul %convert_element_type3A_9, %convert_element_type3A_14, %dot_general3A {dimension_numbers = #tpu.dot_dimension_numbers<[0], [0], [1], [1], [0, 1, 1, 1], [], []>, transpose_lhs_hint = false} : vector<2000x128xf32>, vector<2000x128xf32>, vector<128x128xf32> -> vector<128x128xf32>
    %eq3A_16 = arith.constant 0 : i32
    %eq3A_17 = arith.cmpi eq, %arg0, %eq3A_16 : i32
    %convert_element_type3A_18 = arith.extui %eq3A_17 : i1 to i32
    %cond3A = arith.constant 0 : i32
    %cond3A_19 = arith.cmpi ne, %convert_element_type3A_18, %cond3A : i32
    scf.if %cond3A_19 {
      %broadcast_in_dim3A_25 = arith.constant 0.000000e+00 : f32
      %broadcast_in_dim3A_26 = vector.broadcast %broadcast_in_dim3A_25 : f32 to vector<128x128xf32>
      %swap3A_27 = arith.constant 0 : index
      %swap3A_28 = arith.constant 0 : index
      %swap3A_29 = vector.load %arg2[%swap3A_27, %swap3A_28] : memref<128x128xf32, #tpu.memory_space<vmem>>, vector<128x128xf32>
      tpu.vector_store %arg2[%swap3A_27, %swap3A_28], %broadcast_in_dim3A_26 {strides = array<i32>} : memref<128x128xf32, #tpu.memory_space<vmem>>, vector<128x128xf32>,
    } else {
    }
    %get3A_20 = arith.constant 0 : index
    %get3A_21 = arith.constant 0 : index
    %get3A_22 = vector.load %arg2[%get3A_20, %get3A_21] : memref<128x128xf32, #tpu.memory_space<vmem>>, vector<128x128xf32>
    %add3A = arith.addf %get3A_22, %dot_general3A_15 : vector<128x128xf32>
    %swap3A = arith.constant 0 : index
    %swap3A_23 = arith.constant 0 : index
    %swap3A_24 = vector.load %arg2[%swap3A, %swap3A_23] : memref<128x128xf32, #tpu.memory_space<vmem>>, vector<128x128xf32>
    tpu.vector_store %arg2[%swap3A, %swap3A_23], %add3A {strides = array<i32>} : memref<128x128xf32, #tpu.memory_space<vmem>>, vector<128x128xf32>,
    return
  }
  func.func @transform_0(%arg0: i32) -> (i32, i32, i32) {
    %c0_i32 = arith.constant 0 : i32
    %c0_i32_0 = arith.constant 0 : i32
    %c0_i32_1 = arith.constant 0 : i32
    return %arg0, %c0_i32, %c0_i32_0 : i32, i32, i32
  }
  func.func @transform_1(%arg0: i32) -> (i32, i32) {
    %c0_i32 = arith.constant 0 : i32
    %c0_i32_0 = arith.constant 0 : i32
    %c0_i32_1 = arith.constant 0 : i32
    return %c0_i32, %c0_i32_0 : i32, i32
  }
}

module attributes {stable_mosaic.version = 14 : i64} {
  func.func @body(%arg0: i32, %arg1: memref<1000x128xf32, #tpu.memory_space<vmem>>, %arg2: memref<1000x128xf32, #tpu.memory_space<vmem>>, %arg3: memref<1000x1xf32, #tpu.memory_space<vmem>>, %arg4: memref<1000x128xf32, #tpu.memory_space<vmem>>) attributes {dimension_semantics = [#tpu.dimension_semantics<arbitrary>], iteration_bounds = array<i64: 10>, scalar_prefetch = 0 : i64, scratch_operands = 0 : i64, tpu.core_type = #tpu.core_type<tc>, window_params = [{transform_indices = @transform_0, window_bounds = array<i64: 1000, 128>}, {transform_indices = @transform_1, window_bounds = array<i64: 1000, 128>}, {transform_indices = @transform_2, window_bounds = array<i64: 1000, 1>}, {transform_indices = @transform_3, window_bounds = array<i64: 1000, 128>}]} {
    %get3A = arith.constant 0 : index
    %get3A_0 = arith.constant 0 : index
    %get3A_1 = vector.load %arg1[%get3A, %get3A_0] : memref<1000x128xf32, #tpu.memory_space<vmem>>, vector<1000x128xf32>
    %get3A_2 = arith.constant 0 : index
    %get3A_3 = arith.constant 0 : index
    %get3A_4 = vector.load %arg2[%get3A_2, %get3A_3] : memref<1000x128xf32, #tpu.memory_space<vmem>>, vector<1000x128xf32>
    %add3A = arith.addf %get3A_1, %get3A_4 : vector<1000x128xf32>
    %get3A_5 = arith.constant 0 : index
    %get3A_6 = arith.constant 0 : index
    %get3A_7 = vector.load %arg3[%get3A_5, %get3A_6] : memref<1000x1xf32, #tpu.memory_space<vmem>>, vector<1000x1xf32>
    %max3A = arith.constant 1.000000e+00 : f32
    %max3A_8 = vector.broadcast %max3A : f32 to vector<1000x1xf32>
    %max3A_9 = arith.maximumf %get3A_7, %max3A_8 : vector<1000x1xf32>
    %div3A = arith.constant 1.000000e+00 : f32
    %div3A_10 = vector.broadcast %div3A : f32 to vector<1000x1xf32>
    %div3A_11 = arith.divf %div3A_10, %max3A_9 : vector<1000x1xf32>
    %mul3A = vector.broadcast %div3A_11 : vector<1000x1xf32> to vector<1000x128xf32>
    %mul3A_12 = arith.mulf %add3A, %mul3A : vector<1000x128xf32>
    %swap3A = arith.constant 0 : index
    %swap3A_13 = arith.constant 0 : index
    %swap3A_14 = vector.load %arg4[%swap3A, %swap3A_13] : memref<1000x128xf32, #tpu.memory_space<vmem>>, vector<1000x128xf32>
    tpu.vector_store %arg4[%swap3A, %swap3A_13], %mul3A_12 {strides = array<i32>} : memref<1000x128xf32, #tpu.memory_space<vmem>>, vector<1000x128xf32>,
    return
  }
  func.func @transform_0(%arg0: i32) -> (i32, i32) {
    %c0_i32 = arith.constant 0 : i32
    %c0_i32_0 = arith.constant 0 : i32
    return %arg0, %c0_i32 : i32, i32
  }
  func.func @transform_1(%arg0: i32) -> (i32, i32) {
    %c0_i32 = arith.constant 0 : i32
    %c0_i32_0 = arith.constant 0 : i32
    return %arg0, %c0_i32 : i32, i32
  }
  func.func @transform_2(%arg0: i32) -> (i32, i32) {
    %c0_i32 = arith.constant 0 : i32
    %c0_i32_0 = arith.constant 0 : i32
    return %arg0, %c0_i32 : i32, i32
  }
  func.func @transform_3(%arg0: i32) -> (i32, i32) {
    %c0_i32 = arith.constant 0 : i32
    %c0_i32_0 = arith.constant 0 : i32
    return %arg0, %c0_i32 : i32, i32
  }
}

</mosaic_0001>

<sc_bundles>
// kernel: kernel.11.cloned.1.call-start
scs
__scs_entry_jumppad:
0x0: {  	(pc) =	sbr.rel $0x88, $3  }
0x1: {  	(tag) =	ssettag $0x0;
	lr =	simm.s32 $0x1  }
0x2: {  	[smem:$0x3F9B] =	sst lr;
	_ =	strace $0xD0000000  }
0x3: {  	_ = 	snop  }
0x4: {  	_ = 	snop  }
0x5: {  	_ = 	snop  }
0x6: {  	_ = 	snop  }
0x7: {  	_ = 	snop  }
__scs_overlays_trampoline_lowered:
0x8: {  	[smem:$0x3FAA] =	sst s0  }
0x9: {  	[smem:$0x3FAB] =	sst s1  }
0xa: {  	[smem:$0x3FAC] =	sst s2  }
0xb: {  	[smem:$0x3FAD] =	sst s3  }
0xc: {  	[smem:$0x3FAE] =	sst s4  }
0xd: {  	[smem:$0x3FAF] =	sst s5  }
0xe: {  	[smem:$0x3FB0] =	sst s6  }
0xf: {  	[smem:$0x3FB1] =	sst s7  }
0x10: {  	[smem:$0x3FB2] =	sst s8  }
0x11: {  	[smem:$0x3FB3] =	sst s9;
	s0 =	simm.s32 @!p0 $0x0  }
0x12: {  	s1 =	sld [smem:$0x3F99];
	s0 =	simm.s32 @p0 $0x1  }
0x13: {  	[smem:$0x3FB4] =	sst s0;
	s0 =	simm.s32 @!p1 $0x0  }
0x14: {  	s2 =	sld [smem:$0x3F98];
	s0 =	simm.s32 @p1 $0x1  }
0x15: {  	[smem:$0x3FB5] =	sst s0;
	s0 =	simm.s32 @!p2 $0x0  }
0x16: {  	s3 =	sld [smem:$0x3FDB];
	s0 =	simm.s32 @p2 $0x1  }
0x17: {  	s4 =	simm.s32 $0x1BF5;
	[smem:$0x3FB7] =	sst s0  }
0x18: {  	s0 =	sld [smem:$0x3F9A];
	_ =	swait.ge [sflag:s4], $0x0  }
0x19: {  	s7 =	sld [smem:$0x3F9B]  }
0x1a: {  	s8 =	sadd.s32 $0xFFFFE003, lr  }
0x1b: {  	s9 =	sadd.s32 $0xFFFFFEF7, lr;
	s5 =	simm.s32 $0xFFFFFFFF;
	p2 =	slt.u32 s8, $0xFFFFF086  }
0x1c: {  	p1 =	slt.u32 s9, $0xF7A;
	s5 =	simm.s32 @!p2 $0x0  }
0x1d: {  	s5 =	simm.s32 @p1 $0x1;
	p0 =	seq.s32 s7, s2  }
0x1e: {  	s7 =	smul.u32 @!p0 $0xF7A, s2;
	p2 =	seq.s32 @!p0 s5, $0x0  }
0x1f: {  	s9 =	smul.u32 $0xF7A, s1;
	s8 =	simm.s32 @!p0 $0x1BF5;
	p2 =	por !p2, p0  }
0x20: {  	[sflag:s8] =	ssyncset.s32 @!p0 $0xFFFFF086;
	s6 =	sadd.s32 @!p0 s3, s7;
	s7 =	simm.s32 @!p0 $0x108  }
0x21: {  	s3 =	sadd.s32 s3, s9;
	s6 =	sadd.s32 @!p0 $0x88, s6;
	s7 =	simm.s32 @p2 $0x1082  }
0x22: {  	[simem:s7], [sflag:s8] =	dma.local @!p0 [hbm:s6], $0xF7A  }
0x23: {  	s9 =	sor.u32 $0xD0000000, s2;
	s6 =	simm.s32 $0x108;
	_ =	swait.ge @!p0 [sflag:s8], $0x0  }
0x24: {  	s3 =	sadd.s32 $0x88, s3;
	s6 =	simm.s32 @!p1 $0x1082;
	[sflag:s4] =	ssyncset.s32 $0xFFFFF086  }
0x25: {  	[simem:s6], [sflag:s4] =	dma.local [hbm:s3], $0xF7A  }
0x26: {  	[smem:$0x3F9B] =	sst s1;
	(tag) =	ssettag s2;
	_ =	strace s9  }
0x27: {  	s1 =	sld [smem:$0x3FAB]  }
0x28: {  	s2 =	sld [smem:$0x3FAC]  }
0x29: {  	s4 =	sld [smem:$0x3FAE]  }
0x2a: {  	p0 =	seq.s32 s5, $0x0;
	s5 =	sld [smem:$0x3FAF]  }
0x2b: {  	s6 =	sld [smem:$0x3FB0]  }
0x2c: {  	s7 =	sld [smem:$0x3FB1]  }
0x2d: {  	s3 =	simm.s32 $0x108;
	s8 =	sld [smem:$0x3FB2]  }
0x2e: {  	s3 =	simm.s32 @!p0 $0x1082;
	s9 =	sld [smem:$0x3FB3]  }
0x2f: {  	lr =	sadd.s32 s0, s3;
	s0 =	sld [smem:$0x3FAA]  }
0x30: {  	s3 =	sld [smem:$0x3FAD]  }
0x31: {  	[smem:$0x3FB6] =	sst s10  }
0x32: {  	s10 =	sld [smem:$0x3FB4];
	_ =	sdelay $0x3  }
0x33: {  	p0 =	seq.s32 s10, $0x1;
	s10 =	sld [smem:$0x3FB6];
	_ =	sdelay $0x3  }
0x34: {  	[smem:$0x3FB6] =	sst s10  }
0x35: {  	s10 =	sld [smem:$0x3FB5];
	_ =	sdelay $0x3  }
0x36: {  	p1 =	seq.s32 s10, $0x1;
	s10 =	sld [smem:$0x3FB6];
	_ =	sdelay $0x3  }
0x37: {  	[smem:$0x3FB6] =	sst s10  }
0x38: {  	s10 =	sld [smem:$0x3FB7]  }
0x39: {  	_ = 	snop;
	(pc) =	sbr.ind lr, $3  }
0x3a: {  	_ = 	snop  }
0x3b: {  	_ = 	snop  }
0x3c: {  	p2 =	seq.s32 s10, $0x1;
	s10 =	sld [smem:$0x3FB6]  }
0x3d: {  	_ =	shalt  }
0x3e: {  	_ =	shalt  }
0x3f: {  	_ =	shalt  }
0x40: {  	_ =	shalt  }
0x41: {  	_ =	shalt  }
0x42: {  	_ =	shalt  }
0x43: {  	_ =	shalt  }
0x44: {  	_ =	shalt  }
0x45: {  	_ =	shalt  }
0x46: {  	_ =	shalt  }
0x47: {  	_ =	shalt  }
0x48: {  	_ =	shalt  }
0x49: {  	_ =	shalt  }
0x4a: {  	_ =	shalt  }
0x4b: {  	_ =	shalt  }
0x4c: {  	_ =	shalt  }
0x4d: {  	_ =	shalt  }
0x4e: {  	_ =	shalt  }
0x4f: {  	_ =	shalt  }
0x50: {  	_ =	shalt  }
0x51: {  	_ =	shalt  }
0x52: {  	_ =	shalt  }
0x53: {  	_ =	shalt  }
0x54: {  	_ =	shalt  }
0x55: {  	_ =	shalt  }
0x56: {  	_ =	shalt  }
0x57: {  	_ =	shalt  }
0x58: {  	_ =	shalt  }
0x59: {  	_ =	shalt  }
0x5a: {  	_ =	shalt  }
0x5b: {  	_ =	shalt  }
0x5c: {  	_ =	shalt  }
0x5d: {  	_ =	shalt  }
0x5e: {  	_ =	shalt  }
0x5f: {  	_ =	shalt  }
0x60: {  	_ =	shalt  }
0x61: {  	_ =	shalt  }
0x62: {  	_ =	shalt  }
0x63: {  	_ =	shalt  }
0x64: {  	_ =	shalt  }
0x65: {  	_ =	shalt  }
0x66: {  	_ =	shalt  }
0x67: {  	_ =	shalt  }
0x68: {  	_ =	shalt  }
0x69: {  	_ =	shalt  }
0x6a: {  	_ =	shalt  }
0x6b: {  	_ =	shalt  }
0x6c: {  	_ =	shalt  }
0x6d: {  	_ =	shalt  }
0x6e: {  	_ =	shalt  }
0x6f: {  	_ =	shalt  }
0x70: {  	_ =	shalt  }
0x71: {  	_ =	shalt  }
0x72: {  	_ =	shalt  }
0x73: {  	_ =	shalt  }
0x74: {  	_ =	shalt  }
0x75: {  	_ =	shalt  }
0x76: {  	_ =	shalt  }
0x77: {  	_ =	shalt  }
0x78: {  	_ =	shalt  }
0x79: {  	_ =	shalt  }
0x7a: {  	_ =	shalt  }
0x7b: {  	_ =	shalt  }
0x7c: {  	_ =	shalt  }
0x7d: {  	_ =	shalt  }
0x7e: {  	_ =	shalt  }
0x7f: {  	_ =	shalt  }
0x80: {  	_ =	shalt  }
0x81: {  	_ =	shalt  }
0x82: {  	_ =	shalt  }
0x83: {  	_ =	shalt  }
0x84: {  	_ =	shalt  }
0x85: {  	_ =	shalt  }
0x86: {  	_ =	shalt  }
0x87: {  	_ =	shalt  }
.Lfunc_end0:
.L_simem_size_0:
called_computation.1_lowered:
.L_overlay_start_0:
0x88: {  	s2 =	sld [smem:$0x3FD9]  }
0x89: {  	s3 =	sld [smem:$0x3FFE];
	_ =	sdelay $0x1  }
0x8a: {  	s1 =	srdreg.scid  }
0x8b: {  	s0 =	sand.u32 $0x1, s1  }
0x8c: {  	s17 =	sshll.u32 s0, $0xA;
	s2 =	sadd.s32 s3, s2  }
0x8d: {  	s2 =	sadd.s32 s2, s17  }
0x8e: {  	[smem:$0x3FC2] =	sst s2  }
0x8f: {  	_ = 	snop  }
0x90: {  	s2 =	sld [smem:$0x3FD0];
	(tm) =	ssettm $0x1  }
0x91: {  	s18 =	sld [smem:$0x3FFB];
	_ =	sdelay $0x3  }
0x92: {  	_ =	strace s18  }
0x93: {  	s3 =	sld [smem:$0x3FFC];
	_ =	sdelay $0x3  }
0x94: {  	_ =	strace s3  }
0x95: {  	s3 =	sld [smem:$0x3FFD];
	_ =	sdelay $0x3  }
0x96: {  	_ =	strace s3  }
0x97: {  	_ =	strace $0x8FFFFFFF  }
0x98: {  	s19 =	sld [smem:$0x3FDB];
	_ =	sdelay $0x1  }
0x99: {  	s4 =	simm.s32 $_scs_section_size  }
0x9a: {  	s5 =	simm.s32 $_size__tile_overlayer_lowered;
	s6 =	simm.s32 $_tile_overlayer_lowered  }
0x9b: {  	s22 =	simm.s32 $0x1BFF;
	s21 =	sshll.u32 s6, $0x1;
	s3 =	sadd.s32 s4, s19  }
0x9c: {  	s7 =	simm.s32 $0x0;
	s20 =	sshll.u32 s5, $0x1;
	s5 =	sadd.s32 s21, s3  }
0x9d: {  	[timem:s7], [sflag:s22] =	dma.local [hbm:s5], s20  }
0x9e: {  	_ =	swait.ge [sflag:s22], s20  }
0x9f: {  	s4 =	ssub.s32 $0x0, s20;
	[sflag:s22] =	ssyncset.done $0x0  }
0xa0: {  	[sflag:s22] =	ssyncadd.s32 s4;
	_ =	sdelay $0x1  }
0xa1: {  	s23 =	simm.s32 $0x1B8B  }
0xa2: {  	_ =	swait.ge [sflag:s23], $0x1  }
0xa3: {  	[sflag:s23] =	ssyncset.done $0x0  }
0xa4: {  	s25 =	simm.s32 $0x1B8E;
	s24 =	sld [smem:$0x3FFE];
	[sflag:s23] =	ssyncadd.s32 $0xFFFFFFFF  }
0xa5: {  	s26 =	simm.s32 $execute0_lowered;
	[smem:$0x3FD2] =	sst s25  }
0xa6: {  	s5 =	sshll.u32 s26, $0x1;
	_ =	strace $0x80000049;
	[dreg:$0x1] =	wrdreg $0xFFFFFFFF  }
0xa7: {  	s28 =	simm.s32 $_size_execute0_lowered;
	s3 =	sadd.s32 s3, s5;
	[dreg:$0x0] =	wrdreg $0x0  }
0xa8: {  	s5 =	sshll.u32 s28, $0x1;
	[dreg:$0x2] =	wrdreg s3  }
0xa9: {  	[dreg:$0x3] =	wrdreg s5  }
0xaa: {  	[dreg:$0x4] =	wrdreg $0xC0  }
0xab: {  	_ =	task [dreg:s7], $0x5FFFF  }
0xac: {  	[dreg:$0x1] =	wrdreg $0xFFFFFFFF  }
0xad: {  	[dreg:$0x0] =	wrdreg $0x60  }
0xae: {  	[dreg:$0x2] =	wrdreg s2  }
0xaf: {  	[dreg:$0x3] =	wrdreg s24  }
0xb0: {  	[dreg:$0x4] =	wrdreg $0xA4000  }
0xb1: {  	[dreg:$0x5] =	wrdreg $0x9  }
0xb2: {  	_ =	task.clear_ibuf [dreg:s7], $0x6FFFF;
	_ =	strace $0x90000049  }
0xb3: {  	s29 =	simm.s32 $0x9;
	_ =	strace $0x8000004B  }
0xb4: {  	_ =	swait.ge [sflag:s29], $0x1  }
0xb5: {  	[sflag:s29] =	ssyncadd.s32 $0xFFFFFFFF  }
0xb6: {  	_ =	strace $0x9000004B  }
0xb7: {  	_ =	sfence  }
0xb8: {  	s30 =	sld [smem:$0x0];
	_ =	sdelay $0x2  }
0xb9: {  	s31 =	sshll.u32 s1, $0xD;
	s1 =	sshrl.u32 s1, $0x2  }
0xba: {  	s3 =	sand.u32 $0x4000, s31;
	s1 =	sadd.s32 s1, s30  }
0xbb: {  	s0 =	sor.u32 s3, s0;
	s1 =	sshll.u32 s1, $0x11  }
0xbc: {  	s0 =	sor.u32 s1, s0  }
0xbd: {  	s0 =	sadd.s32 $0x8F2B, s0  }
0xbe: {  	[sflag:s0] =	ssyncadd.remote.s32 $0x1  }
0xbf: {  	_ =	sfence.sel $0xFFFF  }
0xc0: {  	[dreg:$0x0] =	wrdreg $0xFFFFFFFF;
	(pc) =	sbr.abs _section_cstart, $3  }
0xc1: {  	[dreg:$0x1] =	wrdreg $0xFFFFFFFF  }
0xc2: {  	_ =	task.clear_ibuf [dreg:s7], $0x2FFFF;
	_ =	strace $0x9FFFFFFF  }
0xc3: {  	(tm) =	ssettm $0x7FFFFFFF  }
tec
execute0_lowered:
.L_overlay_start_1:
0x0: {  	(tag) =	ssettag $0x1  }
0x1: {  	s1 =	rddreg [dreg:$0x0]  }
0x2: {  	s0 =	rddreg [dreg:$0x1]  }
0x3: {  	s2 =	rddreg [dreg:$0x2];
	s3 =	simm.s32 $0x0;
	s4 =	srdreg.scid  }
0x4: {  	s7 =	stileid.u32;
	s16 =	simm.s32 $0xB;
	s28 =	simm.s32 $0x2900  }
0x5: {  	s29 =	simm.s32 $0x3;
	s30 =	simm.s32 $0x4;
	s31 =	simm.s32 $0x6  }
0x6: {  	s18 =	simm.s32 $0x5280;
	s17 =	simm.s32 $0x0;
	[smem:$0x7FF] =	sst s3  }
0x7: {  	s8 =	sand.u32 $0x1, s4;
	s5 =	sshll.u32 s7, $0x1;
	s4 =	sadd.s32 $0x15A00, s0  }
0x8: {  	s6 =	sadd.s32 $0x1E00, s0;
	s10 =	sadd.s32 $0x3CC00, s0;
	s11 =	sadd.s32 $0x3CE00, s0  }
0x9: {  	p0 =	sne.s32 s7, $0x0;
	_ =	strace $0x8000004A;
	s9 =	sor.u32 s8, s5  }
0xa: {  	s5 =	sadd.s32 $0xBC00, s0;
	[dreg:$0x4] =	wrdreg s10;
	s20 =	smul.u32 $0x27100, s8  }
0xb: {  	s8 =	ssub.s32 $0x2, s8;
	[dreg:$0x5] =	wrdreg s11;
	s15 =	sshrl.u32 @!p0 s2, $0x3  }
0xc: {  	s11 =	simm.s32 $0x5;
	s9 =	smul.u32 $0x2710, s9;
	s21 =	sshrl.u32 s8, $0x1  }
0xd: {  	[dreg:$0xc] =	wrdreg s15;
	s0 =	sadd.s32 s20, s0;
	s8 =	ssub.s32 s8, s21  }
0xe: {  	s20 =	simm.s32 $0x80;
	s21 =	simm.s32 $0x5180;
	s12 =	sshrl.u32 s9, $0x3  }
0xf: {  	s13 =	sadd.s32 $0xA0, s9;
	s14 =	sadd.s32 $0xF0, s9;
	s0 =	sadd.s32 $0x64000, s0  }
0x10: {  	s26 =	smax.u32 s8, $0x1;
	s9 =	simm.s32 $0x8;
	[dreg:$0xa] =	wrdreg s0  }
0x11: {  	s22 =	sadd.s32 $0xA, s12;
	s23 =	sadd.s32 s6, s12;
	[dreg:$0xb] =	wrdreg s26  }
0x12: {  	s24 =	sadd.s32 s5, s12;
	s26 =	simm.s32 $0x100;
	[dreg:$0x6] =	wrdreg s23  }
0x13: {  	s0 =	simm.s32 $0x7;
	s12 =	simm.s32 $0xA280;
	[dreg:$0x7] =	wrdreg s24  }
0x14: {  	s25 =	sadd.s32 s6, s22;
	s10 =	sadd.s32 s5, s22;
	s22 =	simm.s32 $0x5200  }
0x15: {  	s23 =	simm.s32 $0x1;
	s24 =	simm.s32 $0x2;
	[dreg:$0x8] =	wrdreg s25  }
0x16: {  	[dreg:$0x9] =	wrdreg s10;
	s25 =	simm.s32 $0x50;
	s10 =	simm.s32 $0x9  }
.LBB2_1:
0x17: {  	[dreg:$0xd] =	wrdreg s17  }
0x18: {  	s7 =	simm.s32 @!p0 $0x1C0B;
	s8 =	rddreg [dreg:$0x5]  }
0x19: {  	[spmem:s15], [sflag:s7] =	dma.local @!p0 [hbm:s8], $0x27100  }
0x1a: {  	s7 =	simm.s32 @!p0 $0xB  }
0x1b: {  	_ =	swait.ge @!p0 [sflag:s7], $0x27100  }
0x1c: {  	[sflag:s7] =	ssyncset.done @!p0 $0x0  }
0x1d: {  	s19 =	simm.s32 $0xA300;
	s17 =	rddreg [dreg:$0x4];
	[sflag:s7] =	ssyncadd.s32 @!p0 $0xFFFD8F00  }
0x1e: {  	[tilespmem:s19], [sflag:$0xB] =	stream.linear.gather [hbm4b:s17+s3], $0x100, $0x38;
	[tilespmem:$0x1DC80] =	vst v63  }
0x1f: {  	_ =	swait.ge [sflag:s16], $0x100  }
0x20: {  	[sflag:s16] =	ssyncset.done $0x0  }
0x21: {  	[sflag:s16] =	ssyncadd.s32 $0xFFFFFF00  }
0x22: {  	v0 =	vld [tilespmem:$0xA300]  }
0x23: {  	v4 =	vld [tilespmem:$0xA310]  }
0x24: {  	v6 =	vld [tilespmem:$0xA320]  }
0x25: {  	v8 =	vld [tilespmem:$0xA330]  }
0x26: {  	v1 =	vld [tilespmem:$0xA340]  }
0x27: {  	v10 =	vld [tilespmem:$0xA350]  }
0x28: {  	v12 =	vld [tilespmem:$0xA360]  }
0x29: {  	v14 =	vld [tilespmem:$0xA370]  }
0x2a: {  	v2 =	vld [tilespmem:$0xA380]  }
0x2b: {  	v5 =	vld [tilespmem:$0xA390]  }
0x2c: {  	v7 =	vld [tilespmem:$0xA3A0]  }
0x2d: {  	v9 =	vld [tilespmem:$0xA3B0]  }
0x2e: {  	v3 =	vld [tilespmem:$0xA3C0]  }
0x2f: {  	v11 =	vld [tilespmem:$0xA3D0]  }
0x30: {  	v13 =	vld [tilespmem:$0xA3E0]  }
0x31: {  	v15 =	vld [tilespmem:$0xA3F0];
	[bflag:$0x0] =	sbarrier.arrive $0xFFFF  }
0x32: {  	s15 =	rddreg [dreg:$0x6]  }
0x33: {  	[tilespmem:s3], [sflag:$0x1] =	stream.linear.gather [hbm4b:s15+s3], $0x50, $0x38;
	[tilespmem:$0x1DC80] =	vst v63  }
0x34: {  	s16 =	rddreg [dreg:$0x7]  }
0x35: {  	[tilespmem:s20], [sflag:$0x2] =	stream.linear.gather [hbm4b:s16+s3], $0x50, $0x38;
	[tilespmem:$0x1DC80] =	vst v63  }
0x36: {  	s17 =	rddreg [dreg:$0x8]  }
0x37: {  	[tilespmem:s21], [sflag:$0x6] =	stream.linear.gather [hbm4b:s17+s3], $0x50, $0x38;
	[tilespmem:$0x1DC80] =	vst v63  }
0x38: {  	s19 =	rddreg [dreg:$0x9]  }
0x39: {  	[tilespmem:s22], [sflag:$0x7] =	stream.linear.gather [hbm4b:s19+s3], $0x50, $0x38;
	[tilespmem:$0x1DC80] =	vst v63  }
0x3a: {  	_ =	swait.ge [sflag:s23], $0x50  }
0x3b: {  	[sflag:s23] =	ssyncset.done $0x0  }
0x3c: {  	[sflag:s23] =	ssyncadd.s32 $0xFFFFFFB0  }
0x3d: {  	_ =	swait.ge [sflag:s24], $0x50  }
0x3e: {  	[sflag:s24] =	ssyncset.done $0x0  }
0x3f: {  	[sflag:s24] =	ssyncadd.s32 $0xFFFFFFB0  }
0x40: {  	[tilespmem:s26], [sflag:$0x3] =	stream.indirect.gather [hbm4b:s1+s25], $0x80, s3, s25, $0xb8;
	[tilespmem:$0x1DC80] =	vst v63  }
0x41: {  	s15 =	simm.s32 $0x0  }
0x42: {  	[tilespmem:s28], [sflag:$0x4] =	stream.indirect.gather [hbm4b:s4+s25], $0x80, s20, s25, $0xb8;
	[tilespmem:$0x1DC80] =	vst v63  }
.LBB2_2:
0x43: {  	_ =	swait.ge [sflag:s29], $0x2800  }
0x44: {  	[sflag:s29] =	ssyncset.done $0x0  }
0x45: {  	[sflag:s29] =	ssyncadd.s32 $0xFFFFD800  }
0x46: {  	_ =	swait.ge [sflag:s30], $0x2800  }
0x47: {  	[sflag:s30] =	ssyncset.done $0x0  }
0x48: {  	[sflag:s30] =	ssyncadd.s32 $0xFFFFD800  }
0x49: {  	_ =	swait.ge [sflag:s31], $0x50  }
0x4a: {  	[sflag:s31] =	ssyncset.done $0x0  }
0x4b: {  	[sflag:s31] =	ssyncadd.s32 $0xFFFFFFB0  }
0x4c: {  	_ =	swait.ge [sflag:s0], $0x50  }
0x4d: {  	p1 =	seq.s32 s15, $0x0;
	[sflag:s0] =	ssyncset.done $0x0  }
0x4e: {  	s7 =	simm.s32 @!p1 $0xA;
	[sflag:s0] =	ssyncadd.s32 $0xFFFFFFB0  }
0x4f: {  	_ =	swait.ge @!p1 [sflag:s7], $0x2800  }
0x50: {  	[sflag:s7] =	ssyncset.done @!p1 $0x0  }
0x51: {  	[sflag:s7] =	ssyncadd.s32 @!p1 $0xFFFFD800  }
0x52: {  	[tilespmem:s18], [sflag:$0x8] =	stream.indirect.gather [hbm4b:s1+s25], $0x80, s21, s25, $0xb8;
	[tilespmem:$0x1DC80] =	vst v63  }
0x53: {  	s19 =	simm.s32 $0x7A80  }
0x54: {  	[tilespmem:s19], [sflag:$0x9] =	stream.indirect.gather [hbm4b:s4+s25], $0x80, s22, s25, $0xb8;
	[tilespmem:$0x1DC80] =	vst v63  }
0x55: {  	s19 =	simm.s32 $0x0  }
0x56: {  	v16 =	vld [tilespmem:s19+$0x2970]  }
0x57: {  	v17 =	vld [tilespmem:s19+$0x2960]  }
0x58: {  	v18 =	vld [tilespmem:s19+$0x2950]  }
0x59: {  	v19 =	vld [tilespmem:s19+$0x2940]  }
0x5a: {  	v20 =	vld [tilespmem:s19+$0x170]  }
0x5b: {  	v21 =	vld [tilespmem:s19+$0x2920]  }
0x5c: {  	v22 =	vld [tilespmem:s19+$0x160]  }
0x5d: {  	v23 =	vld [tilespmem:s19+$0x150]  }
0x5e: {  	v24 =	vld [tilespmem:s19+$0x130]  }
0x5f: {  	v25 =	vld [tilespmem:s19+$0x2930]  }
0x60: {  	v26 =	vld [tilespmem:s19+$0x120];
	v16 =	vadd.f32 v16, v20  }
0x61: {  	v27 =	vld [tilespmem:s19+$0x110]  }
0x62: {  	v28 =	vld [tilespmem:s19+$0x2900];
	v17 =	vadd.f32 v17, v22;
	v16 =	vmul.f32 v16, v14  }
0x63: {  	s17 =	simm.s32 $0x80;
	v29 =	vld [tilespmem:s19+$0x140];
	v18 =	vadd.f32 v18, v23  }
0x64: {  	v31 =	vld [tilespmem:s17+$0x2960];
	v17 =	vmul.f32 v17, v12;
	v16 =	vadd.f32 v16, v15  }
0x65: {  	v20 =	vld [tilespmem:s19+$0x2910];
	v18 =	vmul.f32 v18, v10  }
0x66: {  	v22 =	vld [tilespmem:s19+$0x100];
	v24 =	vadd.f32 v25, v24;
	v17 =	vadd.f32 v17, v13;
	v30 =	vmul.f32 $3.000000120e-01, v16  }
0x67: {  	v23 =	vld [tilespmem:s17+$0x2970];
	v21 =	vadd.f32 v21, v26;
	v18 =	vadd.f32 v18, v11  }
0x68: {  	v25 =	vld [tilespmem:s17+$0x2950];
	v24 =	vmul.f32 v24, v8;
	v32 =	vmul.f32 $3.000000120e-01, v17;
	v30 =	vmax.f32 v16, v30  }
0x69: {  	v21 =	vmul.f32 v21, v6;
	v61 =	vmul.f32 $3.000000120e-01, v18;
	v16 =	vld [tilespmem:s17+$0x2940];
	[tilespmem:s19+$0x170] =	vst v30  }
0x6a: {  	v24 =	vadd.f32 v24, v9;
	v20 =	vadd.f32 v20, v27;
	v32 =	vmax.f32 v17, v32;
	v26 =	vld [tilespmem:s17+$0x170]  }
0x6b: {  	v19 =	vadd.f32 v19, v29;
	v22 =	vadd.f32 v28, v22;
	v18 =	vmax.f32 v18, v61;
	v17 =	vld [tilespmem:s17+$0x2920];
	[tilespmem:s19+$0x160] =	vst v32  }
0x6c: {  	v21 =	vadd.f32 v21, v7;
	v27 =	vmul.f32 $3.000000120e-01, v24;
	v62 =	vld [tilespmem:s17+$0x160];
	[tilespmem:s19+$0x150] =	vst v18;
	v18 =	vmul.f32 v20, v4  }
0x6d: {  	v19 =	vmul.f32 v19, v1;
	v22 =	vmul.f32 v22, v0  }
0x6e: {  	v20 =	vmax.f32 v24, v27;
	v24 =	vmul.f32 $3.000000120e-01, v21;
	v28 =	vadd.f32 v18, v5  }
0x6f: {  	v63 =	vadd.f32 v19, v3;
	v27 =	vld [tilespmem:s17+$0x150];
	[tilespmem:s19+$0x130] =	vst v20  }
0x70: {  	v29 =	vadd.f32 v22, v2;
	v18 =	vld [tilespmem:s17+$0x130];
	v21 =	vmax.f32 v21, v24;
	v22 =	vmul.f32 $3.000000120e-01, v28  }
0x71: {  	v20 =	vld [tilespmem:s17+$0x2930];
	[tilespmem:s19+$0x120] =	vst v21;
	v23 =	vadd.f32 v23, v26  }
0x72: {  	v21 =	vld [tilespmem:s17+$0x120];
	v26 =	vmul.f32 $3.000000120e-01, v29;
	v22 =	vmax.f32 v28, v22;
	v28 =	vmul.f32 $3.000000120e-01, v63  }
0x73: {  	v19 =	vld [tilespmem:s17+$0x2910];
	v24 =	vadd.f32 v31, v62;
	v23 =	vmul.f32 v23, v14;
	[tilespmem:s19+$0x110] =	vst v22  }
0x74: {  	s16 =	simm.s32 $0x400;
	v25 =	vadd.f32 v25, v27;
	v27 =	vmax.f32 v29, v26;
	v22 =	vld [tilespmem:s17+$0x110];
	v26 =	vmax.f32 v63, v28  }
.LBB2_3:
0x75: {  	s7 =	sshra.s32 s16, $0x2;
	p1 =	sne.s32 s16, $0x9E00;
	s16 =	sadd.s32 $0x200, s16;
	v28 =	vld [tilespmem:s17+$0x2900];
	v24 =	vmul.f32 v24, v12;
	v23 =	vadd.f32 v23, v15;
	[tilespmem:s19+$0x100] =	vst v27  }
0x76: {  	v27 =	vld [tilespmem:s17+$0x100];
	v18 =	vadd.f32 v20, v18;
	v20 =	vmul.f32 v25, v10;
	[tilespmem:s19+$0x140] =	vst v26;
	s19 =	smov.u32 s17;
	s17 =	smov.u32 s7  }
0x77: {  	v17 =	vadd.f32 v17, v21;
	v21 =	vld [tilespmem:s19+$0x140];
	v24 =	vadd.f32 v24, v13;
	v25 =	vmul.f32 $3.000000120e-01, v23  }
0x78: {  	v26 =	vld [tilespmem:s17+$0x2970];
	v18 =	vmul.f32 v18, v8;
	v20 =	vadd.f32 v20, v11  }
0x79: {  	v29 =	vld [tilespmem:s17+$0x2960];
	v19 =	vadd.f32 v19, v22;
	v17 =	vmul.f32 v17, v6;
	v22 =	vmul.f32 $3.000000120e-01, v24  }
0x7a: {  	v23 =	vmax.f32 v23, v25;
	v30 =	vld [tilespmem:s17+$0x2950];
	v18 =	vadd.f32 v18, v9;
	v31 =	vmul.f32 $3.000000120e-01, v20  }
0x7b: {  	v25 =	vld [tilespmem:s17+$0x2940];
	v27 =	vadd.f32 v28, v27;
	v19 =	vmul.f32 v19, v4;
	v28 =	vadd.f32 v17, v7;
	[tilespmem:s19+$0x170] =	vst v23  }
0x7c: {  	v23 =	vld [tilespmem:s17+$0x170];
	v32 =	vmul.f32 $3.000000120e-01, v18;
	v16 =	vadd.f32 v16, v21;
	v21 =	vmax.f32 v24, v22  }
0x7d: {  	v20 =	vmax.f32 v20, v31;
	v17 =	vld [tilespmem:s17+$0x2920];
	v22 =	vmul.f32 v27, v0;
	v24 =	vmul.f32 $3.000000120e-01, v28;
	[tilespmem:s19+$0x160] =	vst v21  }
0x7e: {  	v19 =	vadd.f32 v19, v5;
	v27 =	vld [tilespmem:s17+$0x160];
	v18 =	vmax.f32 v18, v32;
	v33 =	vmul.f32 v16, v1;
	[tilespmem:s19+$0x150] =	vst v20  }
0x7f: {  	v31 =	vld [tilespmem:s17+$0x150];
	v32 =	vadd.f32 v22, v2;
	[tilespmem:s19+$0x130] =	vst v18  }
.Ltmp0:
0x80: {  	v22 =	vmul.f32 $3.000000120e-01, v19;
	v21 =	vmax.f32 v28, v24;
	v18 =	vld [tilespmem:s17+$0x130];
	v28 =	vadd.f32 v33, v3;
	v16 =	vmovc v25;
	(pc) =	sbr.rel @p1 .LBB2_3-.Ltmp0, $4  }
0x81: {  	v20 =	vld [tilespmem:s17+$0x2930];
	v23 =	vadd.f32 v26, v23;
	[tilespmem:s19+$0x120] =	vst v21  }
0x82: {  	v26 =	vmul.f32 $3.000000120e-01, v32;
	v22 =	vmax.f32 v19, v22;
	v21 =	vld [tilespmem:s17+$0x120];
	v33 =	vmul.f32 $3.000000120e-01, v28  }
0x83: {  	v19 =	vld [tilespmem:s17+$0x2910];
	v24 =	vadd.f32 v29, v27;
	v23 =	vmul.f32 v23, v14;
	[tilespmem:s19+$0x110] =	vst v22  }
0x84: {  	v27 =	vmax.f32 v32, v26;
	v22 =	vld [tilespmem:s17+$0x110];
	v25 =	vadd.f32 v30, v31;
	v26 =	vmax.f32 v28, v33  }
0x85: {  	v28 =	vld [tilespmem:s17+$0x2900];
	[tilespmem:s19+$0x100] =	vst v27  }
0x86: {  	v24 =	vmul.f32 v24, v12;
	v27 =	vld [tilespmem:s17+$0x100];
	[tilespmem:s19+$0x140] =	vst v26  }
0x87: {  	v23 =	vadd.f32 v23, v15;
	v18 =	vadd.f32 v20, v18;
	v20 =	vmul.f32 v25, v10;
	v25 =	vld [tilespmem:s17+$0x140]  }
0x88: {  	v17 =	vadd.f32 v17, v21;
	v21 =	vadd.f32 v24, v13  }
0x89: {  	v24 =	vmul.f32 $3.000000120e-01, v23;
	v18 =	vmul.f32 v18, v8;
	v20 =	vadd.f32 v20, v11  }
0x8a: {  	v19 =	vadd.f32 v19, v22;
	v17 =	vmul.f32 v17, v6;
	v22 =	vmul.f32 $3.000000120e-01, v21  }
0x8b: {  	v23 =	vmax.f32 v23, v24;
	v18 =	vadd.f32 v18, v9;
	v27 =	vadd.f32 v28, v27  }
0x8c: {  	v26 =	vmul.f32 $3.000000120e-01, v20;
	v19 =	vmul.f32 v19, v4;
	v16 =	vadd.f32 v16, v25  }
0x8d: {  	v17 =	vadd.f32 v17, v7;
	v21 =	vmax.f32 v21, v22;
	v25 =	vmul.f32 v27, v0  }
0x8e: {  	[tilespmem:s17+$0x170] =	vst v23;
	v24 =	vmul.f32 $3.000000120e-01, v18;
	v19 =	vadd.f32 v19, v5;
	v16 =	vmul.f32 v16, v1  }
0x8f: {  	v20 =	vmax.f32 v20, v26;
	[tilespmem:s17+$0x160] =	vst v21;
	v22 =	vmul.f32 $3.000000120e-01, v17;
	v21 =	vadd.f32 v25, v2  }
0x90: {  	[tilespmem:s17+$0x150] =	vst v20;
	v18 =	vmax.f32 v18, v24;
	v20 =	vmul.f32 $3.000000120e-01, v19;
	v16 =	vadd.f32 v16, v3  }
0x91: {  	[tilespmem:s17+$0x130] =	vst v18;
	v17 =	vmax.f32 v17, v22;
	v18 =	vmul.f32 $3.000000120e-01, v21  }
0x92: {  	[tilespmem:s17+$0x120] =	vst v17;
	v17 =	vmax.f32 v19, v20;
	v19 =	vmul.f32 $3.000000120e-01, v16  }
0x93: {  	[tilespmem:s17+$0x110] =	vst v17;
	v17 =	vmax.f32 v21, v18  }
0x94: {  	v16 =	vmax.f32 v16, v19;
	[tilespmem:s17+$0x100] =	vst v17  }
0x95: {  	[tilespmem:s17+$0x140] =	vst v16  }
0x96: {  	v16 =	vld [tilespmem:$0x0]  }
0x97: {  	v17 =	vld [tilespmem:$0x10]  }
0x98: {  	v18 =	vld [tilespmem:$0x20]  }
0x99: {  	v19 =	vld [tilespmem:$0x30]  }
0x9a: {  	v20 =	vld [tilespmem:$0x40]  }
0x9b: {  	[tilespmem:$0x5100] =	vst v16  }
0x9c: {  	[tilespmem:$0x5110] =	vst v17  }
0x9d: {  	s17 =	smul.u32 $0xA0, s15;
	[tilespmem:$0x5120] =	vst v18  }
0x9e: {  	[tilespmem:$0x5130] =	vst v19  }
0x9f: {  	s7 =	simm.s32 $0x5100;
	s19 =	sadd.s32 s17, s13;
	[tilespmem:$0x5140] =	vst v20  }
0xa0: {  	[spmem:s2] =	stream.indirect.scatter.add.f32 [tilespmem:s26], [sflag:$0x5], $0x80, s7, s25, $0xb8;
	[tilespmem:$0x1DC80] =	vst v63  }
0xa1: {  	s7 =	sshrl.u32 s19, $0x3  }
0xa2: {  	s8 =	simm.s32 $0x0;
	s16 =	sadd.s32 s6, s7  }
0xa3: {  	[tilespmem:s8], [sflag:$0x1] =	stream.linear.gather [hbm4b:s16+s8], $0x50, $0x38;
	[tilespmem:$0x1DC80] =	vst v63  }
0xa4: {  	s7 =	sadd.s32 s5, s7  }
0xa5: {  	[tilespmem:s20], [sflag:$0x2] =	stream.linear.gather [hbm4b:s7+s8], $0x50, $0x38;
	[tilespmem:$0x1DC80] =	vst v63  }
0xa6: {  	_ =	swait.ge [sflag:s9], $0x2800  }
0xa7: {  	[sflag:s9] =	ssyncset.done $0x0  }
0xa8: {  	[sflag:s9] =	ssyncadd.s32 $0xFFFFD800  }
0xa9: {  	_ =	swait.ge [sflag:s10], $0x2800  }
0xaa: {  	[sflag:s10] =	ssyncset.done $0x0  }
0xab: {  	[sflag:s10] =	ssyncadd.s32 $0xFFFFD800  }
0xac: {  	_ =	swait.ge [sflag:s23], $0x50  }
0xad: {  	[sflag:s23] =	ssyncset.done $0x0  }
0xae: {  	[sflag:s23] =	ssyncadd.s32 $0xFFFFFFB0  }
0xaf: {  	_ =	swait.ge [sflag:s24], $0x50  }
0xb0: {  	[sflag:s24] =	ssyncset.done $0x0  }
0xb1: {  	[sflag:s24] =	ssyncadd.s32 $0xFFFFFFB0  }
0xb2: {  	_ =	swait.ge [sflag:s11], $0x2800  }
0xb3: {  	[sflag:s11] =	ssyncset.done $0x0  }
0xb4: {  	[sflag:s11] =	ssyncadd.s32 $0xFFFFD800  }
0xb5: {  	[tilespmem:s26], [sflag:$0x3] =	stream.indirect.gather [hbm4b:s1+s25], $0x80, s8, s25, $0xb8;
	[tilespmem:$0x1DC80] =	vst v63  }
0xb6: {  	s16 =	simm.s32 $0x0  }
0xb7: {  	[tilespmem:s28], [sflag:$0x4] =	stream.indirect.gather [hbm4b:s4+s25], $0x80, s20, s25, $0xb8;
	[tilespmem:$0x1DC80] =	vst v63  }
0xb8: {  	v16 =	vld [tilespmem:s16+$0x7AF0]  }
0xb9: {  	v17 =	vld [tilespmem:s16+$0x7AE0]  }
0xba: {  	v18 =	vld [tilespmem:s16+$0x7AD0]  }
0xbb: {  	v19 =	vld [tilespmem:s16+$0x7AC0]  }
0xbc: {  	v20 =	vld [tilespmem:s16+$0x52F0]  }
0xbd: {  	v21 =	vld [tilespmem:s16+$0x7AA0]  }
0xbe: {  	v22 =	vld [tilespmem:s16+$0x52E0]  }
0xbf: {  	v23 =	vld [tilespmem:s16+$0x52D0]  }
0xc0: {  	v24 =	vld [tilespmem:s16+$0x52B0]  }
0xc1: {  	v25 =	vld [tilespmem:s16+$0x7AB0]  }
0xc2: {  	v26 =	vld [tilespmem:s16+$0x52A0];
	v16 =	vadd.f32 v16, v20  }
0xc3: {  	v27 =	vld [tilespmem:s16+$0x5290]  }
0xc4: {  	v28 =	vld [tilespmem:s16+$0x7A80];
	v17 =	vadd.f32 v17, v22;
	v16 =	vmul.f32 v16, v14  }
0xc5: {  	s19 =	simm.s32 $0x80;
	v29 =	vld [tilespmem:s16+$0x52C0];
	v18 =	vadd.f32 v18, v23  }
0xc6: {  	v31 =	vld [tilespmem:s19+$0x7AE0];
	v17 =	vmul.f32 v17, v12;
	v16 =	vadd.f32 v16, v15  }
0xc7: {  	v20 =	vld [tilespmem:s16+$0x7A90];
	v18 =	vmul.f32 v18, v10  }
0xc8: {  	v22 =	vld [tilespmem:s16+$0x5280];
	v24 =	vadd.f32 v25, v24;
	v17 =	vadd.f32 v17, v13;
	v30 =	vmul.f32 $3.000000120e-01, v16  }
0xc9: {  	v23 =	vld [tilespmem:s19+$0x7AF0];
	v21 =	vadd.f32 v21, v26;
	v18 =	vadd.f32 v18, v11  }
0xca: {  	v25 =	vld [tilespmem:s19+$0x7AD0];
	v24 =	vmul.f32 v24, v8;
	v32 =	vmul.f32 $3.000000120e-01, v17;
	v30 =	vmax.f32 v16, v30  }
0xcb: {  	v21 =	vmul.f32 v21, v6;
	v61 =	vmul.f32 $3.000000120e-01, v18;
	v16 =	vld [tilespmem:s19+$0x7AC0];
	[tilespmem:s16+$0x52F0] =	vst v30  }
0xcc: {  	v24 =	vadd.f32 v24, v9;
	v20 =	vadd.f32 v20, v27;
	v32 =	vmax.f32 v17, v32;
	v26 =	vld [tilespmem:s19+$0x52F0]  }
0xcd: {  	v19 =	vadd.f32 v19, v29;
	v22 =	vadd.f32 v28, v22;
	v18 =	vmax.f32 v18, v61;
	v17 =	vld [tilespmem:s19+$0x7AA0];
	[tilespmem:s16+$0x52E0] =	vst v32  }
0xce: {  	v21 =	vadd.f32 v21, v7;
	v27 =	vmul.f32 $3.000000120e-01, v24;
	v62 =	vld [tilespmem:s19+$0x52E0];
	[tilespmem:s16+$0x52D0] =	vst v18;
	v18 =	vmul.f32 v20, v4  }
0xcf: {  	v19 =	vmul.f32 v19, v1;
	v22 =	vmul.f32 v22, v0  }
0xd0: {  	v20 =	vmax.f32 v24, v27;
	v24 =	vmul.f32 $3.000000120e-01, v21;
	v28 =	vadd.f32 v18, v5  }
0xd1: {  	v63 =	vadd.f32 v19, v3;
	v27 =	vld [tilespmem:s19+$0x52D0];
	[tilespmem:s16+$0x52B0] =	vst v20  }
0xd2: {  	v29 =	vadd.f32 v22, v2;
	v18 =	vld [tilespmem:s19+$0x52B0];
	v21 =	vmax.f32 v21, v24;
	v22 =	vmul.f32 $3.000000120e-01, v28  }
0xd3: {  	v20 =	vld [tilespmem:s19+$0x7AB0];
	[tilespmem:s16+$0x52A0] =	vst v21;
	v23 =	vadd.f32 v23, v26  }
0xd4: {  	v21 =	vld [tilespmem:s19+$0x52A0];
	v26 =	vmul.f32 $3.000000120e-01, v29;
	v22 =	vmax.f32 v28, v22;
	v28 =	vmul.f32 $3.000000120e-01, v63  }
0xd5: {  	v19 =	vld [tilespmem:s19+$0x7A90];
	v24 =	vadd.f32 v31, v62;
	v23 =	vmul.f32 v23, v14;
	[tilespmem:s16+$0x5290] =	vst v22  }
0xd6: {  	s7 =	simm.s32 $0x400;
	v25 =	vadd.f32 v25, v27;
	v27 =	vmax.f32 v29, v26;
	v22 =	vld [tilespmem:s19+$0x5290];
	v26 =	vmax.f32 v63, v28  }
.LBB2_5:
0xd7: {  	s8 =	sshra.s32 s7, $0x2;
	p1 =	sne.s32 s7, $0x9E00;
	s7 =	sadd.s32 $0x200, s7;
	v28 =	vld [tilespmem:s19+$0x7A80];
	v24 =	vmul.f32 v24, v12;
	v23 =	vadd.f32 v23, v15;
	[tilespmem:s16+$0x5280] =	vst v27  }
0xd8: {  	v27 =	vld [tilespmem:s19+$0x5280];
	v18 =	vadd.f32 v20, v18;
	v20 =	vmul.f32 v25, v10;
	[tilespmem:s16+$0x52C0] =	vst v26;
	s16 =	smov.u32 s19;
	s19 =	smov.u32 s8  }
0xd9: {  	v17 =	vadd.f32 v17, v21;
	v21 =	vld [tilespmem:s16+$0x52C0];
	v24 =	vadd.f32 v24, v13;
	v25 =	vmul.f32 $3.000000120e-01, v23  }
0xda: {  	v26 =	vld [tilespmem:s19+$0x7AF0];
	v18 =	vmul.f32 v18, v8;
	v20 =	vadd.f32 v20, v11  }
0xdb: {  	v29 =	vld [tilespmem:s19+$0x7AE0];
	v19 =	vadd.f32 v19, v22;
	v17 =	vmul.f32 v17, v6;
	v22 =	vmul.f32 $3.000000120e-01, v24  }
0xdc: {  	v23 =	vmax.f32 v23, v25;
	v30 =	vld [tilespmem:s19+$0x7AD0];
	v18 =	vadd.f32 v18, v9;
	v31 =	vmul.f32 $3.000000120e-01, v20  }
0xdd: {  	v25 =	vld [tilespmem:s19+$0x7AC0];
	v27 =	vadd.f32 v28, v27;
	v19 =	vmul.f32 v19, v4;
	v28 =	vadd.f32 v17, v7;
	[tilespmem:s16+$0x52F0] =	vst v23  }
0xde: {  	v23 =	vld [tilespmem:s19+$0x52F0];
	v32 =	vmul.f32 $3.000000120e-01, v18;
	v16 =	vadd.f32 v16, v21;
	v21 =	vmax.f32 v24, v22  }
0xdf: {  	v20 =	vmax.f32 v20, v31;
	v17 =	vld [tilespmem:s19+$0x7AA0];
	v22 =	vmul.f32 v27, v0;
	v24 =	vmul.f32 $3.000000120e-01, v28;
	[tilespmem:s16+$0x52E0] =	vst v21  }
0xe0: {  	v19 =	vadd.f32 v19, v5;
	v27 =	vld [tilespmem:s19+$0x52E0];
	v18 =	vmax.f32 v18, v32;
	v33 =	vmul.f32 v16, v1;
	[tilespmem:s16+$0x52D0] =	vst v20  }
0xe1: {  	v31 =	vld [tilespmem:s19+$0x52D0];
	v32 =	vadd.f32 v22, v2;
	[tilespmem:s16+$0x52B0] =	vst v18  }
.Ltmp1:
0xe2: {  	v22 =	vmul.f32 $3.000000120e-01, v19;
	v21 =	vmax.f32 v28, v24;
	v18 =	vld [tilespmem:s19+$0x52B0];
	v28 =	vadd.f32 v33, v3;
	v16 =	vmovc v25;
	(pc) =	sbr.rel @p1 .LBB2_5-.Ltmp1, $4  }
0xe3: {  	v20 =	vld [tilespmem:s19+$0x7AB0];
	v23 =	vadd.f32 v26, v23;
	[tilespmem:s16+$0x52A0] =	vst v21  }
0xe4: {  	v26 =	vmul.f32 $3.000000120e-01, v32;
	v22 =	vmax.f32 v19, v22;
	v21 =	vld [tilespmem:s19+$0x52A0];
	v33 =	vmul.f32 $3.000000120e-01, v28  }
0xe5: {  	v19 =	vld [tilespmem:s19+$0x7A90];
	v24 =	vadd.f32 v29, v27;
	v23 =	vmul.f32 v23, v14;
	[tilespmem:s16+$0x5290] =	vst v22  }
0xe6: {  	v27 =	vmax.f32 v32, v26;
	v22 =	vld [tilespmem:s19+$0x5290];
	v25 =	vadd.f32 v30, v31;
	v26 =	vmax.f32 v28, v33  }
0xe7: {  	v28 =	vld [tilespmem:s19+$0x7A80];
	[tilespmem:s16+$0x5280] =	vst v27  }
0xe8: {  	v24 =	vmul.f32 v24, v12;
	v27 =	vld [tilespmem:s19+$0x5280];
	[tilespmem:s16+$0x52C0] =	vst v26  }
0xe9: {  	v23 =	vadd.f32 v23, v15;
	v18 =	vadd.f32 v20, v18;
	v48 =	vmul.f32 v25, v10;
	v49 =	vld [tilespmem:s19+$0x52C0]  }
0xea: {  	v17 =	vadd.f32 v17, v21;
	v50 =	vadd.f32 v24, v13  }
0xeb: {  	v51 =	vmul.f32 $3.000000120e-01, v23;
	v18 =	vmul.f32 v18, v8;
	v20 =	vadd.f32 v48, v11  }
0xec: {  	v19 =	vadd.f32 v19, v22;
	v17 =	vmul.f32 v17, v6;
	v52 =	vmul.f32 $3.000000120e-01, v50  }
0xed: {  	v23 =	vmax.f32 v23, v51;
	v18 =	vadd.f32 v18, v9;
	v27 =	vadd.f32 v28, v27  }
0xee: {  	v53 =	vmul.f32 $3.000000120e-01, v20;
	v19 =	vmul.f32 v19, v4;
	v16 =	vadd.f32 v16, v49  }
0xef: {  	v17 =	vadd.f32 v17, v7;
	v21 =	vmax.f32 v50, v52;
	v55 =	vmul.f32 v27, v0  }
0xf0: {  	[tilespmem:s19+$0x52F0] =	vst v23;
	v54 =	vmul.f32 $3.000000120e-01, v18;
	v19 =	vadd.f32 v19, v5;
	v16 =	vmul.f32 v16, v1  }
0xf1: {  	v20 =	vmax.f32 v20, v53;
	[tilespmem:s19+$0x52E0] =	vst v21;
	v56 =	vmul.f32 $3.000000120e-01, v17;
	v57 =	vadd.f32 v55, v2  }
0xf2: {  	[tilespmem:s19+$0x52D0] =	vst v20;
	v18 =	vmax.f32 v18, v54;
	v58 =	vmul.f32 $3.000000120e-01, v19;
	v16 =	vadd.f32 v16, v3  }
0xf3: {  	[tilespmem:s19+$0x52B0] =	vst v18;
	v17 =	vmax.f32 v17, v56;
	v59 =	vmul.f32 $3.000000120e-01, v57  }
0xf4: {  	[tilespmem:s19+$0x52A0] =	vst v17;
	v17 =	vmax.f32 v19, v58;
	v60 =	vmul.f32 $3.000000120e-01, v16  }
0xf5: {  	[tilespmem:s19+$0x5290] =	vst v17;
	v17 =	vmax.f32 v57, v59  }
0xf6: {  	v16 =	vmax.f32 v16, v60;
	[tilespmem:s19+$0x5280] =	vst v17  }
0xf7: {  	[tilespmem:s19+$0x52C0] =	vst v16  }
0xf8: {  	v16 =	vld [tilespmem:$0x5180]  }
0xf9: {  	v17 =	vld [tilespmem:$0x5190]  }
0xfa: {  	v61 =	vld [tilespmem:$0x51A0]  }
0xfb: {  	v62 =	vld [tilespmem:$0x51B0]  }
0xfc: {  	v63 =	vld [tilespmem:$0x51C0]  }
0xfd: {  	p1 =	seq.s32 s15, $0x3D;
	[tilespmem:$0xA280] =	vst v16  }
.Ltmp2:
0xfe: {  	[tilespmem:$0xA290] =	vst v17;
	(pc) =	sbr.rel @p1 .LBB2_8-.Ltmp2, $4  }
0xff: {  	[tilespmem:$0xA2A0] =	vst v61  }
0x100: {  	[tilespmem:$0xA2B0] =	vst v62  }
0x101: {  	[tilespmem:$0xA2C0] =	vst v63  }
0x102: {  	[spmem:s2] =	stream.indirect.scatter.add.f32 [tilespmem:s18], [sflag:$0xA], $0x80, s12, s25, $0xb8;
	[tilespmem:$0x1DC80] =	vst v63  }
0x103: {  	s7 =	sadd.s32 s17, s14  }
.Ltmp3:
0x104: {  	s7 =	sshrl.u32 s7, $0x3;
	(pc) =	sbr.rel .LBB2_2-.Ltmp3, $4  }
0x105: {  	s8 =	sadd.s32 s6, s7  }
0x106: {  	[tilespmem:s21], [sflag:$0x6] =	stream.linear.gather [hbm4b:s8+s3], $0x50, $0x38;
	[tilespmem:$0x1DC80] =	vst v63  }
0x107: {  	s15 =	sadd.s32 $0x1, s15;
	s7 =	sadd.s32 s5, s7  }
0x108: {  	[tilespmem:s22], [sflag:$0x7] =	stream.linear.gather [hbm4b:s7+s3], $0x50, $0x38;
	[tilespmem:$0x1DC80] =	vst v63  }
.LBB2_8:
0x109: {  	s7 =	simm.s32 $0xA  }
0x10a: {  	_ =	swait.ge [sflag:s7], $0x2800  }
0x10b: {  	[sflag:s7] =	ssyncset.done $0x0  }
0x10c: {  	[sflag:s7] =	ssyncadd.s32 $0xFFFFD800  }
0x10d: {  	_ =	swait.ge [sflag:s29], $0x2800  }
0x10e: {  	[sflag:s29] =	ssyncset.done $0x0  }
0x10f: {  	[sflag:s29] =	ssyncadd.s32 $0xFFFFD800  }
0x110: {  	_ =	swait.ge [sflag:s30], $0x2800  }
0x111: {  	[sflag:s30] =	ssyncset.done $0x0  }
0x112: {  	s16 =	simm.s32 $0x0;
	[sflag:s30] =	ssyncadd.s32 $0xFFFFD800  }
0x113: {  	v16 =	vld [tilespmem:s16+$0x2970]  }
0x114: {  	v17 =	vld [tilespmem:s16+$0x2960]  }
0x115: {  	v18 =	vld [tilespmem:s16+$0x2950]  }
0x116: {  	v19 =	vld [tilespmem:s16+$0x2940]  }
0x117: {  	v20 =	vld [tilespmem:s16+$0x170]  }
0x118: {  	v21 =	vld [tilespmem:s16+$0x2920]  }
0x119: {  	v22 =	vld [tilespmem:s16+$0x160]  }
0x11a: {  	v23 =	vld [tilespmem:s16+$0x150]  }
0x11b: {  	v24 =	vld [tilespmem:s16+$0x130]  }
0x11c: {  	v25 =	vld [tilespmem:s16+$0x2930]  }
0x11d: {  	v26 =	vld [tilespmem:s16+$0x120];
	v16 =	vadd.f32 v16, v20  }
0x11e: {  	v27 =	vld [tilespmem:s16+$0x110]  }
0x11f: {  	v28 =	vld [tilespmem:s16+$0x2900];
	v17 =	vadd.f32 v17, v22;
	v16 =	vmul.f32 v16, v14  }
0x120: {  	s15 =	simm.s32 $0x80;
	v29 =	vld [tilespmem:s16+$0x140];
	v18 =	vadd.f32 v18, v23  }
0x121: {  	v31 =	vld [tilespmem:s15+$0x2960];
	v17 =	vmul.f32 v17, v12;
	v16 =	vadd.f32 v16, v15  }
0x122: {  	v20 =	vld [tilespmem:s16+$0x2910];
	v18 =	vmul.f32 v18, v10  }
0x123: {  	v22 =	vld [tilespmem:s16+$0x100];
	v24 =	vadd.f32 v25, v24;
	v17 =	vadd.f32 v17, v13;
	v30 =	vmul.f32 $3.000000120e-01, v16  }
0x124: {  	v23 =	vld [tilespmem:s15+$0x2970];
	v21 =	vadd.f32 v21, v26;
	v18 =	vadd.f32 v18, v11  }
0x125: {  	v25 =	vld [tilespmem:s15+$0x2950];
	v24 =	vmul.f32 v24, v8;
	v32 =	vmul.f32 $3.000000120e-01, v17;
	v30 =	vmax.f32 v16, v30  }
0x126: {  	v21 =	vmul.f32 v21, v6;
	v61 =	vmul.f32 $3.000000120e-01, v18;
	v16 =	vld [tilespmem:s15+$0x2940];
	[tilespmem:s16+$0x170] =	vst v30  }
0x127: {  	v24 =	vadd.f32 v24, v9;
	v20 =	vadd.f32 v20, v27;
	v32 =	vmax.f32 v17, v32;
	v26 =	vld [tilespmem:s15+$0x170]  }
0x128: {  	v19 =	vadd.f32 v19, v29;
	v22 =	vadd.f32 v28, v22;
	v18 =	vmax.f32 v18, v61;
	v17 =	vld [tilespmem:s15+$0x2920];
	[tilespmem:s16+$0x160] =	vst v32  }
0x129: {  	v21 =	vadd.f32 v21, v7;
	v27 =	vmul.f32 $3.000000120e-01, v24;
	v62 =	vld [tilespmem:s15+$0x160];
	[tilespmem:s16+$0x150] =	vst v18;
	v18 =	vmul.f32 v20, v4  }
0x12a: {  	v19 =	vmul.f32 v19, v1;
	v22 =	vmul.f32 v22, v0  }
0x12b: {  	v20 =	vmax.f32 v24, v27;
	v24 =	vmul.f32 $3.000000120e-01, v21;
	v28 =	vadd.f32 v18, v5  }
0x12c: {  	v63 =	vadd.f32 v19, v3;
	v27 =	vld [tilespmem:s15+$0x150];
	[tilespmem:s16+$0x130] =	vst v20  }
0x12d: {  	v29 =	vadd.f32 v22, v2;
	v18 =	vld [tilespmem:s15+$0x130];
	v21 =	vmax.f32 v21, v24;
	v22 =	vmul.f32 $3.000000120e-01, v28  }
0x12e: {  	v20 =	vld [tilespmem:s15+$0x2930];
	[tilespmem:s16+$0x120] =	vst v21;
	v23 =	vadd.f32 v23, v26  }
0x12f: {  	v21 =	vld [tilespmem:s15+$0x120];
	v26 =	vmul.f32 $3.000000120e-01, v29;
	v22 =	vmax.f32 v28, v22;
	v28 =	vmul.f32 $3.000000120e-01, v63  }
0x130: {  	v19 =	vld [tilespmem:s15+$0x2910];
	v24 =	vadd.f32 v31, v62;
	v23 =	vmul.f32 v23, v14;
	[tilespmem:s16+$0x110] =	vst v22  }
0x131: {  	s7 =	simm.s32 $0x400;
	v25 =	vadd.f32 v25, v27;
	v27 =	vmax.f32 v29, v26;
	v22 =	vld [tilespmem:s15+$0x110];
	v26 =	vmax.f32 v63, v28  }
.LBB2_9:
0x132: {  	s8 =	sshra.s32 s7, $0x2;
	p1 =	sne.s32 s7, $0x9E00;
	s7 =	sadd.s32 $0x200, s7;
	v28 =	vld [tilespmem:s15+$0x2900];
	v24 =	vmul.f32 v24, v12;
	v23 =	vadd.f32 v23, v15;
	[tilespmem:s16+$0x100] =	vst v27  }
0x133: {  	v27 =	vld [tilespmem:s15+$0x100];
	v18 =	vadd.f32 v20, v18;
	v20 =	vmul.f32 v25, v10;
	[tilespmem:s16+$0x140] =	vst v26;
	s16 =	smov.u32 s15;
	s15 =	smov.u32 s8  }
0x134: {  	v17 =	vadd.f32 v17, v21;
	v21 =	vld [tilespmem:s16+$0x140];
	v24 =	vadd.f32 v24, v13;
	v25 =	vmul.f32 $3.000000120e-01, v23  }
0x135: {  	v26 =	vld [tilespmem:s15+$0x2970];
	v18 =	vmul.f32 v18, v8;
	v20 =	vadd.f32 v20, v11  }
0x136: {  	v29 =	vld [tilespmem:s15+$0x2960];
	v19 =	vadd.f32 v19, v22;
	v17 =	vmul.f32 v17, v6;
	v22 =	vmul.f32 $3.000000120e-01, v24  }
0x137: {  	v23 =	vmax.f32 v23, v25;
	v30 =	vld [tilespmem:s15+$0x2950];
	v18 =	vadd.f32 v18, v9;
	v31 =	vmul.f32 $3.000000120e-01, v20  }
0x138: {  	v25 =	vld [tilespmem:s15+$0x2940];
	v27 =	vadd.f32 v28, v27;
	v19 =	vmul.f32 v19, v4;
	v28 =	vadd.f32 v17, v7;
	[tilespmem:s16+$0x170] =	vst v23  }
0x139: {  	v23 =	vld [tilespmem:s15+$0x170];
	v32 =	vmul.f32 $3.000000120e-01, v18;
	v16 =	vadd.f32 v16, v21;
	v21 =	vmax.f32 v24, v22  }
0x13a: {  	v20 =	vmax.f32 v20, v31;
	v17 =	vld [tilespmem:s15+$0x2920];
	v22 =	vmul.f32 v27, v0;
	v24 =	vmul.f32 $3.000000120e-01, v28;
	[tilespmem:s16+$0x160] =	vst v21  }
0x13b: {  	v19 =	vadd.f32 v19, v5;
	v27 =	vld [tilespmem:s15+$0x160];
	v18 =	vmax.f32 v18, v32;
	v33 =	vmul.f32 v16, v1;
	[tilespmem:s16+$0x150] =	vst v20  }
0x13c: {  	v31 =	vld [tilespmem:s15+$0x150];
	v32 =	vadd.f32 v22, v2;
	[tilespmem:s16+$0x130] =	vst v18  }
.Ltmp4:
0x13d: {  	v22 =	vmul.f32 $3.000000120e-01, v19;
	v21 =	vmax.f32 v28, v24;
	v18 =	vld [tilespmem:s15+$0x130];
	v28 =	vadd.f32 v33, v3;
	v16 =	vmovc v25;
	(pc) =	sbr.rel @p1 .LBB2_9-.Ltmp4, $4  }
0x13e: {  	v20 =	vld [tilespmem:s15+$0x2930];
	v23 =	vadd.f32 v26, v23;
	[tilespmem:s16+$0x120] =	vst v21  }
0x13f: {  	v26 =	vmul.f32 $3.000000120e-01, v32;
	v22 =	vmax.f32 v19, v22;
	v21 =	vld [tilespmem:s15+$0x120];
	v33 =	vmul.f32 $3.000000120e-01, v28  }
0x140: {  	v19 =	vld [tilespmem:s15+$0x2910];
	v24 =	vadd.f32 v29, v27;
	v23 =	vmul.f32 v23, v14;
	[tilespmem:s16+$0x110] =	vst v22  }
0x141: {  	v27 =	vmax.f32 v32, v26;
	v22 =	vld [tilespmem:s15+$0x110];
	v25 =	vadd.f32 v30, v31;
	v26 =	vmax.f32 v28, v33  }
0x142: {  	v14 =	vld [tilespmem:s15+$0x2900];
	[tilespmem:s16+$0x100] =	vst v27  }
0x143: {  	v12 =	vmul.f32 v24, v12;
	v27 =	vld [tilespmem:s15+$0x100];
	[tilespmem:s16+$0x140] =	vst v26  }
0x144: {  	v15 =	vadd.f32 v23, v15;
	v18 =	vadd.f32 v20, v18;
	v10 =	vmul.f32 v25, v10;
	v50 =	vld [tilespmem:s15+$0x140]  }
0x145: {  	v17 =	vadd.f32 v17, v21;
	v12 =	vadd.f32 v12, v13  }
0x146: {  	v51 =	vmul.f32 $3.000000120e-01, v15;
	v8 =	vmul.f32 v18, v8;
	v10 =	vadd.f32 v10, v11  }
0x147: {  	v52 =	vadd.f32 v19, v22;
	v6 =	vmul.f32 v17, v6;
	v53 =	vmul.f32 $3.000000120e-01, v12  }
0x148: {  	v13 =	vmax.f32 v15, v51;
	v8 =	vadd.f32 v8, v9;
	v14 =	vadd.f32 v14, v27  }
0x149: {  	v54 =	vmul.f32 $3.000000120e-01, v10;
	v4 =	vmul.f32 v52, v4;
	v55 =	vadd.f32 v16, v50  }
0x14a: {  	v6 =	vadd.f32 v6, v7;
	v12 =	vmax.f32 v12, v53;
	v0 =	vmul.f32 v14, v0  }
0x14b: {  	[tilespmem:s15+$0x170] =	vst v13;
	v56 =	vmul.f32 $3.000000120e-01, v8;
	v4 =	vadd.f32 v4, v5;
	v1 =	vmul.f32 v55, v1  }
0x14c: {  	v9 =	vmax.f32 v10, v54;
	[tilespmem:s15+$0x160] =	vst v12;
	v57 =	vmul.f32 $3.000000120e-01, v6;
	v0 =	vadd.f32 v0, v2  }
0x14d: {  	[tilespmem:s15+$0x150] =	vst v9;
	v58 =	vmax.f32 v8, v56;
	v59 =	vmul.f32 $3.000000120e-01, v4;
	v1 =	vadd.f32 v1, v3  }
0x14e: {  	[tilespmem:s15+$0x130] =	vst v58;
	v60 =	vmax.f32 v6, v57;
	v61 =	vmul.f32 $3.000000120e-01, v0  }
0x14f: {  	[tilespmem:s15+$0x120] =	vst v60;
	v62 =	vmax.f32 v4, v59;
	v63 =	vmul.f32 $3.000000120e-01, v1  }
0x150: {  	[tilespmem:s15+$0x110] =	vst v62;
	v0 =	vmax.f32 v0, v61  }
0x151: {  	v1 =	vmax.f32 v1, v63;
	[tilespmem:s15+$0x100] =	vst v0  }
0x152: {  	s16 =	simm.s32 $0xB;
	[tilespmem:s15+$0x140] =	vst v1  }
0x153: {  	[spmem:s2] =	stream.indirect.scatter.add.f32 [tilespmem:s26], [sflag:$0xB], $0x80, s3, s25, $0xb8;
	[tilespmem:$0x1DC80] =	vst v63  }
0x154: {  	_ =	swait.ge [sflag:s16], $0x2800  }
0x155: {  	[sflag:s16] =	ssyncset.done $0x0  }
0x156: {  	[sflag:s16] =	ssyncadd.s32 $0xFFFFD800  }
0x157: {  	[bflag:$0x0] =	sbarrier.arrive $0xFFFF  }
0x158: {  	s8 =	rddreg [dreg:$0xa]  }
0x159: {  	s7 =	simm.s32 @!p0 $0x1C0B;
	s15 =	rddreg [dreg:$0xc]  }
0x15a: {  	[hbm:s8], [sflag:s7] =	dma.local @!p0 [spmem:s15], $0x27100  }
0x15b: {  	s7 =	simm.s32 @!p0 $0xB  }
0x15c: {  	_ =	swait.ge @!p0 [sflag:s7], $0x27100  }
0x15d: {  	s17 =	rddreg [dreg:$0xd]  }
0x15e: {  	s19 =	rddreg [dreg:$0xb];
	s17 =	sadd.s32 $0x1, s17  }
0x15f: {  	p1 =	sne.s32 s17, s19  }
.Ltmp5:
0x160: {  	_ = 	snop;
	(pc) =	sbr.rel @p1 .LBB2_1-.Ltmp5, $3  }
0x161: {  	_ =	sdelay $0x1  }
0x162: {  	[sflag:s7] =	ssyncset.done @!p0 $0x0  }
0x163: {  	[sflag:s7] =	ssyncadd.s32 @!p0 $0xFFFD8F00  }
0x164: {  	_ =	sfence.sel $0x180000  }
0x165: {  	[bflag:$0x0] =	sbarrier.arrive $0xFFFF  }
0x166: {  	_ =	strace $0x9000004A  }
0x167: {  	[bflag:$0x2] =	sbarrier.arrive $0xFFFF  }
0x168: {  	s0 =	rddreg [dreg:$0x3]  }
0x169: {  	s0 =	sadd.s32 @!p0 $0x100000, s0  }
0x16a: {  	[sflag:s0] =	ssyncadd.tile.s32 @!p0 $0x1;
	_ =	shalt  }
.Lfunc_end2:
_tile_overlayer_lowered:
.L_overlay_start_2:
0x16b: {  	(tag) =	ssettag $0x2  }
0x16c: {  	s0 =	rddreg [dreg:$0x0];
	s2 =	stileid.u32  }
0x16d: {  	s1 =	rddreg [dreg:$0x1];
	p0 =	sne.s32 s2, $0x0  }
0x16e: {  	s3 =	rddreg [dreg:$0x2];
	[bflag:$0x3] =	sbarrier.arrive $0xFFFF;
	s2 =	simm.s32 @!p0 $0x1C0B  }
0x16f: {  	[timem:s3], [sflag:s2] =	dma.local @!p0 [hbm:s0], s1  }
0x170: {  	s0 =	simm.s32 @!p0 $0xB  }
0x171: {  	_ =	swait.ge @!p0 [sflag:s0], s1  }
0x172: {  	s1 =	ssub.s32 @!p0 $0x0, s1;
	[sflag:s0] =	ssyncset.done @!p0 $0x0  }
0x173: {  	[sflag:s0] =	ssyncadd.s32 @!p0 s1  }
0x174: {  	[bflag:$0x3] =	sbarrier.arrive $0xFFFF  }
0x175: {  	_ =	shalt  }

// kernel: kernel.8.cloned.1.call-start
scs
__scs_entry_jumppad:
0x0: {  	(pc) =	sbr.rel $0x88, $3  }
0x1: {  	(tag) =	ssettag $0x0;
	lr =	simm.s32 $0x1  }
0x2: {  	[smem:$0x3F9B] =	sst lr;
	_ =	strace $0xD0000000  }
0x3: {  	_ = 	snop  }
0x4: {  	_ = 	snop  }
0x5: {  	_ = 	snop  }
0x6: {  	_ = 	snop  }
0x7: {  	_ = 	snop  }
__scs_overlays_trampoline_lowered:
0x8: {  	[smem:$0x3FAA] =	sst s0  }
0x9: {  	[smem:$0x3FAB] =	sst s1  }
0xa: {  	[smem:$0x3FAC] =	sst s2  }
0xb: {  	[smem:$0x3FAD] =	sst s3  }
0xc: {  	[smem:$0x3FAE] =	sst s4  }
0xd: {  	[smem:$0x3FAF] =	sst s5  }
0xe: {  	[smem:$0x3FB0] =	sst s6  }
0xf: {  	[smem:$0x3FB1] =	sst s7  }
0x10: {  	[smem:$0x3FB2] =	sst s8  }
0x11: {  	[smem:$0x3FB3] =	sst s9;
	s0 =	simm.s32 @!p0 $0x0  }
0x12: {  	s1 =	sld [smem:$0x3F99];
	s0 =	simm.s32 @p0 $0x1  }
0x13: {  	[smem:$0x3FB4] =	sst s0;
	s0 =	simm.s32 @!p1 $0x0  }
0x14: {  	s2 =	sld [smem:$0x3F98];
	s0 =	simm.s32 @p1 $0x1  }
0x15: {  	[smem:$0x3FB5] =	sst s0;
	s0 =	simm.s32 @!p2 $0x0  }
0x16: {  	s3 =	sld [smem:$0x3FDB];
	s0 =	simm.s32 @p2 $0x1  }
0x17: {  	s4 =	simm.s32 $0x1BF5;
	[smem:$0x3FB7] =	sst s0  }
0x18: {  	s0 =	sld [smem:$0x3F9A];
	_ =	swait.ge [sflag:s4], $0x0  }
0x19: {  	s7 =	sld [smem:$0x3F9B]  }
0x1a: {  	s8 =	sadd.s32 $0xFFFFE003, lr  }
0x1b: {  	s9 =	sadd.s32 $0xFFFFFEF7, lr;
	s5 =	simm.s32 $0xFFFFFFFF;
	p2 =	slt.u32 s8, $0xFFFFF086  }
0x1c: {  	p1 =	slt.u32 s9, $0xF7A;
	s5 =	simm.s32 @!p2 $0x0  }
0x1d: {  	s5 =	simm.s32 @p1 $0x1;
	p0 =	seq.s32 s7, s2  }
0x1e: {  	s7 =	smul.u32 @!p0 $0xF7A, s2;
	p2 =	seq.s32 @!p0 s5, $0x0  }
0x1f: {  	s9 =	smul.u32 $0xF7A, s1;
	s8 =	simm.s32 @!p0 $0x1BF5;
	p2 =	por !p2, p0  }
0x20: {  	[sflag:s8] =	ssyncset.s32 @!p0 $0xFFFFF086;
	s6 =	sadd.s32 @!p0 s3, s7;
	s7 =	simm.s32 @!p0 $0x108  }
0x21: {  	s3 =	sadd.s32 s3, s9;
	s6 =	sadd.s32 @!p0 $0x88, s6;
	s7 =	simm.s32 @p2 $0x1082  }
0x22: {  	[simem:s7], [sflag:s8] =	dma.local @!p0 [hbm:s6], $0xF7A  }
0x23: {  	s9 =	sor.u32 $0xD0000000, s2;
	s6 =	simm.s32 $0x108;
	_ =	swait.ge @!p0 [sflag:s8], $0x0  }
0x24: {  	s3 =	sadd.s32 $0x88, s3;
	s6 =	simm.s32 @!p1 $0x1082;
	[sflag:s4] =	ssyncset.s32 $0xFFFFF086  }
0x25: {  	[simem:s6], [sflag:s4] =	dma.local [hbm:s3], $0xF7A  }
0x26: {  	[smem:$0x3F9B] =	sst s1;
	(tag) =	ssettag s2;
	_ =	strace s9  }
0x27: {  	s1 =	sld [smem:$0x3FAB]  }
0x28: {  	s2 =	sld [smem:$0x3FAC]  }
0x29: {  	s4 =	sld [smem:$0x3FAE]  }
0x2a: {  	p0 =	seq.s32 s5, $0x0;
	s5 =	sld [smem:$0x3FAF]  }
0x2b: {  	s6 =	sld [smem:$0x3FB0]  }
0x2c: {  	s7 =	sld [smem:$0x3FB1]  }
0x2d: {  	s3 =	simm.s32 $0x108;
	s8 =	sld [smem:$0x3FB2]  }
0x2e: {  	s3 =	simm.s32 @!p0 $0x1082;
	s9 =	sld [smem:$0x3FB3]  }
0x2f: {  	lr =	sadd.s32 s0, s3;
	s0 =	sld [smem:$0x3FAA]  }
0x30: {  	s3 =	sld [smem:$0x3FAD]  }
0x31: {  	[smem:$0x3FB6] =	sst s10  }
0x32: {  	s10 =	sld [smem:$0x3FB4];
	_ =	sdelay $0x3  }
0x33: {  	p0 =	seq.s32 s10, $0x1;
	s10 =	sld [smem:$0x3FB6];
	_ =	sdelay $0x3  }
0x34: {  	[smem:$0x3FB6] =	sst s10  }
0x35: {  	s10 =	sld [smem:$0x3FB5];
	_ =	sdelay $0x3  }
0x36: {  	p1 =	seq.s32 s10, $0x1;
	s10 =	sld [smem:$0x3FB6];
	_ =	sdelay $0x3  }
0x37: {  	[smem:$0x3FB6] =	sst s10  }
0x38: {  	s10 =	sld [smem:$0x3FB7]  }
0x39: {  	_ = 	snop;
	(pc) =	sbr.ind lr, $3  }
0x3a: {  	_ = 	snop  }
0x3b: {  	_ = 	snop  }
0x3c: {  	p2 =	seq.s32 s10, $0x1;
	s10 =	sld [smem:$0x3FB6]  }
0x3d: {  	_ =	shalt  }
0x3e: {  	_ =	shalt  }
0x3f: {  	_ =	shalt  }
0x40: {  	_ =	shalt  }
0x41: {  	_ =	shalt  }
0x42: {  	_ =	shalt  }
0x43: {  	_ =	shalt  }
0x44: {  	_ =	shalt  }
0x45: {  	_ =	shalt  }
0x46: {  	_ =	shalt  }
0x47: {  	_ =	shalt  }
0x48: {  	_ =	shalt  }
0x49: {  	_ =	shalt  }
0x4a: {  	_ =	shalt  }
0x4b: {  	_ =	shalt  }
0x4c: {  	_ =	shalt  }
0x4d: {  	_ =	shalt  }
0x4e: {  	_ =	shalt  }
0x4f: {  	_ =	shalt  }
0x50: {  	_ =	shalt  }
0x51: {  	_ =	shalt  }
0x52: {  	_ =	shalt  }
0x53: {  	_ =	shalt  }
0x54: {  	_ =	shalt  }
0x55: {  	_ =	shalt  }
0x56: {  	_ =	shalt  }
0x57: {  	_ =	shalt  }
0x58: {  	_ =	shalt  }
0x59: {  	_ =	shalt  }
0x5a: {  	_ =	shalt  }
0x5b: {  	_ =	shalt  }
0x5c: {  	_ =	shalt  }
0x5d: {  	_ =	shalt  }
0x5e: {  	_ =	shalt  }
0x5f: {  	_ =	shalt  }
0x60: {  	_ =	shalt  }
0x61: {  	_ =	shalt  }
0x62: {  	_ =	shalt  }
0x63: {  	_ =	shalt  }
0x64: {  	_ =	shalt  }
0x65: {  	_ =	shalt  }
0x66: {  	_ =	shalt  }
0x67: {  	_ =	shalt  }
0x68: {  	_ =	shalt  }
0x69: {  	_ =	shalt  }
0x6a: {  	_ =	shalt  }
0x6b: {  	_ =	shalt  }
0x6c: {  	_ =	shalt  }
0x6d: {  	_ =	shalt  }
0x6e: {  	_ =	shalt  }
0x6f: {  	_ =	shalt  }
0x70: {  	_ =	shalt  }
0x71: {  	_ =	shalt  }
0x72: {  	_ =	shalt  }
0x73: {  	_ =	shalt  }
0x74: {  	_ =	shalt  }
0x75: {  	_ =	shalt  }
0x76: {  	_ =	shalt  }
0x77: {  	_ =	shalt  }
0x78: {  	_ =	shalt  }
0x79: {  	_ =	shalt  }
0x7a: {  	_ =	shalt  }
0x7b: {  	_ =	shalt  }
0x7c: {  	_ =	shalt  }
0x7d: {  	_ =	shalt  }
0x7e: {  	_ =	shalt  }
0x7f: {  	_ =	shalt  }
0x80: {  	_ =	shalt  }
0x81: {  	_ =	shalt  }
0x82: {  	_ =	shalt  }
0x83: {  	_ =	shalt  }
0x84: {  	_ =	shalt  }
0x85: {  	_ =	shalt  }
0x86: {  	_ =	shalt  }
0x87: {  	_ =	shalt  }
.Lfunc_end0:
.L_simem_size_0:
called_computation_lowered:
.L_overlay_start_0:
0x88: {  	s2 =	sld [smem:$0x3FD9]  }
0x89: {  	s3 =	sld [smem:$0x3FFE];
	_ =	sdelay $0x1  }
0x8a: {  	s1 =	srdreg.scid  }
0x8b: {  	s0 =	sand.u32 $0x1, s1  }
0x8c: {  	s17 =	sshll.u32 s0, $0xA;
	s2 =	sadd.s32 s3, s2  }
0x8d: {  	s2 =	sadd.s32 s2, s17  }
0x8e: {  	[smem:$0x3FC2] =	sst s2  }
0x8f: {  	_ = 	snop  }
0x90: {  	s2 =	sld [smem:$0x3FD0];
	(tm) =	ssettm $0x1  }
0x91: {  	s18 =	sld [smem:$0x3FFB];
	_ =	sdelay $0x3  }
0x92: {  	_ =	strace s18  }
0x93: {  	s3 =	sld [smem:$0x3FFC];
	_ =	sdelay $0x3  }
0x94: {  	_ =	strace s3  }
0x95: {  	s3 =	sld [smem:$0x3FFD];
	_ =	sdelay $0x3  }
0x96: {  	_ =	strace s3  }
0x97: {  	_ =	strace $0x8FFFFFFF  }
0x98: {  	s19 =	sld [smem:$0x3FDB];
	_ =	sdelay $0x1  }
0x99: {  	s4 =	simm.s32 $_scs_section_size  }
0x9a: {  	s5 =	simm.s32 $_size__tile_overlayer_lowered;
	s6 =	simm.s32 $_tile_overlayer_lowered  }
0x9b: {  	s22 =	simm.s32 $0x1BFF;
	s21 =	sshll.u32 s6, $0x1;
	s3 =	sadd.s32 s4, s19  }
0x9c: {  	s7 =	simm.s32 $0x0;
	s20 =	sshll.u32 s5, $0x1;
	s5 =	sadd.s32 s21, s3  }
0x9d: {  	[timem:s7], [sflag:s22] =	dma.local [hbm:s5], s20  }
0x9e: {  	_ =	swait.ge [sflag:s22], s20  }
0x9f: {  	s4 =	ssub.s32 $0x0, s20;
	[sflag:s22] =	ssyncset.done $0x0  }
0xa0: {  	[sflag:s22] =	ssyncadd.s32 s4;
	_ =	sdelay $0x1  }
0xa1: {  	s23 =	simm.s32 $0x1B8B  }
0xa2: {  	_ =	swait.ge [sflag:s23], $0x1  }
0xa3: {  	[sflag:s23] =	ssyncset.done $0x0  }
0xa4: {  	s25 =	simm.s32 $0x1B8E;
	s24 =	sld [smem:$0x3FFE];
	[sflag:s23] =	ssyncadd.s32 $0xFFFFFFFF  }
0xa5: {  	s26 =	simm.s32 $execute0_lowered;
	[smem:$0x3FD2] =	sst s25  }
0xa6: {  	s5 =	sshll.u32 s26, $0x1;
	_ =	strace $0x80000046;
	[dreg:$0x1] =	wrdreg $0xFFFFFFFF  }
0xa7: {  	s28 =	simm.s32 $_size_execute0_lowered;
	s3 =	sadd.s32 s3, s5;
	[dreg:$0x0] =	wrdreg $0x0  }
0xa8: {  	s5 =	sshll.u32 s28, $0x1;
	[dreg:$0x2] =	wrdreg s3  }
0xa9: {  	[dreg:$0x3] =	wrdreg s5  }
0xaa: {  	[dreg:$0x4] =	wrdreg $0xC0  }
0xab: {  	_ =	task [dreg:s7], $0x5FFFF  }
0xac: {  	[dreg:$0x1] =	wrdreg $0xFFFFFFFF  }
0xad: {  	[dreg:$0x0] =	wrdreg $0x60  }
0xae: {  	[dreg:$0x2] =	wrdreg s2  }
0xaf: {  	[dreg:$0x3] =	wrdreg s24  }
0xb0: {  	[dreg:$0x4] =	wrdreg $0x9  }
0xb1: {  	_ =	task.clear_ibuf [dreg:s7], $0x5FFFF;
	_ =	strace $0x90000046  }
0xb2: {  	s29 =	simm.s32 $0x9;
	_ =	strace $0x80000048  }
0xb3: {  	_ =	swait.ge [sflag:s29], $0x1  }
0xb4: {  	[sflag:s29] =	ssyncadd.s32 $0xFFFFFFFF  }
0xb5: {  	_ =	strace $0x90000048  }
0xb6: {  	_ =	sfence  }
0xb7: {  	s30 =	sld [smem:$0x0];
	_ =	sdelay $0x2  }
0xb8: {  	s31 =	sshll.u32 s1, $0xD;
	s1 =	sshrl.u32 s1, $0x2  }
0xb9: {  	s3 =	sand.u32 $0x4000, s31;
	s1 =	sadd.s32 s1, s30  }
0xba: {  	s0 =	sor.u32 s3, s0;
	s1 =	sshll.u32 s1, $0x11  }
0xbb: {  	s0 =	sor.u32 s1, s0  }
0xbc: {  	s0 =	sadd.s32 $0x8F2B, s0  }
0xbd: {  	[sflag:s0] =	ssyncadd.remote.s32 $0x1  }
0xbe: {  	_ =	sfence.sel $0xFFFF  }
0xbf: {  	[dreg:$0x0] =	wrdreg $0xFFFFFFFF;
	(pc) =	sbr.abs _section_cstart, $3  }
0xc0: {  	[dreg:$0x1] =	wrdreg $0xFFFFFFFF  }
0xc1: {  	_ =	task.clear_ibuf [dreg:s7], $0x2FFFF;
	_ =	strace $0x9FFFFFFF  }
0xc2: {  	(tm) =	ssettm $0x7FFFFFFF  }
0xc3: {  	_ =	shalt  }
tec
execute0_lowered:
.L_overlay_start_1:
0x0: {  	(tag) =	ssettag $0x1  }
0x1: {  	s1 =	rddreg [dreg:$0x0]  }
0x2: {  	s0 =	rddreg [dreg:$0x1];
	s3 =	simm.s32 $0x0;
	s2 =	srdreg.scid  }
0x3: {  	s4 =	stileid.u32;
	s18 =	simm.s32 $0x80;
	s19 =	simm.s32 $0x8100  }
0x4: {  	s20 =	simm.s32 $0x8180;
	s28 =	simm.s32 $0x5;
	s29 =	simm.s32 $0x6  }
0x5: {  	s30 =	simm.s32 $0x8200;
	s31 =	simm.s32 $0xC200;
	[smem:$0x7FF] =	sst s3  }
0x6: {  	s2 =	sand.u32 $0x1, s2;
	s4 =	sshll.u32 s4, $0x1;
	s5 =	sadd.s32 $0xBC00, s0  }
0x7: {  	s6 =	sadd.s32 $0x1E00, s0;
	_ =	strace $0x80000047;
	s7 =	sor.u32 s2, s4  }
0x8: {  	s2 =	ssub.s32 $0x2, s2;
	s8 =	smul.u32 $0x2710, s7;
	s7 =	sshll.u32 s7, $0x4  }
0x9: {  	s4 =	sadd.s32 $0x15A00, s0;
	s21 =	sshrl.u32 s2, $0x1;
	s0 =	sadd.s32 s7, s0  }
0xa: {  	s2 =	ssub.s32 s2, s21;
	s21 =	simm.s32 $0x1;
	s9 =	sshrl.u32 s8, $0x3  }
0xb: {  	s11 =	sadd.s32 $0x100, s8;
	s12 =	sadd.s32 $0x180, s8;
	s15 =	sadd.s32 $0x3CC00, s0  }
0xc: {  	s16 =	sadd.s32 $0x3CE00, s0;
	s17 =	smax.u32 s2, $0x1;
	s22 =	sadd.s32 s6, s9  }
0xd: {  	s23 =	sadd.s32 $0x10, s9;
	s10 =	sadd.s32 s5, s9;
	[dreg:$0x3] =	wrdreg s22  }
0xe: {  	s0 =	simm.s32 $0x10200;
	[dreg:$0x4] =	wrdreg s10;
	s24 =	sadd.s32 s6, s23  }
0xf: {  	s25 =	sadd.s32 $0x4E0, s9;
	s7 =	sadd.s32 s5, s23;
	[dreg:$0x5] =	wrdreg s24  }
0x10: {  	s2 =	simm.s32 $0x9;
	s26 =	sadd.s32 s6, s25;
	[dreg:$0x6] =	wrdreg s7  }
0x11: {  	s22 =	simm.s32 $0x2;
	s23 =	simm.s32 $0x10280;
	[dreg:$0x7] =	wrdreg s26  }
0x12: {  	s7 =	sadd.s32 s5, s25;
	s25 =	simm.s32 $0x3;
	s26 =	simm.s32 $0x4  }
0x13: {  	s24 =	simm.s32 $0x10;
	[dreg:$0x8] =	wrdreg s7;
	s7 =	simm.s32 $0x0  }
.LBB2_1:
0x14: {  	s8 =	rddreg [dreg:$0x3]  }
0x15: {  	[tilespmem:s3], [sflag:$0x1] =	stream.linear.gather [hbm4b:s8+s3], $0x80, $0x38;
	[tilespmem:$0x11400] =	vst v63  }
0x16: {  	s14 =	rddreg [dreg:$0x4]  }
0x17: {  	[tilespmem:s18], [sflag:$0x2] =	stream.linear.gather [hbm4b:s14+s3], $0x80, $0x38;
	[tilespmem:$0x11400] =	vst v63  }
0x18: {  	s9 =	rddreg [dreg:$0x5]  }
0x19: {  	[tilespmem:s19], [sflag:$0x5] =	stream.linear.gather [hbm4b:s9+s3], $0x80, $0x38;
	[tilespmem:$0x11400] =	vst v63  }
0x1a: {  	s10 =	rddreg [dreg:$0x6]  }
0x1b: {  	[tilespmem:s20], [sflag:$0x6] =	stream.linear.gather [hbm4b:s10+s3], $0x80, $0x38;
	[tilespmem:$0x11400] =	vst v63  }
0x1c: {  	_ =	swait.ge [sflag:s21], $0x80  }
0x1d: {  	[sflag:s21] =	ssyncset.done $0x0  }
0x1e: {  	[sflag:s21] =	ssyncadd.s32 $0xFFFFFF80  }
0x1f: {  	v0 =	vimm.f32 $0.0e+00;
	_ =	swait.ge [sflag:s22], $0x80  }
0x20: {  	v10 =	vimm.f32 $0.0e+00;
	v2 =	vimm.f32 $0.0e+00;
	v4 =	vimm.f32 $0.0e+00;
	[sflag:s22] =	ssyncset.done $0x0  }
0x21: {  	s13 =	simm.s32 $0x100;
	v5 =	vimm.f32 $0.0e+00;
	v15 =	vimm.f32 $0.0e+00;
	v14 =	vimm.f32 $0.0e+00;
	[sflag:s22] =	ssyncadd.s32 $0xFFFFFF80  }
0x22: {  	v12 =	vimm.f32 $0.0e+00;
	v8 =	vimm.f32 $0.0e+00;
	v1 =	vimm.f32 $0.0e+00;
	[tilespmem:s13], [sflag:$0x3] =	stream.indirect.gather [hbm4b:s1+s18], $0x80, s3, s18, $0xb8;
	[tilespmem:$0x11400] =	vst v63  }
0x23: {  	v3 =	vimm.f32 $0.0e+00;
	v6 =	vimm.f32 $0.0e+00;
	v7 =	vimm.f32 $0.0e+00;
	s8 =	simm.s32 $0x0;
	s14 =	simm.s32 $0x4100  }
0x24: {  	v16 =	vimm.f32 $0.0e+00;
	v13 =	vimm.f32 $0.0e+00;
	v18 =	vimm.f32 $0.0e+00;
	[tilespmem:s14], [sflag:$0x4] =	stream.indirect.gather [hbm4b:s4+s18], $0x80, s18, s18, $0xb8;
	[tilespmem:$0x11400] =	vst v63  }
.LBB2_2:
0x25: {  	_ =	swait.ge [sflag:s25], $0x4000  }
0x26: {  	[sflag:s25] =	ssyncset.done $0x0  }
0x27: {  	[sflag:s25] =	ssyncadd.s32 $0xFFFFC000  }
0x28: {  	_ =	swait.ge [sflag:s26], $0x4000  }
0x29: {  	[sflag:s26] =	ssyncset.done $0x0  }
0x2a: {  	[sflag:s26] =	ssyncadd.s32 $0xFFFFC000  }
0x2b: {  	_ =	swait.ge [sflag:s28], $0x80  }
0x2c: {  	[sflag:s28] =	ssyncset.done $0x0  }
0x2d: {  	[sflag:s28] =	ssyncadd.s32 $0xFFFFFF80  }
0x2e: {  	_ =	swait.ge [sflag:s29], $0x80  }
0x2f: {  	[sflag:s29] =	ssyncset.done $0x0  }
0x30: {  	[sflag:s29] =	ssyncadd.s32 $0xFFFFFF80  }
0x31: {  	[tilespmem:s30], [sflag:$0x7] =	stream.indirect.gather [hbm4b:s1+s18], $0x80, s19, s18, $0xb8;
	[tilespmem:$0x11400] =	vst v63  }
0x32: {  	s10 =	simm.s32 $0x0  }
0x33: {  	[tilespmem:s31], [sflag:$0x8] =	stream.indirect.gather [hbm4b:s4+s18], $0x80, s20, s18, $0xb8;
	[tilespmem:$0x11400] =	vst v63  }
0x34: {  	v9 =	vld [tilespmem:s10+$0x170]  }
0x35: {  	v11 =	vld [tilespmem:s10+$0x4170]  }
0x36: {  	v17 =	vld [tilespmem:s10+$0x100]  }
0x37: {  	v19 =	vld [tilespmem:s10+$0x4100]  }
0x38: {  	v20 =	vld [tilespmem:s10+$0x110]  }
0x39: {  	v21 =	vld [tilespmem:s10+$0x4110]  }
0x3a: {  	v22 =	vld [tilespmem:s10+$0x120]  }
0x3b: {  	v23 =	vld [tilespmem:s10+$0x4120]  }
0x3c: {  	v24 =	vld [tilespmem:s10+$0x130]  }
0x3d: {  	v25 =	vld [tilespmem:s10+$0x4130];
	_ =	sdelay $0x1  }
0x3e: {  	v9 =	vadd.f32 v11, v9;
	v11 =	vadd.f32 v19, v17  }
0x3f: {  	v26 =	vld [tilespmem:s10+$0x140];
	v20 =	vadd.f32 v21, v20;
	v22 =	vadd.f32 v23, v22  }
0x40: {  	v27 =	vld [tilespmem:s10+$0x4140];
	v17 =	vmul.f32 v9, v9;
	v9 =	vadd.f32 v9, v8;
	v8 =	vmul.f32 v11, v11  }
0x41: {  	v19 =	vld [tilespmem:s10+$0x4150];
	v21 =	vadd.f32 v25, v24;
	v23 =	vmul.f32 v22, v22  }
0x42: {  	v10 =	vadd.f32 v17, v10;
	v17 =	vld [tilespmem:s10+$0x150];
	v12 =	vadd.f32 v8, v12;
	v8 =	vmul.f32 v20, v20  }
0x43: {  	v11 =	vadd.f32 v11, v18;
	v13 =	vadd.f32 v20, v13;
	v18 =	vld [tilespmem:s10+$0x160]  }
0x44: {  	s9 =	simm.s32 $0x80;
	v20 =	vld [tilespmem:s10+$0x4160];
	v15 =	vadd.f32 v23, v15;
	v14 =	vadd.f32 v8, v14  }
0x45: {  	s10 =	simm.s32 $0x400;
	v23 =	vmul.f32 v21, v21;
	v8 =	vadd.f32 v22, v16;
	v16 =	vld [tilespmem:s9+$0x170];
	v22 =	vadd.f32 v27, v26  }
.LBB2_3:
0x46: {  	p0 =	sne.s32 s10, $0xFE00;
	v24 =	vld [tilespmem:s9+$0x4170];
	v7 =	vadd.f32 v21, v7  }
0x47: {  	v21 =	vld [tilespmem:s9+$0x100];
	v5 =	vadd.f32 v23, v5;
	v23 =	vmul.f32 v22, v22;
	v17 =	vadd.f32 v19, v17  }
0x48: {  	v6 =	vadd.f32 v22, v6;
	v19 =	vld [tilespmem:s9+$0x4100]  }
0x49: {  	v22 =	vld [tilespmem:s9+$0x110];
	v4 =	vadd.f32 v23, v4;
	v23 =	vmul.f32 v17, v17;
	v18 =	vadd.f32 v20, v18  }
0x4a: {  	v3 =	vadd.f32 v17, v3;
	v20 =	vld [tilespmem:s9+$0x4110]  }
0x4b: {  	v17 =	vld [tilespmem:s9+$0x120];
	v16 =	vadd.f32 v24, v16;
	v2 =	vadd.f32 v23, v2;
	v23 =	vmul.f32 v18, v18  }
0x4c: {  	v1 =	vadd.f32 v18, v1;
	v24 =	vld [tilespmem:s9+$0x4120]  }
0x4d: {  	v18 =	vadd.f32 v19, v21;
	v21 =	vld [tilespmem:s9+$0x130];
	v19 =	vmul.f32 v16, v16;
	v0 =	vadd.f32 v23, v0  }
0x4e: {  	v9 =	vadd.f32 v16, v9;
	v23 =	vld [tilespmem:s9+$0x4130]  }
0x4f: {  	v16 =	vmul.f32 v18, v18;
	v20 =	vadd.f32 v20, v22;
	v22 =	vld [tilespmem:s9+$0x140];
	v10 =	vadd.f32 v19, v10  }
0x50: {  	v11 =	vadd.f32 v18, v11;
	v25 =	vld [tilespmem:s9+$0x4140]  }
.Ltmp0:
0x51: {  	v12 =	vadd.f32 v16, v12;
	v16 =	vmul.f32 v20, v20;
	v24 =	vadd.f32 v24, v17;
	v17 =	vld [tilespmem:s9+$0x150];
	(pc) =	sbr.rel @p0 .LBB2_3-.Ltmp0, $4  }
0x52: {  	v13 =	vadd.f32 v20, v13;
	v19 =	vld [tilespmem:s9+$0x4150]  }
0x53: {  	v14 =	vadd.f32 v16, v14;
	v26 =	vmul.f32 v24, v24;
	v21 =	vadd.f32 v23, v21;
	v18 =	vld [tilespmem:s9+$0x160]  }
0x54: {  	v8 =	vadd.f32 v24, v8;
	v20 =	vld [tilespmem:s9+$0x4160];
	s9 =	sshra.s32 s10, $0x2  }
0x55: {  	s10 =	sadd.s32 $0x200, s10;
	v16 =	vld [tilespmem:s9+$0x170];
	v15 =	vadd.f32 v26, v15;
	v23 =	vmul.f32 v21, v21;
	v22 =	vadd.f32 v25, v22  }
0x56: {  	v24 =	vld [tilespmem:s9+$0x4170]  }
0x57: {  	v25 =	vld [tilespmem:s9+$0x100]  }
0x58: {  	v26 =	vld [tilespmem:s9+$0x4100]  }
0x59: {  	v27 =	vld [tilespmem:s9+$0x110]  }
0x5a: {  	v28 =	vld [tilespmem:s9+$0x4110]  }
0x5b: {  	v29 =	vld [tilespmem:s9+$0x120]  }
0x5c: {  	v30 =	vld [tilespmem:s9+$0x4120]  }
0x5d: {  	v31 =	vld [tilespmem:s9+$0x130]  }
0x5e: {  	v32 =	vld [tilespmem:s9+$0x4130]  }
0x5f: {  	v33 =	vld [tilespmem:s9+$0x140]  }
0x60: {  	v34 =	vld [tilespmem:s9+$0x4140]  }
0x61: {  	v35 =	vld [tilespmem:s9+$0x150]  }
0x62: {  	v36 =	vld [tilespmem:s9+$0x4150];
	p0 =	seq.s32 s8, $0x26  }
0x63: {  	v37 =	vld [tilespmem:s9+$0x160];
	s10 =	simm.s32 @p0 $0x7  }
0x64: {  	v38 =	vld [tilespmem:s9+$0x4160];
	_ =	swait.ge @p0 [sflag:s10], $0x4000  }
0x65: {  	[sflag:s10] =	ssyncset.done @p0 $0x0  }
0x66: {  	s9 =	sshll.u32 s8, $0x8;
	[sflag:s10] =	ssyncadd.s32 @p0 $0xFFFFC000;
	s10 =	simm.s32 @p0 $0x8  }
0x67: {  	s13 =	sadd.s32 @!p0 s9, s11;
	_ =	swait.ge @p0 [sflag:s10], $0x4000  }
0x68: {  	s13 =	sshrl.u32 @!p0 s13, $0x3;
	[sflag:s10] =	ssyncset.done @p0 $0x0  }
0x69: {  	s14 =	simm.s32 @!p0 $0x0;
	[sflag:s10] =	ssyncadd.s32 @p0 $0xFFFFC000;
	s10 =	sadd.s32 @!p0 s6, s13  }
0x6a: {  	[tilespmem:s14], [sflag:$0x1] =	stream.linear.gather @!p0 [hbm4b:s10+s14], $0x80, $0x38;
	[tilespmem:$0x11400] =	vst v63  }
0x6b: {  	s10 =	sadd.s32 @!p0 s5, s13;
	s13 =	simm.s32 @!p0 $0x80  }
0x6c: {  	[tilespmem:s13], [sflag:$0x2] =	stream.linear.gather @!p0 [hbm4b:s10+s14], $0x80, $0x38;
	[tilespmem:$0x11400] =	vst v63  }
0x6d: {  	s10 =	simm.s32 @!p0 $0x7  }
0x6e: {  	_ =	swait.ge @!p0 [sflag:s10], $0x4000  }
0x6f: {  	[sflag:s10] =	ssyncset.done @!p0 $0x0  }
0x70: {  	[sflag:s10] =	ssyncadd.s32 @!p0 $0xFFFFC000;
	s10 =	simm.s32 @!p0 $0x8  }
0x71: {  	_ =	swait.ge @!p0 [sflag:s10], $0x4000  }
0x72: {  	[sflag:s10] =	ssyncset.done @!p0 $0x0  }
0x73: {  	[sflag:s10] =	ssyncadd.s32 @!p0 $0xFFFFC000;
	s10 =	simm.s32 @!p0 $0x1  }
0x74: {  	_ =	swait.ge @!p0 [sflag:s10], $0x80  }
0x75: {  	[sflag:s10] =	ssyncset.done @!p0 $0x0  }
0x76: {  	v7 =	vadd.f32 v21, v7;
	v17 =	vadd.f32 v19, v17;
	v19 =	vmul.f32 v22, v22;
	[sflag:s10] =	ssyncadd.s32 @!p0 $0xFFFFFF80;
	s10 =	simm.s32 @!p0 $0x2  }
0x77: {  	v5 =	vadd.f32 v23, v5;
	v18 =	vadd.f32 v20, v18;
	_ =	swait.ge @!p0 [sflag:s10], $0x80  }
0x78: {  	v6 =	vadd.f32 v22, v6;
	v4 =	vadd.f32 v19, v4;
	v19 =	vmul.f32 v17, v17;
	[sflag:s10] =	ssyncset.done @!p0 $0x0  }
0x79: {  	v17 =	vadd.f32 v17, v3;
	v3 =	vadd.f32 v24, v16;
	v16 =	vmul.f32 v18, v18;
	[sflag:s10] =	ssyncadd.s32 @!p0 $0xFFFFFF80;
	s10 =	simm.s32 @!p0 $0x100  }
0x7a: {  	v19 =	vadd.f32 v19, v2;
	v2 =	vadd.f32 v26, v25;
	[tilespmem:s10], [sflag:$0x3] =	stream.indirect.gather @!p0 [hbm4b:s1+s13], $0x80, s14, s13, $0xb8;
	[tilespmem:$0x11400] =	vst v63  }
0x7b: {  	v18 =	vadd.f32 v18, v1;
	v0 =	vadd.f32 v16, v0;
	v1 =	vmul.f32 v3, v3;
	s10 =	simm.s32 @!p0 $0x4100;
	s14 =	simm.s32 $0x0  }
0x7c: {  	v9 =	vadd.f32 v3, v9;
	v3 =	vadd.f32 v28, v27;
	v16 =	vmul.f32 v2, v2;
	[tilespmem:s10], [sflag:$0x4] =	stream.indirect.gather @!p0 [hbm4b:s4+s13], $0x80, s13, s13, $0xb8;
	[tilespmem:$0x11400] =	vst v63  }
0x7d: {  	v10 =	vadd.f32 v1, v10;
	v1 =	vadd.f32 v30, v29;
	v20 =	vld [tilespmem:s14+$0x8270]  }
0x7e: {  	v11 =	vadd.f32 v2, v11;
	v16 =	vadd.f32 v16, v12;
	v12 =	vld [tilespmem:s14+$0xC270]  }
0x7f: {  	v2 =	vmul.f32 v3, v3;
	v13 =	vadd.f32 v3, v13;
	v3 =	vmul.f32 v1, v1;
	v22 =	vld [tilespmem:s14+$0x8200]  }
0x80: {  	v21 =	vadd.f32 v32, v31;
	v23 =	vadd.f32 v34, v33;
	v57 =	vld [tilespmem:s14+$0xC200]  }
0x81: {  	v14 =	vadd.f32 v2, v14;
	v59 =	vadd.f32 v3, v15;
	v15 =	vld [tilespmem:s14+$0x8210]  }
0x82: {  	v58 =	vadd.f32 v1, v8;
	v2 =	vmul.f32 v21, v21;
	v1 =	vadd.f32 v21, v7;
	v21 =	vld [tilespmem:s14+$0xC210]  }
0x83: {  	v7 =	vmul.f32 v23, v23;
	v8 =	vadd.f32 v36, v35;
	v61 =	vld [tilespmem:s14+$0x8220]  }
0x84: {  	v60 =	vadd.f32 v38, v37;
	v3 =	vadd.f32 v23, v6;
	v23 =	vld [tilespmem:s14+$0xC220]  }
0x85: {  	v2 =	vadd.f32 v2, v5;
	v4 =	vadd.f32 v7, v4;
	v6 =	vmul.f32 v8, v8  }
0x86: {  	v5 =	vadd.f32 v8, v17;
	v8 =	vmul.f32 v60, v60;
	v7 =	vadd.f32 v60, v18;
	v17 =	vld [tilespmem:s14+$0x8230]  }
0x87: {  	v6 =	vadd.f32 v6, v19;
	v12 =	vadd.f32 v12, v20;
	v20 =	vld [tilespmem:s14+$0xC230]  }
0x88: {  	v0 =	vadd.f32 v8, v0;
	v62 =	vld [tilespmem:s14+$0xC240];
	v19 =	vadd.f32 v57, v22  }
0x89: {  	v22 =	vld [tilespmem:s14+$0x8240];
	v15 =	vadd.f32 v21, v15;
	v23 =	vadd.f32 v23, v61;
	v18 =	vmul.f32 v12, v12  }
0x8a: {  	v8 =	vadd.f32 v12, v9;
	v24 =	vmul.f32 v19, v19;
	v12 =	vadd.f32 v19, v11;
	v19 =	vld [tilespmem:s14+$0xC250]  }
0x8b: {  	v13 =	vadd.f32 v15, v13;
	v63 =	vmul.f32 v23, v23;
	v9 =	vadd.f32 v18, v10;
	v10 =	vld [tilespmem:s14+$0x8250]  }
0x8c: {  	v11 =	vadd.f32 v24, v16;
	v16 =	vmul.f32 v15, v15;
	v18 =	vld [tilespmem:s14+$0x8260];
	v21 =	vadd.f32 v20, v17  }
0x8d: {  	s10 =	simm.s32 $0x80;
	v15 =	vadd.f32 v23, v58;
	v20 =	vld [tilespmem:s14+$0xC260];
	v17 =	vadd.f32 v63, v59  }
0x8e: {  	s13 =	simm.s32 $0x400;
	v22 =	vadd.f32 v62, v22;
	v14 =	vadd.f32 v16, v14;
	v16 =	vld [tilespmem:s10+$0x8270];
	v23 =	vmul.f32 v21, v21  }
.LBB2_5:
0x8f: {  	p1 =	sne.s32 s13, $0xFE00;
	v24 =	vld [tilespmem:s10+$0xC270];
	v1 =	vadd.f32 v21, v1  }
0x90: {  	v21 =	vld [tilespmem:s10+$0x8200];
	v2 =	vadd.f32 v23, v2;
	v23 =	vmul.f32 v22, v22;
	v10 =	vadd.f32 v19, v10  }
0x91: {  	v3 =	vadd.f32 v22, v3;
	v19 =	vld [tilespmem:s10+$0xC200]  }
0x92: {  	v22 =	vld [tilespmem:s10+$0x8210];
	v4 =	vadd.f32 v23, v4;
	v23 =	vmul.f32 v10, v10;
	v18 =	vadd.f32 v20, v18  }
0x93: {  	v5 =	vadd.f32 v10, v5;
	v20 =	vld [tilespmem:s10+$0xC210]  }
0x94: {  	v10 =	vld [tilespmem:s10+$0x8220];
	v16 =	vadd.f32 v24, v16;
	v6 =	vadd.f32 v23, v6;
	v23 =	vmul.f32 v18, v18  }
0x95: {  	v7 =	vadd.f32 v18, v7;
	v24 =	vld [tilespmem:s10+$0xC220]  }
0x96: {  	v18 =	vadd.f32 v19, v21;
	v21 =	vld [tilespmem:s10+$0x8230];
	v19 =	vmul.f32 v16, v16;
	v0 =	vadd.f32 v23, v0  }
0x97: {  	v8 =	vadd.f32 v16, v8;
	v23 =	vld [tilespmem:s10+$0xC230]  }
0x98: {  	v16 =	vmul.f32 v18, v18;
	v20 =	vadd.f32 v20, v22;
	v22 =	vld [tilespmem:s10+$0x8240];
	v9 =	vadd.f32 v19, v9  }
0x99: {  	v12 =	vadd.f32 v18, v12;
	v25 =	vld [tilespmem:s10+$0xC240]  }
.Ltmp1:
0x9a: {  	v11 =	vadd.f32 v16, v11;
	v16 =	vmul.f32 v20, v20;
	v24 =	vadd.f32 v24, v10;
	v10 =	vld [tilespmem:s10+$0x8250];
	(pc) =	sbr.rel @p1 .LBB2_5-.Ltmp1, $4  }
0x9b: {  	v13 =	vadd.f32 v20, v13;
	v19 =	vld [tilespmem:s10+$0xC250]  }
0x9c: {  	v14 =	vadd.f32 v16, v14;
	v26 =	vmul.f32 v24, v24;
	v21 =	vadd.f32 v23, v21;
	v18 =	vld [tilespmem:s10+$0x8260]  }
0x9d: {  	v15 =	vadd.f32 v24, v15;
	v20 =	vld [tilespmem:s10+$0xC260];
	s10 =	sshra.s32 s13, $0x2  }
0x9e: {  	s13 =	sadd.s32 $0x200, s13;
	v16 =	vld [tilespmem:s10+$0x8270];
	v17 =	vadd.f32 v26, v17;
	v23 =	vmul.f32 v21, v21;
	v22 =	vadd.f32 v25, v22  }
0x9f: {  	v24 =	vld [tilespmem:s10+$0xC270]  }
0xa0: {  	v25 =	vld [tilespmem:s10+$0x8200]  }
0xa1: {  	v26 =	vld [tilespmem:s10+$0xC200]  }
0xa2: {  	v27 =	vld [tilespmem:s10+$0x8210]  }
0xa3: {  	v28 =	vld [tilespmem:s10+$0xC210]  }
0xa4: {  	v29 =	vld [tilespmem:s10+$0x8220]  }
0xa5: {  	v30 =	vld [tilespmem:s10+$0xC220]  }
0xa6: {  	v58 =	vld [tilespmem:s10+$0x8240];
	v10 =	vadd.f32 v19, v10  }
0xa7: {  	v1 =	vadd.f32 v21, v1;
	v60 =	vld [tilespmem:s10+$0x8250];
	v56 =	vmul.f32 v22, v22;
	v2 =	vadd.f32 v23, v2  }
0xa8: {  	v62 =	vld [tilespmem:s10+$0xC250];
	v3 =	vadd.f32 v22, v3;
	v18 =	vadd.f32 v20, v18;
	v57 =	vmul.f32 v10, v10  }
0xa9: {  	v63 =	vld [tilespmem:s10+$0x8260];
	v4 =	vadd.f32 v56, v4;
	v59 =	vadd.f32 v10, v5  }
0xaa: {  	v19 =	vld [tilespmem:s10+$0x8230];
	v5 =	vadd.f32 v24, v16;
	v10 =	vmul.f32 v18, v18;
	v21 =	vadd.f32 v57, v6  }
0xab: {  	v20 =	vld [tilespmem:s10+$0xC230];
	v6 =	vadd.f32 v26, v25;
	v61 =	vadd.f32 v18, v7  }
0xac: {  	v16 =	vld [tilespmem:s10+$0xC240];
	v27 =	vadd.f32 v28, v27;
	v7 =	vmul.f32 v5, v5;
	v0 =	vadd.f32 v10, v0  }
0xad: {  	v8 =	vadd.f32 v5, v8;
	v5 =	vmul.f32 v6, v6;
	v18 =	vadd.f32 v6, v12;
	v6 =	vld [tilespmem:s10+$0xC260]  }
0xae: {  	v13 =	vadd.f32 v27, v13;
	v10 =	vadd.f32 v7, v9  }
0xaf: {  	v12 =	vadd.f32 v5, v11;
	v5 =	vadd.f32 v30, v29;
	v7 =	vmul.f32 v27, v27  }
0xb0: {  	v9 =	vadd.f32 v20, v19;
	v19 =	vadd.f32 v62, v60  }
0xb1: {  	v11 =	vadd.f32 v16, v58;
	v14 =	vadd.f32 v7, v14;
	v7 =	vmul.f32 v5, v5  }
0xb2: {  	v16 =	vadd.f32 v5, v15;
	v20 =	vadd.f32 v6, v63  }
.Ltmp2:
0xb3: {  	v5 =	vmul.f32 v9, v9;
	v6 =	vadd.f32 v11, v3;
	v15 =	vadd.f32 v7, v17;
	(pc) =	sbr.rel @p0 .LBB2_8-.Ltmp2, $4  }
0xb4: {  	v17 =	vmul.f32 v11, v11;
	v7 =	vadd.f32 v9, v1;
	v1 =	vmul.f32 v19, v19  }
0xb5: {  	v3 =	vadd.f32 v19, v59;
	v5 =	vadd.f32 v5, v2;
	v9 =	vmul.f32 v20, v20  }
0xb6: {  	v4 =	vadd.f32 v17, v4;
	v2 =	vadd.f32 v1, v21  }
0xb7: {  	v1 =	vadd.f32 v20, v61;
	v0 =	vadd.f32 v9, v0  }
0xb8: {  	s9 =	sadd.s32 s9, s12  }
.Ltmp3:
0xb9: {  	s9 =	sshrl.u32 s9, $0x3;
	(pc) =	sbr.rel .LBB2_2-.Ltmp3, $4  }
0xba: {  	s10 =	sadd.s32 s6, s9  }
0xbb: {  	[tilespmem:s19], [sflag:$0x5] =	stream.linear.gather [hbm4b:s10+s3], $0x80, $0x38;
	[tilespmem:$0x11400] =	vst v63  }
0xbc: {  	s8 =	sadd.s32 $0x1, s8;
	s9 =	sadd.s32 s5, s9  }
0xbd: {  	[tilespmem:s20], [sflag:$0x6] =	stream.linear.gather [hbm4b:s9+s3], $0x80, $0x38;
	[tilespmem:$0x11400] =	vst v63  }
.LBB2_8:
0xbe: {  	s8 =	simm.s32 $0x0;
	s9 =	rddreg [dreg:$0x7]  }
0xbf: {  	[tilespmem:s0], [sflag:$0x9] =	stream.linear.gather [hbm4b:s9+s8], $0x10, $0x38;
	[tilespmem:$0x11400] =	vst v63  }
0xc0: {  	_ =	swait.ge [sflag:s2], $0x10  }
0xc1: {  	[sflag:s2] =	ssyncset.done $0x0  }
0xc2: {  	s14 =	rddreg [dreg:$0x8];
	[sflag:s2] =	ssyncadd.s32 $0xFFFFFFF0  }
0xc3: {  	[tilespmem:s23], [sflag:$0x9] =	stream.linear.gather [hbm4b:s14+s8], $0x10, $0x38;
	[tilespmem:$0x11400] =	vst v63  }
0xc4: {  	_ =	swait.ge [sflag:s2], $0x10  }
0xc5: {  	[sflag:s2] =	ssyncset.done $0x0  }
0xc6: {  	s10 =	simm.s32 $0x10300;
	[sflag:s2] =	ssyncadd.s32 $0xFFFFFFF0  }
0xc7: {  	[tilespmem:s10], [sflag:$0x9] =	stream.indirect.gather [hbm4b:s1+s24], $0x80, s0, s24, $0xb8;
	[tilespmem:$0x11400] =	vst v63  }
0xc8: {  	_ =	swait.ge [sflag:s2], $0x800  }
0xc9: {  	[sflag:s2] =	ssyncset.done $0x0  }
0xca: {  	s13 =	simm.s32 $0x10B00;
	[sflag:s2] =	ssyncadd.s32 $0xFFFFF800  }
0xcb: {  	[tilespmem:s13], [sflag:$0x9] =	stream.indirect.gather [hbm4b:s4+s24], $0x80, s23, s24, $0xb8;
	[tilespmem:$0x11400] =	vst v63  }
0xcc: {  	_ =	swait.ge [sflag:s2], $0x800  }
0xcd: {  	[sflag:s2] =	ssyncset.done $0x0  }
0xce: {  	s14 =	simm.s32 $0x0;
	[sflag:s2] =	ssyncadd.s32 $0xFFFFF800  }
0xcf: {  	v9 =	vld [tilespmem:s14+$0x10370]  }
0xd0: {  	v11 =	vld [tilespmem:s14+$0x10B70]  }
0xd1: {  	v17 =	vld [tilespmem:s14+$0x10300]  }
0xd2: {  	v19 =	vld [tilespmem:s14+$0x10B00]  }
0xd3: {  	v20 =	vld [tilespmem:s14+$0x10310]  }
0xd4: {  	v21 =	vld [tilespmem:s14+$0x10B10]  }
0xd5: {  	v22 =	vld [tilespmem:s14+$0x10320]  }
0xd6: {  	v23 =	vld [tilespmem:s14+$0x10B20];
	_ =	sdelay $0x1  }
0xd7: {  	v9 =	vadd.f32 v11, v9;
	v11 =	vld [tilespmem:s14+$0x10330]  }
0xd8: {  	v17 =	vadd.f32 v19, v17;
	v19 =	vld [tilespmem:s14+$0x10B30]  }
0xd9: {  	v25 =	vld [tilespmem:s14+$0x10340];
	v27 =	vadd.f32 v21, v20  }
0xda: {  	v28 =	vld [tilespmem:s14+$0x10B40];
	v23 =	vadd.f32 v23, v22;
	v24 =	vmul.f32 v9, v9;
	v26 =	vmul.f32 v17, v17  }
0xdb: {  	v20 =	vld [tilespmem:s14+$0x10350];
	v8 =	vadd.f32 v9, v8;
	v18 =	vadd.f32 v17, v18  }
0xdc: {  	v21 =	vld [tilespmem:s14+$0x10B50];
	v9 =	vadd.f32 v24, v10;
	v17 =	vadd.f32 v26, v12;
	v12 =	vmul.f32 v27, v27  }
0xdd: {  	v63 =	vmul.f32 v23, v23;
	v10 =	vadd.f32 v27, v13;
	v22 =	vadd.f32 v19, v11;
	v19 =	vld [tilespmem:s14+$0x10360]  }
0xde: {  	s8 =	simm.s32 $0x80;
	v11 =	vadd.f32 v23, v16;
	v16 =	vld [tilespmem:s14+$0x10B60];
	v13 =	vadd.f32 v12, v14  }
0xdf: {  	s9 =	simm.s32 $0x400;
	v14 =	vld [tilespmem:s8+$0x10370];
	v12 =	vadd.f32 v63, v15;
	v15 =	vadd.f32 v28, v25;
	v23 =	vmul.f32 v22, v22  }
.LBB2_9:
0xe0: {  	p0 =	sne.s32 s9, $0x1E00;
	v24 =	vld [tilespmem:s8+$0x10B70];
	v7 =	vadd.f32 v22, v7  }
0xe1: {  	v22 =	vld [tilespmem:s8+$0x10300];
	v5 =	vadd.f32 v23, v5;
	v23 =	vmul.f32 v15, v15;
	v20 =	vadd.f32 v21, v20  }
0xe2: {  	v6 =	vadd.f32 v15, v6;
	v21 =	vld [tilespmem:s8+$0x10B00]  }
0xe3: {  	v15 =	vld [tilespmem:s8+$0x10310];
	v4 =	vadd.f32 v23, v4;
	v23 =	vmul.f32 v20, v20;
	v16 =	vadd.f32 v16, v19  }
0xe4: {  	v3 =	vadd.f32 v20, v3;
	v19 =	vld [tilespmem:s8+$0x10B10]  }
0xe5: {  	v20 =	vld [tilespmem:s8+$0x10320];
	v14 =	vadd.f32 v24, v14;
	v2 =	vadd.f32 v23, v2;
	v23 =	vmul.f32 v16, v16  }
0xe6: {  	v1 =	vadd.f32 v16, v1;
	v24 =	vld [tilespmem:s8+$0x10B20]  }
0xe7: {  	v16 =	vadd.f32 v21, v22;
	v22 =	vld [tilespmem:s8+$0x10330];
	v21 =	vmul.f32 v14, v14;
	v0 =	vadd.f32 v23, v0  }
0xe8: {  	v8 =	vadd.f32 v14, v8;
	v23 =	vld [tilespmem:s8+$0x10B30]  }
0xe9: {  	v14 =	vmul.f32 v16, v16;
	v15 =	vadd.f32 v19, v15;
	v25 =	vld [tilespmem:s8+$0x10340];
	v9 =	vadd.f32 v21, v9  }
0xea: {  	v18 =	vadd.f32 v16, v18;
	v26 =	vld [tilespmem:s8+$0x10B40]  }
.Ltmp4:
0xeb: {  	v17 =	vadd.f32 v14, v17;
	v14 =	vmul.f32 v15, v15;
	v16 =	vadd.f32 v24, v20;
	v20 =	vld [tilespmem:s8+$0x10350];
	(pc) =	sbr.rel @p0 .LBB2_9-.Ltmp4, $4  }
0xec: {  	v10 =	vadd.f32 v15, v10;
	v21 =	vld [tilespmem:s8+$0x10B50]  }
0xed: {  	v13 =	vadd.f32 v14, v13;
	v15 =	vmul.f32 v16, v16;
	v22 =	vadd.f32 v23, v22;
	v19 =	vld [tilespmem:s8+$0x10360]  }
0xee: {  	v11 =	vadd.f32 v16, v11;
	v16 =	vld [tilespmem:s8+$0x10B60];
	s8 =	sshra.s32 s9, $0x2  }
0xef: {  	s9 =	sadd.s32 $0x200, s9;
	v14 =	vld [tilespmem:s8+$0x10370];
	v12 =	vadd.f32 v15, v12;
	v23 =	vmul.f32 v22, v22;
	v15 =	vadd.f32 v26, v25  }
0xf0: {  	v25 =	vld [tilespmem:s8+$0x10300]  }
0xf1: {  	v26 =	vld [tilespmem:s8+$0x10B00]  }
0xf2: {  	v27 =	vld [tilespmem:s8+$0x10310]  }
0xf3: {  	v28 =	vld [tilespmem:s8+$0x10B10]  }
0xf4: {  	v29 =	vld [tilespmem:s8+$0x10320]  }
0xf5: {  	v30 =	vld [tilespmem:s8+$0x10B20]  }
0xf6: {  	v31 =	vld [tilespmem:s8+$0x10330]  }
0xf7: {  	v32 =	vld [tilespmem:s8+$0x10B30]  }
0xf8: {  	v33 =	vld [tilespmem:s8+$0x10340]  }
0xf9: {  	v39 =	vld [tilespmem:s8+$0x10B40]  }
0xfa: {  	v41 =	vld [tilespmem:s8+$0x10350]  }
0xfb: {  	v7 =	vadd.f32 v22, v7;
	v44 =	vld [tilespmem:s8+$0x10B50];
	v20 =	vadd.f32 v21, v20  }
0xfc: {  	v45 =	vld [tilespmem:s8+$0x10360];
	v6 =	vadd.f32 v15, v6;
	v16 =	vadd.f32 v16, v19  }
0xfd: {  	v48 =	vld [tilespmem:s8+$0x10B60];
	v3 =	vadd.f32 v20, v3;
	v38 =	vadd.f32 v26, v25  }
0xfe: {  	v43 =	vadd.f32 v28, v27;
	v47 =	vadd.f32 v30, v29  }
0xff: {  	v24 =	vld [tilespmem:s8+$0x10B70];
	v49 =	vadd.f32 v32, v31;
	v18 =	vadd.f32 v38, v18  }
0x100: {  	v53 =	vadd.f32 v39, v33;
	v10 =	vadd.f32 v43, v10  }
0x101: {  	v56 =	vadd.f32 v44, v41;
	v11 =	vadd.f32 v47, v11;
	[tilespmem:$0x11300] =	vst v18  }
0x102: {  	v59 =	vadd.f32 v48, v45;
	v7 =	vadd.f32 v49, v7;
	[tilespmem:$0x11310] =	vst v10  }
0x103: {  	v1 =	vadd.f32 v16, v1;
	v6 =	vadd.f32 v53, v6;
	[tilespmem:$0x11320] =	vst v11  }
0x104: {  	v14 =	vadd.f32 v24, v14;
	v3 =	vadd.f32 v56, v3;
	[tilespmem:$0x11330] =	vst v7  }
0x105: {  	v40 =	vmul.f32 v15, v15;
	v42 =	vmul.f32 v38, v38;
	v1 =	vadd.f32 v59, v1;
	[tilespmem:$0x11340] =	vst v6  }
0x106: {  	v5 =	vadd.f32 v23, v5;
	v46 =	vmul.f32 v43, v43;
	v62 =	vadd.f32 v14, v8;
	[tilespmem:$0x11350] =	vst v3  }
0x107: {  	v4 =	vadd.f32 v40, v4;
	v50 =	vmul.f32 v47, v47;
	v15 =	vadd.f32 v42, v17;
	[tilespmem:$0x11360] =	vst v1  }
0x108: {  	v54 =	vmul.f32 v20, v20;
	v52 =	vmul.f32 v49, v49;
	v13 =	vadd.f32 v46, v13;
	[tilespmem:$0x11370] =	vst v62  }
0x109: {  	v57 =	vmul.f32 v16, v16;
	v55 =	vmul.f32 v53, v53;
	v51 =	vadd.f32 v50, v12;
	[tilespmem:$0x11380] =	vst v15  }
0x10a: {  	v2 =	vadd.f32 v54, v2;
	v58 =	vmul.f32 v56, v56;
	v5 =	vadd.f32 v52, v5;
	[tilespmem:$0x11390] =	vst v13  }
0x10b: {  	v0 =	vadd.f32 v57, v0;
	v60 =	vmul.f32 v59, v59;
	v4 =	vadd.f32 v55, v4;
	[tilespmem:$0x113A0] =	vst v51  }
0x10c: {  	v61 =	vmul.f32 v14, v14;
	v2 =	vadd.f32 v58, v2;
	[tilespmem:$0x113B0] =	vst v5  }
0x10d: {  	v0 =	vadd.f32 v60, v0;
	[tilespmem:$0x113C0] =	vst v4  }
0x10e: {  	v63 =	vadd.f32 v61, v9;
	[tilespmem:$0x113D0] =	vst v2  }
0x10f: {  	[tilespmem:$0x113E0] =	vst v0  }
0x110: {  	s13 =	simm.s32 $0x11300;
	[tilespmem:$0x113F0] =	vst v63  }
0x111: {  	[hbm4b:s15+s3] =	stream.linear.scatter [tilespmem:s13], [sflag:$0x9], $0x80, $0x38;
	[tilespmem:$0x11400] =	vst v63  }
0x112: {  	s7 =	sadd.s32 $0x1, s7;
	_ =	swait.ge [sflag:s2], $0x80  }
0x113: {  	p0 =	sne.s32 s7, s17;
	[sflag:s2] =	ssyncset.done $0x0  }
.Ltmp5:
0x114: {  	s14 =	simm.s32 $0x11380;
	[sflag:s2] =	ssyncadd.s32 $0xFFFFFF80;
	(pc) =	sbr.rel @p0 .LBB2_1-.Ltmp5, $4  }
0x115: {  	[hbm4b:s16+s3] =	stream.linear.scatter [tilespmem:s14], [sflag:$0x9], $0x80, $0x38;
	[tilespmem:$0x11400] =	vst v63  }
0x116: {  	_ =	swait.ge [sflag:s2], $0x80  }
0x117: {  	[sflag:s2] =	ssyncset.done $0x0  }
0x118: {  	[sflag:s2] =	ssyncadd.s32 $0xFFFFFF80  }
0x119: {  	_ =	sfence.sel $0x180000  }
0x11a: {  	[bflag:$0x0] =	sbarrier.arrive $0xFFFF  }
0x11b: {  	_ =	strace $0x90000047  }
0x11c: {  	s0 =	stileid.u32;
	[bflag:$0x2] =	sbarrier.arrive $0xFFFF  }
0x11d: {  	p0 =	sne.s32 s0, $0x0;
	s0 =	rddreg [dreg:$0x2]  }
0x11e: {  	s0 =	sadd.s32 @!p0 $0x100000, s0  }
0x11f: {  	[sflag:s0] =	ssyncadd.tile.s32 @!p0 $0x1;
	_ =	shalt  }
.Lfunc_end2:
_tile_overlayer_lowered:
.L_overlay_start_2:
0x120: {  	(tag) =	ssettag $0x2  }
0x121: {  	s0 =	rddreg [dreg:$0x0];
	s2 =	stileid.u32  }
0x122: {  	s1 =	rddreg [dreg:$0x1];
	p0 =	sne.s32 s2, $0x0  }
0x123: {  	s3 =	rddreg [dreg:$0x2];
	[bflag:$0x3] =	sbarrier.arrive $0xFFFF;
	s2 =	simm.s32 @!p0 $0x1C09  }
0x124: {  	[timem:s3], [sflag:s2] =	dma.local @!p0 [hbm:s0], s1  }
0x125: {  	s0 =	simm.s32 @!p0 $0x9  }
0x126: {  	_ =	swait.ge @!p0 [sflag:s0], s1  }
0x127: {  	s1 =	ssub.s32 @!p0 $0x0, s1;
	[sflag:s0] =	ssyncset.done @!p0 $0x0  }
0x128: {  	[sflag:s0] =	ssyncadd.s32 @!p0 s1  }
0x129: {  	[bflag:$0x3] =	sbarrier.arrive $0xFFFF  }
0x12a: {  	_ =	shalt  }

</sc_bundles>
